<compile_context>
chip_gen: v7x
topology: tpu7x:2x2x1
jax: 0.10.2.dev20260603
libtpu: 0.0.44.dev20260713+nightly
codegen_flags: <defaults>
</compile_context>

<pallas_src>
import functools

import jax
import jax.numpy as jnp
from jax import lax
from jax.experimental import pallas as pl
from jax.experimental.pallas import tpu as pltpu
from jax.experimental.pallas import tpu_sc as plsc

N = 10000
D = 128
CLS = 16

NC = 2
NS = 16
NW = NC * NS

NP = 10240
E = 320000
CH = 128
NCHUNK = 80
NBUF = 4
EPT = CH * NCHUNK
EP = EPT * NW
RPW = NP // NS

_MESH = dict(core_axis_name="c", subcore_axis_name="s")


def _fill_const(ref, rows, width, value, dtype=jnp.float32):
    lanes = 32 if dtype == jnp.bfloat16 else 16

    def body(i, _):
        for j in range(width // lanes):
            ref[i, pl.ds(j * lanes, lanes)] = jnp.full((lanes,), value, dtype)
        return 0
    lax.fori_loop(0, rows, body, 0)


def _sc_degrees(srcp2, dstp2):
    @functools.partial(
        pl.kernel,
        out_type=jax.ShapeDtypeStruct((NC, 2, NP, 16), jnp.float32),
        mesh=plsc.VectorSubcoreMesh(**_MESH),
        scratch_types=[
            pltpu.VMEM_SHARED((NP, 16), jnp.float32),
            pltpu.VMEM_SHARED((NP, 16), jnp.float32),
            pltpu.VMEM((NCHUNK, CH), jnp.int32),
            pltpu.VMEM((NCHUNK, CH), jnp.int32),
            pltpu.VMEM((CH, 16), jnp.float32),
            pltpu.VMEM((RPW, 16), jnp.float32),
        ] + [pltpu.SemaphoreType.DMA] * NBUF,
        compiler_params=pltpu.CompilerParams(use_tc_tiling_on_sc=False),
    )
    def deg_kernel(src_hbm, dst_hbm, out_hbm, acc_s, acc_d, sidx, didx,
                   ones_v, zer_v, *sems):
        c = lax.axis_index("c")
        s = lax.axis_index("s")
        wid = c * NS + s
        _fill_const(ones_v, CH, 16, 1.0)
        _fill_const(zer_v, RPW, 16, 0.0)
        pltpu.sync_copy(src_hbm.at[pl.ds(wid * NCHUNK, NCHUNK)], sidx)
        pltpu.sync_copy(dst_hbm.at[pl.ds(wid * NCHUNK, NCHUNK)], didx)
        pltpu.sync_copy(zer_v, acc_s.at[pl.ds(s * RPW, RPW)])
        pltpu.sync_copy(zer_v, acc_d.at[pl.ds(s * RPW, RPW)])
        plsc.subcore_barrier()

        def fire(k, b):
            pltpu.async_copy(ones_v, acc_s.at[sidx.at[k]], sems[b], add=True)
            pltpu.async_copy(ones_v, acc_d.at[didx.at[k]], sems[b], add=True)

        def drain(k, b):
            pltpu.make_async_copy(ones_v, acc_s.at[sidx.at[k]], sems[b]).wait()
            pltpu.make_async_copy(ones_v, acc_d.at[didx.at[k]], sems[b]).wait()

        for b in range(NBUF):
            fire(b, b)

        def step(kk, _):
            for b in range(NBUF):
                k = kk * NBUF + b
                drain(k, b)
                fire(k + NBUF, b)
            return 0

        lax.fori_loop(0, NCHUNK // NBUF - 1, step, 0)
        for b in range(NBUF):
            drain(NCHUNK - NBUF + b, b)
        plsc.subcore_barrier()
        pltpu.sync_copy(acc_s.at[pl.ds(s * RPW, RPW)],
                        out_hbm.at[c, 0, pl.ds(s * RPW, RPW)])
        pltpu.sync_copy(acc_d.at[pl.ds(s * RPW, RPW)],
                        out_hbm.at[c, 1, pl.ds(s * RPW, RPW)])

    return deg_kernel(srcp2, dstp2)


NCH2 = EP // CH // NS
HW = D // 2


def _ring_pipeline(tab_hbm, acc, sidx, didx, rows, sems, nch):
    def g(k, b):
        pltpu.async_copy(tab_hbm.at[sidx.at[k]], rows[b], sems[b])

    def sct(k, b):
        pltpu.async_copy(rows[b], acc.at[didx.at[k]], sems[b], add=True)

    def w(b):
        pltpu.make_async_copy(tab_hbm.at[sidx.at[0]], rows[b], sems[b]).wait()

    g(0, 0); g(1, 1)
    g(2, 2); g(3, 3)
    w(0); w(1)
    sct(0, 0); sct(1, 1)

    def body(rr, _):
        for bank in (0, 1):
            r = 2 * rr + bank
            a = (0, 1) if bank == 0 else (2, 3)
            bb = (2, 3) if bank == 0 else (0, 1)
            w(a[0]); w(a[1])
            g(2 * r, a[0]); g(2 * r + 1, a[1])
            w(bb[0]); w(bb[1])
            sct(2 * (r - 1), bb[0]); sct(2 * (r - 1) + 1, bb[1])
        return 0

    lax.fori_loop(1, nch // 4, body, 0)
    last = nch // 2 - 1
    w(2); w(3)
    sct(2 * last, 2); sct(2 * last + 1, 3)
    w(0); w(1)
    w(2); w(3)


def _sc_scatter_cols(table2, srcb, dstp2):
    @functools.partial(
        pl.kernel,
        out_type=jax.ShapeDtypeStruct((NC, NP, HW), jnp.bfloat16),
        mesh=plsc.VectorSubcoreMesh(**_MESH),
        scratch_types=[
            pltpu.VMEM_SHARED((NP, HW), jnp.bfloat16),
            pltpu.VMEM((NCH2, CH), jnp.int32),
            pltpu.VMEM((NCH2, CH), jnp.int32),
        ] + [pltpu.VMEM((CH, HW), jnp.bfloat16)] * NBUF + [
            pltpu.VMEM((64, HW), jnp.bfloat16),
        ] + [pltpu.SemaphoreType.DMA] * NBUF,
        compiler_params=pltpu.CompilerParams(use_tc_tiling_on_sc=False),
    )
    def scat_kernel(tab_hbm, src_hbm, dst_hbm, out_hbm,
                    acc, sidx, didx, *rest):
        rows = rest[:NBUF]
        zer_v = rest[NBUF]
        sems = rest[NBUF + 1:]
        c = lax.axis_index("c")
        s = lax.axis_index("s")
        pltpu.sync_copy(src_hbm.at[c, pl.ds(s * NCH2, NCH2)], sidx)
        pltpu.sync_copy(dst_hbm.at[pl.ds(s * NCH2, NCH2)], didx)
        _fill_const(zer_v, 64, HW, 0.0, jnp.bfloat16)
        for r in range(RPW // 64):
            pltpu.sync_copy(zer_v, acc.at[pl.ds(s * RPW + r * 64, 64)])
        plsc.subcore_barrier()
        _ring_pipeline(tab_hbm, acc, sidx, didx, rows, sems, NCH2)
        plsc.subcore_barrier()
        pltpu.sync_copy(acc.at[pl.ds(s * RPW, RPW)],
                        out_hbm.at[c, pl.ds(s * RPW, RPW)])

    return scat_kernel(table2, srcb, dstp2)


def _sc_scatter16(table, srcp2, dstp2):
    @functools.partial(
        pl.kernel,
        out_type=jax.ShapeDtypeStruct((NC, NP, CLS), jnp.float32),
        mesh=plsc.VectorSubcoreMesh(**_MESH),
        scratch_types=[
            pltpu.VMEM_SHARED((NP, CLS), jnp.float32),
            pltpu.VMEM((NCHUNK, CH), jnp.int32),
            pltpu.VMEM((NCHUNK, CH), jnp.int32),
        ] + [pltpu.VMEM((CH, CLS), jnp.float32)] * NBUF + [
            pltpu.VMEM((RPW, CLS), jnp.float32),
        ] + [pltpu.SemaphoreType.DMA] * NBUF,
        compiler_params=pltpu.CompilerParams(use_tc_tiling_on_sc=False),
    )
    def scat_kernel(tab_hbm, src_hbm, dst_hbm, out_hbm,
                    acc, sidx, didx, *rest):
        rows = rest[:NBUF]
        zer_v = rest[NBUF]
        sems = rest[NBUF + 1:]
        c = lax.axis_index("c")
        s = lax.axis_index("s")
        wid = c * NS + s
        pltpu.sync_copy(src_hbm.at[pl.ds(wid * NCHUNK, NCHUNK)], sidx)
        pltpu.sync_copy(dst_hbm.at[pl.ds(wid * NCHUNK, NCHUNK)], didx)
        _fill_const(zer_v, RPW, CLS, 0.0)
        pltpu.sync_copy(zer_v, acc.at[pl.ds(s * RPW, RPW)])
        plsc.subcore_barrier()
        _ring_pipeline(tab_hbm, acc, sidx, didx, rows, sems, NCHUNK)
        plsc.subcore_barrier()
        pltpu.sync_copy(acc.at[pl.ds(s * RPW, RPW)],
                        out_hbm.at[c, pl.ds(s * RPW, RPW)])

    return scat_kernel(table, srcp2, dstp2)


def _norm(deg_ref, which):
    d = deg_ref[0, which, :, 0:1] + deg_ref[1, which, :, 0:1]
    return lax.rsqrt(jnp.maximum(d, 1.0))


def _tc_m1(x, W1, degs):
    def body(x_ref, w_ref, deg_ref, o_ref):
        y = jnp.dot(x_ref[...], w_ref[...], preferred_element_type=jnp.float32)
        d = deg_ref[0, 0, :, 0:1] + deg_ref[1, 0, :, 0:1]
        ns = lax.rsqrt(jnp.maximum(d, 1.0))[:N]
        yb = (y * ns).astype(jnp.bfloat16)
        zpad = jnp.zeros((NP - N, HW), jnp.bfloat16)
        o_ref[pl.ds(0, N)] = yb[:, :HW]
        o_ref[pl.ds(N, NP - N)] = zpad
        o_ref[pl.ds(NP, N)] = yb[:, HW:]
        o_ref[pl.ds(NP + N, NP - N)] = zpad
    return pl.pallas_call(
        body,
        out_shape=jax.ShapeDtypeStruct((2 * NP, HW), jnp.bfloat16),
    )(x, W1, degs)


def _tc_m2(p, degs, b1, W2):
    def body(p_ref, deg_ref, b1_ref, w2_ref, o_ref):
        agg = jnp.concatenate([p_ref[0], p_ref[1]], axis=-1).astype(jnp.float32)
        h = jnp.maximum(agg * _norm(deg_ref, 1) + b1_ref[...], 0.0)
        h = h * _norm(deg_ref, 0)
        m2 = jnp.dot(h, w2_ref[...], preferred_element_type=jnp.float32)
        rowid = lax.broadcasted_iota(jnp.int32, (NP, 1), 0)
        o_ref[...] = jnp.where(rowid < N, m2, 0.0)
    return pl.pallas_call(
        body,
        out_shape=jax.ShapeDtypeStruct((NP, CLS), jnp.float32),
    )(p, degs, b1, W2)


def _tc_out(q, degs, b2):
    def body(q_ref, deg_ref, b2_ref, o_ref):
        agg = q_ref[0, :N] + q_ref[1, :N]
        d = deg_ref[0, 1, :, 0:1] + deg_ref[1, 1, :, 0:1]
        nd = lax.rsqrt(jnp.maximum(d, 1.0))[:N]
        o = agg * nd + b2_ref[...]
        m = jnp.max(o, axis=-1, keepdims=True)
        e = jnp.exp(o - m)
        o_ref[...] = e / jnp.sum(e, axis=-1, keepdims=True)
    return pl.pallas_call(
        body,
        out_shape=jax.ShapeDtypeStruct((N, CLS), jnp.float32),
    )(q, degs, b2)


def kernel(x, edge_index, W1, b1, W2, b2):
    pad = jnp.full((EP - E,), N, jnp.int32)
    srcp = jnp.reshape(jnp.concatenate([edge_index[0], pad]), (EP // CH, CH))
    dstp = jnp.reshape(jnp.concatenate([edge_index[1], pad]), (EP // CH, CH))

    srcb = jnp.stack([srcp, srcp + NP])
    degs = _sc_degrees(srcp, dstp)
    m1 = _tc_m1(x, W1, degs)
    p = _sc_scatter_cols(m1, srcb, dstp)
    m2 = _tc_m2(p, degs, jnp.reshape(b1, (1, D)), W2)
    q = _sc_scatter16(m2, srcp, dstp)
    return _tc_out(q, degs, jnp.reshape(b2, (1, CLS)))

# --- scband reference (transcript-rebuilt; emitter-appended) ---
"""Pipeline reference for scband-graph-convolution-network-19267223290620 (READ-ONLY COPY).

The authoritative reference and input builder live on the scoring server;
editing this copy changes nothing except your own understanding.
"""

import jax, jax.numpy as jnp
import numpy as np

N = 10000
E = 320000
D_IN = 128
D_H = 128
N_CLS = 16


def setup_inputs(seed: int = 0) -> dict:
    key = jax.random.key(seed)
    k1, k2, k3, k4, k5, k6 = jax.random.split(key, 6)
    x = jax.random.normal(k1, (N, D_IN), dtype=jnp.float32)
    edge_index = jax.random.randint(k2, (2, E), 0, N, dtype=jnp.int32)
    W1 = jax.random.normal(k3, (D_IN, D_H), dtype=jnp.float32) * 0.05
    b1 = jnp.zeros((D_H,), dtype=jnp.float32)
    W2 = jax.random.normal(k4, (D_H, N_CLS), dtype=jnp.float32) * 0.05
    b2 = jnp.zeros((N_CLS,), dtype=jnp.float32)
    return {"x": x, "edge_index": edge_index, "W1": W1, "b1": b1, "W2": W2, "b2": b2}


def _gcn_layer(x, W, b, src, dst, n):
    # DGL GraphConv with norm='both':
    # h = D_out^{-1/2} x ; aggregate sum over edges src->dst ; h = D_in^{-1/2} h ; then linear
    ones = jnp.ones((src.shape[0],), dtype=x.dtype)
    deg_out = jnp.zeros((n,), dtype=x.dtype).at[src].add(ones)
    deg_in = jnp.zeros((n,), dtype=x.dtype).at[dst].add(ones)
    norm_src = jax.lax.rsqrt(jnp.clip(deg_out, 1.0, None))
    norm_dst = jax.lax.rsqrt(jnp.clip(deg_in, 1.0, None))
    h = x * norm_src[:, None]
    msg = jnp.take(h, src, axis=0)
    agg = jnp.zeros((n, x.shape[1]), dtype=x.dtype).at[dst].add(msg)
    agg = agg * norm_dst[:, None]
    return agg @ W + b


def reference(x, edge_index, W1, b1, W2, b2):
    src = edge_index[0]
    dst = edge_index[1]
    n = x.shape[0]
    h = _gcn_layer(x, W1, b1, src, dst, n)
    h = jax.nn.relu(h)
    out = _gcn_layer(h, W2, b2, src, dst, n)
    return jax.nn.softmax(out, axis=-1)

if __name__ == "__main__":
    import jax
    _d = setup_inputs()
    print(jax.jit(kernel)(*tuple(_d.values())))

</pallas_src>

<mosaic_0001>
#map = affine_map<(d0, d1) -> (0, 0)>
#map1 = affine_map<(d0, d1) -> (0, 0, 0, 0)>
module attributes {stable_mosaic.version = 14 : i64} {
  func.func @deg_kernel(%arg0: i32, %arg1: i32, %arg2: memref<2560x128xi32, #tpu.memory_space<hbm>>, %arg3: memref<2560x128xi32, #tpu.memory_space<hbm>>, %arg4: memref<2x2x10240x16xf32, #tpu.memory_space<hbm>>, %arg5: memref<10240x16xf32, #tpu.memory_space<vmem_shared>>, %arg6: memref<10240x16xf32, #tpu.memory_space<vmem_shared>>, %arg7: memref<80x128xi32, #tpu.memory_space<vmem>>, %arg8: memref<80x128xi32, #tpu.memory_space<vmem>>, %arg9: memref<128x16xf32, #tpu.memory_space<vmem>>, %arg10: memref<640x16xf32, #tpu.memory_space<vmem>>, %arg11: memref<!tpu.dma_semaphore, #tpu.memory_space<semaphore_mem>>, %arg12: memref<!tpu.dma_semaphore, #tpu.memory_space<semaphore_mem>>, %arg13: memref<!tpu.dma_semaphore, #tpu.memory_space<semaphore_mem>>, %arg14: memref<!tpu.dma_semaphore, #tpu.memory_space<semaphore_mem>>) attributes {dimension_semantics = [#tpu.dimension_semantics<core_parallel>, #tpu.dimension_semantics<subcore_parallel>], iteration_bounds = array<i64: 2, 16>, scalar_prefetch = 0 : i64, scratch_operands = 10 : i64, tpu.core_type = #tpu.core_type<sc_vector_subcore>, window_params = [{transform_indices = #map}, {transform_indices = #map}, {transform_indices = #map1}]} {
    %mul3A = arith.constant 16 : i32
    %mul3A_0 = arith.muli %arg0, %mul3A : i32
    %add3A = arith.addi %mul3A_0, %arg1 : i32
    %scan3A = arith.constant 0 : i32
    %scan3A_1 = arith.constant 0 : i32
    %scan3A_2 = arith.constant 128 : i32
    %scan3A_3 = arith.addi %scan3A_1, %scan3A_2 : i32
    %scan3A_4 = arith.constant 1 : i32
    %scan3A_5 = scf.for %scan3A_149 = %scan3A_1 to %scan3A_3 step %scan3A_4 iter_args(%scan3A_150 = %scan3A) -> (i32)  : i32 {
      %broadcast_in_dim3A = arith.constant 1.000000e+00 : f32
      %broadcast_in_dim3A_151 = vector.broadcast %broadcast_in_dim3A : f32 to vector<16xf32>
      %swap3A = arith.index_cast %scan3A_149 : i32 to index
      %swap3A_152 = arith.constant 0 : index
      %swap3A_153 = tpu.vector_load %arg9[%swap3A, %swap3A_152] {strides = array<i32>} : memref<128x16xf32, #tpu.memory_space<vmem>>, vector<1x16xf32>,
      %swap3A_154 = vector.shape_cast %swap3A_153 : vector<1x16xf32> to vector<16xf32>
      %swap3A_155 = vector.shape_cast %broadcast_in_dim3A_151 : vector<16xf32> to vector<1x16xf32>
      tpu.vector_store %arg9[%swap3A, %swap3A_152], %swap3A_155 {strides = array<i32>} : memref<128x16xf32, #tpu.memory_space<vmem>>, vector<1x16xf32>,
      %scan3A_156 = arith.constant 0 : i32
      scf.yield %scan3A_156 : i32
    }
    %scan3A_6 = arith.constant 128 : i32
    %scan3A_7 = arith.constant 0 : i32
    %scan3A_8 = arith.constant 0 : i32
    %scan3A_9 = arith.constant 640 : i32
    %scan3A_10 = arith.addi %scan3A_8, %scan3A_9 : i32
    %scan3A_11 = arith.constant 1 : i32
    %scan3A_12 = scf.for %scan3A_149 = %scan3A_8 to %scan3A_10 step %scan3A_11 iter_args(%scan3A_150 = %scan3A_7) -> (i32)  : i32 {
      %broadcast_in_dim3A = arith.constant 0.000000e+00 : f32
      %broadcast_in_dim3A_151 = vector.broadcast %broadcast_in_dim3A : f32 to vector<16xf32>
      %swap3A = arith.index_cast %scan3A_149 : i32 to index
      %swap3A_152 = arith.constant 0 : index
      %swap3A_153 = tpu.vector_load %arg10[%swap3A, %swap3A_152] {strides = array<i32>} : memref<640x16xf32, #tpu.memory_space<vmem>>, vector<1x16xf32>,
      %swap3A_154 = vector.shape_cast %swap3A_153 : vector<1x16xf32> to vector<16xf32>
      %swap3A_155 = vector.shape_cast %broadcast_in_dim3A_151 : vector<16xf32> to vector<1x16xf32>
      tpu.vector_store %arg10[%swap3A, %swap3A_152], %swap3A_155 {strides = array<i32>} : memref<640x16xf32, #tpu.memory_space<vmem>>, vector<1x16xf32>,
      %scan3A_156 = arith.constant 0 : i32
      scf.yield %scan3A_156 : i32
    }
    %scan3A_13 = arith.constant 640 : i32
    %mul3A_14 = arith.constant 80 : i32
    %mul3A_15 = arith.muli %add3A, %mul3A_14 : i32
    "tpu.region"() ({
      %run_scoped3A_149 = tpu.sem_alloc : memref<!tpu.dma_semaphore, #tpu.memory_space<semaphore_mem>>
      %dma_start3A_150 = arith.constant 0 : i32
      %dma_start3A_151 = tpu.memref_slice %arg2[%mul3A_15, %dma_start3A_150] : memref<2560x128xi32, #tpu.memory_space<hbm>> -> memref<80x128xi32, #tpu.memory_space<hbm>>
      %dma_start3A_152 = arith.constant 0 : i32
      %dma_start3A_153 = tpu.memref_slice %arg2[%mul3A_15, %dma_start3A_152] : memref<2560x128xi32, #tpu.memory_space<hbm>> -> memref<80x128xi32, #tpu.memory_space<hbm>>
      tpu.enqueue_dma source(%dma_start3A_153 : memref<80x128xi32, #tpu.memory_space<hbm>>) target(%arg7 : memref<80x128xi32, #tpu.memory_space<vmem>>) target_semaphore(%run_scoped3A_149 : memref<!tpu.dma_semaphore, #tpu.memory_space<semaphore_mem>>)
      %dma_wait3A_154 = arith.constant 0 : i32
      %dma_wait3A_155 = tpu.memref_slice %arg2[%mul3A_15, %dma_wait3A_154] : memref<2560x128xi32, #tpu.memory_space<hbm>> -> memref<80x128xi32, #tpu.memory_space<hbm>>
      %dma_wait3A_156 = arith.constant 0 : i32
      %dma_wait3A_157 = tpu.memref_slice %arg2[%mul3A_15, %dma_wait3A_156] : memref<2560x128xi32, #tpu.memory_space<hbm>> -> memref<80x128xi32, #tpu.memory_space<hbm>>
      tpu.wait_dma2 semaphore(%run_scoped3A_149 : memref<!tpu.dma_semaphore, #tpu.memory_space<semaphore_mem>>) src(%dma_wait3A_157 : memref<80x128xi32, #tpu.memory_space<hbm>>) dst(%arg7 : memref<80x128xi32, #tpu.memory_space<vmem>>)
      tpu.yield
    }) : () -> ()
    %mul3A_16 = arith.constant 80 : i32
    %mul3A_17 = arith.muli %add3A, %mul3A_16 : i32
    "tpu.region"() ({
      %run_scoped3A_149 = tpu.sem_alloc : memref<!tpu.dma_semaphore, #tpu.memory_space<semaphore_mem>>
      %dma_start3A_150 = arith.constant 0 : i32
      %dma_start3A_151 = tpu.memref_slice %arg3[%mul3A_17, %dma_start3A_150] : memref<2560x128xi32, #tpu.memory_space<hbm>> -> memref<80x128xi32, #tpu.memory_space<hbm>>
      %dma_start3A_152 = arith.constant 0 : i32
      %dma_start3A_153 = tpu.memref_slice %arg3[%mul3A_17, %dma_start3A_152] : memref<2560x128xi32, #tpu.memory_space<hbm>> -> memref<80x128xi32, #tpu.memory_space<hbm>>
      tpu.enqueue_dma source(%dma_start3A_153 : memref<80x128xi32, #tpu.memory_space<hbm>>) target(%arg8 : memref<80x128xi32, #tpu.memory_space<vmem>>) target_semaphore(%run_scoped3A_149 : memref<!tpu.dma_semaphore, #tpu.memory_space<semaphore_mem>>)
      %dma_wait3A_154 = arith.constant 0 : i32
      %dma_wait3A_155 = tpu.memref_slice %arg3[%mul3A_17, %dma_wait3A_154] : memref<2560x128xi32, #tpu.memory_space<hbm>> -> memref<80x128xi32, #tpu.memory_space<hbm>>
      %dma_wait3A_156 = arith.constant 0 : i32
      %dma_wait3A_157 = tpu.memref_slice %arg3[%mul3A_17, %dma_wait3A_156] : memref<2560x128xi32, #tpu.memory_space<hbm>> -> memref<80x128xi32, #tpu.memory_space<hbm>>
      tpu.wait_dma2 semaphore(%run_scoped3A_149 : memref<!tpu.dma_semaphore, #tpu.memory_space<semaphore_mem>>) src(%dma_wait3A_157 : memref<80x128xi32, #tpu.memory_space<hbm>>) dst(%arg8 : memref<80x128xi32, #tpu.memory_space<vmem>>)
      tpu.yield
    }) : () -> ()
    %mul3A_18 = arith.constant 640 : i32
    %mul3A_19 = arith.muli %arg1, %mul3A_18 : i32
    "tpu.region"() ({
      %run_scoped3A_149 = tpu.sem_alloc : memref<!tpu.dma_semaphore, #tpu.memory_space<semaphore_mem>>
      %dma_start3A_150 = arith.constant 0 : i32
      %dma_start3A_151 = tpu.memref_slice %arg5[%mul3A_19, %dma_start3A_150] : memref<10240x16xf32, #tpu.memory_space<vmem_shared>> -> memref<640x16xf32, #tpu.memory_space<vmem_shared>>
      %dma_start3A_152 = arith.constant 0 : i32
      %dma_start3A_153 = tpu.memref_slice %arg5[%mul3A_19, %dma_start3A_152] : memref<10240x16xf32, #tpu.memory_space<vmem_shared>> -> memref<640x16xf32, #tpu.memory_space<vmem_shared>>
      tpu.enqueue_dma source(%arg10 : memref<640x16xf32, #tpu.memory_space<vmem>>) target(%dma_start3A_153 : memref<640x16xf32, #tpu.memory_space<vmem_shared>>) target_semaphore(%run_scoped3A_149 : memref<!tpu.dma_semaphore, #tpu.memory_space<semaphore_mem>>)
      %dma_wait3A_154 = arith.constant 0 : i32
      %dma_wait3A_155 = tpu.memref_slice %arg5[%mul3A_19, %dma_wait3A_154] : memref<10240x16xf32, #tpu.memory_space<vmem_shared>> -> memref<640x16xf32, #tpu.memory_space<vmem_shared>>
      %dma_wait3A_156 = arith.constant 0 : i32
      %dma_wait3A_157 = tpu.memref_slice %arg5[%mul3A_19, %dma_wait3A_156] : memref<10240x16xf32, #tpu.memory_space<vmem_shared>> -> memref<640x16xf32, #tpu.memory_space<vmem_shared>>
      tpu.wait_dma2 semaphore(%run_scoped3A_149 : memref<!tpu.dma_semaphore, #tpu.memory_space<semaphore_mem>>) src(%arg10 : memref<640x16xf32, #tpu.memory_space<vmem>>) dst(%dma_wait3A_157 : memref<640x16xf32, #tpu.memory_space<vmem_shared>>)
      tpu.yield
    }) : () -> ()
    %mul3A_20 = arith.constant 640 : i32
    %mul3A_21 = arith.muli %arg1, %mul3A_20 : i32
    "tpu.region"() ({
      %run_scoped3A_149 = tpu.sem_alloc : memref<!tpu.dma_semaphore, #tpu.memory_space<semaphore_mem>>
      %dma_start3A_150 = arith.constant 0 : i32
      %dma_start3A_151 = tpu.memref_slice %arg6[%mul3A_21, %dma_start3A_150] : memref<10240x16xf32, #tpu.memory_space<vmem_shared>> -> memref<640x16xf32, #tpu.memory_space<vmem_shared>>
      %dma_start3A_152 = arith.constant 0 : i32
      %dma_start3A_153 = tpu.memref_slice %arg6[%mul3A_21, %dma_start3A_152] : memref<10240x16xf32, #tpu.memory_space<vmem_shared>> -> memref<640x16xf32, #tpu.memory_space<vmem_shared>>
      tpu.enqueue_dma source(%arg10 : memref<640x16xf32, #tpu.memory_space<vmem>>) target(%dma_start3A_153 : memref<640x16xf32, #tpu.memory_space<vmem_shared>>) target_semaphore(%run_scoped3A_149 : memref<!tpu.dma_semaphore, #tpu.memory_space<semaphore_mem>>)
      %dma_wait3A_154 = arith.constant 0 : i32
      %dma_wait3A_155 = tpu.memref_slice %arg6[%mul3A_21, %dma_wait3A_154] : memref<10240x16xf32, #tpu.memory_space<vmem_shared>> -> memref<640x16xf32, #tpu.memory_space<vmem_shared>>
      %dma_wait3A_156 = arith.constant 0 : i32
      %dma_wait3A_157 = tpu.memref_slice %arg6[%mul3A_21, %dma_wait3A_156] : memref<10240x16xf32, #tpu.memory_space<vmem_shared>> -> memref<640x16xf32, #tpu.memory_space<vmem_shared>>
      tpu.wait_dma2 semaphore(%run_scoped3A_149 : memref<!tpu.dma_semaphore, #tpu.memory_space<semaphore_mem>>) src(%arg10 : memref<640x16xf32, #tpu.memory_space<vmem>>) dst(%dma_wait3A_157 : memref<640x16xf32, #tpu.memory_space<vmem_shared>>)
      tpu.yield
    }) : () -> ()
    %barrier3A = arith.constant 0 : index
    tpu.barrier barrier_id(%barrier3A)
    %dma_start3A = arith.constant 0 : i32
    %dma_start3A_22 = arith.constant 0 : i32
    %dma_start3A_23 = tpu.memref_slice %arg7[%dma_start3A, %dma_start3A_22] : memref<80x128xi32, #tpu.memory_space<vmem>> -> memref<1x128xi32, #tpu.memory_space<vmem>>
    %dma_start3A_24 = tpu.memref_squeeze %dma_start3A_23 : memref<1x128xi32, #tpu.memory_space<vmem>> -> memref<128xi32, #tpu.memory_space<vmem>>
    %dma_start3A_25 = arith.constant 0 : i32
    %dma_start3A_26 = arith.constant 0 : i32
    %dma_start3A_27 = tpu.memref_slice %arg5[%dma_start3A_25, %dma_start3A_26] : memref<10240x16xf32, #tpu.memory_space<vmem_shared>> -> memref<10240x16xf32, #tpu.memory_space<vmem_shared>>
    tpu.enqueue_indirect_dma source(%arg9 : memref<128x16xf32, #tpu.memory_space<vmem>>) target(%dma_start3A_27 : memref<10240x16xf32, #tpu.memory_space<vmem_shared>>) offsets(%dma_start3A_24 : memref<128xi32, #tpu.memory_space<vmem>>) semaphore(%arg11 : memref<!tpu.dma_semaphore, #tpu.memory_space<semaphore_mem>>) {add = true}
    %dma_start3A_28 = arith.constant 0 : i32
    %dma_start3A_29 = arith.constant 0 : i32
    %dma_start3A_30 = tpu.memref_slice %arg8[%dma_start3A_28, %dma_start3A_29] : memref<80x128xi32, #tpu.memory_space<vmem>> -> memref<1x128xi32, #tpu.memory_space<vmem>>
    %dma_start3A_31 = tpu.memref_squeeze %dma_start3A_30 : memref<1x128xi32, #tpu.memory_space<vmem>> -> memref<128xi32, #tpu.memory_space<vmem>>
    %dma_start3A_32 = arith.constant 0 : i32
    %dma_start3A_33 = arith.constant 0 : i32
    %dma_start3A_34 = tpu.memref_slice %arg6[%dma_start3A_32, %dma_start3A_33] : memref<10240x16xf32, #tpu.memory_space<vmem_shared>> -> memref<10240x16xf32, #tpu.memory_space<vmem_shared>>
    tpu.enqueue_indirect_dma source(%arg9 : memref<128x16xf32, #tpu.memory_space<vmem>>) target(%dma_start3A_34 : memref<10240x16xf32, #tpu.memory_space<vmem_shared>>) offsets(%dma_start3A_31 : memref<128xi32, #tpu.memory_space<vmem>>) semaphore(%arg11 : memref<!tpu.dma_semaphore, #tpu.memory_space<semaphore_mem>>) {add = true}
    %dma_start3A_35 = arith.constant 1 : i32
    %dma_start3A_36 = arith.constant 0 : i32
    %dma_start3A_37 = tpu.memref_slice %arg7[%dma_start3A_35, %dma_start3A_36] : memref<80x128xi32, #tpu.memory_space<vmem>> -> memref<1x128xi32, #tpu.memory_space<vmem>>
    %dma_start3A_38 = tpu.memref_squeeze %dma_start3A_37 : memref<1x128xi32, #tpu.memory_space<vmem>> -> memref<128xi32, #tpu.memory_space<vmem>>
    %dma_start3A_39 = arith.constant 0 : i32
    %dma_start3A_40 = arith.constant 0 : i32
    %dma_start3A_41 = tpu.memref_slice %arg5[%dma_start3A_39, %dma_start3A_40] : memref<10240x16xf32, #tpu.memory_space<vmem_shared>> -> memref<10240x16xf32, #tpu.memory_space<vmem_shared>>
    tpu.enqueue_indirect_dma source(%arg9 : memref<128x16xf32, #tpu.memory_space<vmem>>) target(%dma_start3A_41 : memref<10240x16xf32, #tpu.memory_space<vmem_shared>>) offsets(%dma_start3A_38 : memref<128xi32, #tpu.memory_space<vmem>>) semaphore(%arg12 : memref<!tpu.dma_semaphore, #tpu.memory_space<semaphore_mem>>) {add = true}
    %dma_start3A_42 = arith.constant 1 : i32
    %dma_start3A_43 = arith.constant 0 : i32
    %dma_start3A_44 = tpu.memref_slice %arg8[%dma_start3A_42, %dma_start3A_43] : memref<80x128xi32, #tpu.memory_space<vmem>> -> memref<1x128xi32, #tpu.memory_space<vmem>>
    %dma_start3A_45 = tpu.memref_squeeze %dma_start3A_44 : memref<1x128xi32, #tpu.memory_space<vmem>> -> memref<128xi32, #tpu.memory_space<vmem>>
    %dma_start3A_46 = arith.constant 0 : i32
    %dma_start3A_47 = arith.constant 0 : i32
    %dma_start3A_48 = tpu.memref_slice %arg6[%dma_start3A_46, %dma_start3A_47] : memref<10240x16xf32, #tpu.memory_space<vmem_shared>> -> memref<10240x16xf32, #tpu.memory_space<vmem_shared>>
    tpu.enqueue_indirect_dma source(%arg9 : memref<128x16xf32, #tpu.memory_space<vmem>>) target(%dma_start3A_48 : memref<10240x16xf32, #tpu.memory_space<vmem_shared>>) offsets(%dma_start3A_45 : memref<128xi32, #tpu.memory_space<vmem>>) semaphore(%arg12 : memref<!tpu.dma_semaphore, #tpu.memory_space<semaphore_mem>>) {add = true}
    %dma_start3A_49 = arith.constant 2 : i32
    %dma_start3A_50 = arith.constant 0 : i32
    %dma_start3A_51 = tpu.memref_slice %arg7[%dma_start3A_49, %dma_start3A_50] : memref<80x128xi32, #tpu.memory_space<vmem>> -> memref<1x128xi32, #tpu.memory_space<vmem>>
    %dma_start3A_52 = tpu.memref_squeeze %dma_start3A_51 : memref<1x128xi32, #tpu.memory_space<vmem>> -> memref<128xi32, #tpu.memory_space<vmem>>
    %dma_start3A_53 = arith.constant 0 : i32
    %dma_start3A_54 = arith.constant 0 : i32
    %dma_start3A_55 = tpu.memref_slice %arg5[%dma_start3A_53, %dma_start3A_54] : memref<10240x16xf32, #tpu.memory_space<vmem_shared>> -> memref<10240x16xf32, #tpu.memory_space<vmem_shared>>
    tpu.enqueue_indirect_dma source(%arg9 : memref<128x16xf32, #tpu.memory_space<vmem>>) target(%dma_start3A_55 : memref<10240x16xf32, #tpu.memory_space<vmem_shared>>) offsets(%dma_start3A_52 : memref<128xi32, #tpu.memory_space<vmem>>) semaphore(%arg13 : memref<!tpu.dma_semaphore, #tpu.memory_space<semaphore_mem>>) {add = true}
    %dma_start3A_56 = arith.constant 2 : i32
    %dma_start3A_57 = arith.constant 0 : i32
    %dma_start3A_58 = tpu.memref_slice %arg8[%dma_start3A_56, %dma_start3A_57] : memref<80x128xi32, #tpu.memory_space<vmem>> -> memref<1x128xi32, #tpu.memory_space<vmem>>
    %dma_start3A_59 = tpu.memref_squeeze %dma_start3A_58 : memref<1x128xi32, #tpu.memory_space<vmem>> -> memref<128xi32, #tpu.memory_space<vmem>>
    %dma_start3A_60 = arith.constant 0 : i32
    %dma_start3A_61 = arith.constant 0 : i32
    %dma_start3A_62 = tpu.memref_slice %arg6[%dma_start3A_60, %dma_start3A_61] : memref<10240x16xf32, #tpu.memory_space<vmem_shared>> -> memref<10240x16xf32, #tpu.memory_space<vmem_shared>>
    tpu.enqueue_indirect_dma source(%arg9 : memref<128x16xf32, #tpu.memory_space<vmem>>) target(%dma_start3A_62 : memref<10240x16xf32, #tpu.memory_space<vmem_shared>>) offsets(%dma_start3A_59 : memref<128xi32, #tpu.memory_space<vmem>>) semaphore(%arg13 : memref<!tpu.dma_semaphore, #tpu.memory_space<semaphore_mem>>) {add = true}
    %dma_start3A_63 = arith.constant 3 : i32
    %dma_start3A_64 = arith.constant 0 : i32
    %dma_start3A_65 = tpu.memref_slice %arg7[%dma_start3A_63, %dma_start3A_64] : memref<80x128xi32, #tpu.memory_space<vmem>> -> memref<1x128xi32, #tpu.memory_space<vmem>>
    %dma_start3A_66 = tpu.memref_squeeze %dma_start3A_65 : memref<1x128xi32, #tpu.memory_space<vmem>> -> memref<128xi32, #tpu.memory_space<vmem>>
    %dma_start3A_67 = arith.constant 0 : i32
    %dma_start3A_68 = arith.constant 0 : i32
    %dma_start3A_69 = tpu.memref_slice %arg5[%dma_start3A_67, %dma_start3A_68] : memref<10240x16xf32, #tpu.memory_space<vmem_shared>> -> memref<10240x16xf32, #tpu.memory_space<vmem_shared>>
    tpu.enqueue_indirect_dma source(%arg9 : memref<128x16xf32, #tpu.memory_space<vmem>>) target(%dma_start3A_69 : memref<10240x16xf32, #tpu.memory_space<vmem_shared>>) offsets(%dma_start3A_66 : memref<128xi32, #tpu.memory_space<vmem>>) semaphore(%arg14 : memref<!tpu.dma_semaphore, #tpu.memory_space<semaphore_mem>>) {add = true}
    %dma_start3A_70 = arith.constant 3 : i32
    %dma_start3A_71 = arith.constant 0 : i32
    %dma_start3A_72 = tpu.memref_slice %arg8[%dma_start3A_70, %dma_start3A_71] : memref<80x128xi32, #tpu.memory_space<vmem>> -> memref<1x128xi32, #tpu.memory_space<vmem>>
    %dma_start3A_73 = tpu.memref_squeeze %dma_start3A_72 : memref<1x128xi32, #tpu.memory_space<vmem>> -> memref<128xi32, #tpu.memory_space<vmem>>
    %dma_start3A_74 = arith.constant 0 : i32
    %dma_start3A_75 = arith.constant 0 : i32
    %dma_start3A_76 = tpu.memref_slice %arg6[%dma_start3A_74, %dma_start3A_75] : memref<10240x16xf32, #tpu.memory_space<vmem_shared>> -> memref<10240x16xf32, #tpu.memory_space<vmem_shared>>
    tpu.enqueue_indirect_dma source(%arg9 : memref<128x16xf32, #tpu.memory_space<vmem>>) target(%dma_start3A_76 : memref<10240x16xf32, #tpu.memory_space<vmem_shared>>) offsets(%dma_start3A_73 : memref<128xi32, #tpu.memory_space<vmem>>) semaphore(%arg14 : memref<!tpu.dma_semaphore, #tpu.memory_space<semaphore_mem>>) {add = true}
    %scan3A_77 = arith.constant 0 : i32
    %scan3A_78 = arith.constant 0 : i32
    %scan3A_79 = arith.constant 19 : i32
    %scan3A_80 = arith.addi %scan3A_78, %scan3A_79 : i32
    %scan3A_81 = arith.constant 1 : i32
    %scan3A_82 = scf.for %scan3A_149 = %scan3A_78 to %scan3A_80 step %scan3A_81 iter_args(%scan3A_150 = %scan3A_77) -> (i32)  : i32 {
      %mul3A_151 = arith.constant 4 : i32
      %mul3A_152 = arith.muli %scan3A_149, %mul3A_151 : i32
      %add3A_153 = arith.constant 0 : i32
      %add3A_154 = arith.addi %mul3A_152, %add3A_153 : i32
      %dma_wait3A_155 = arith.constant 0 : i32
      %dma_wait3A_156 = tpu.memref_slice %arg7[%add3A_154, %dma_wait3A_155] : memref<80x128xi32, #tpu.memory_space<vmem>> -> memref<1x128xi32, #tpu.memory_space<vmem>>
      %dma_wait3A_157 = tpu.memref_squeeze %dma_wait3A_156 : memref<1x128xi32, #tpu.memory_space<vmem>> -> memref<128xi32, #tpu.memory_space<vmem>>
      %dma_wait3A_158 = arith.constant 0 : i32
      %dma_wait3A_159 = arith.constant 0 : i32
      %dma_wait3A_160 = tpu.memref_slice %arg5[%dma_wait3A_158, %dma_wait3A_159] : memref<10240x16xf32, #tpu.memory_space<vmem_shared>> -> memref<10240x16xf32, #tpu.memory_space<vmem_shared>>
      tpu.wait_indirect_dma semaphore(%arg11 : memref<!tpu.dma_semaphore, #tpu.memory_space<semaphore_mem>>) src(%arg9 : memref<128x16xf32, #tpu.memory_space<vmem>>) dst(%dma_wait3A_160 : memref<10240x16xf32, #tpu.memory_space<vmem_shared>>)
      %dma_wait3A_161 = arith.constant 0 : i32
      %dma_wait3A_162 = tpu.memref_slice %arg8[%add3A_154, %dma_wait3A_161] : memref<80x128xi32, #tpu.memory_space<vmem>> -> memref<1x128xi32, #tpu.memory_space<vmem>>
      %dma_wait3A_163 = tpu.memref_squeeze %dma_wait3A_162 : memref<1x128xi32, #tpu.memory_space<vmem>> -> memref<128xi32, #tpu.memory_space<vmem>>
      %dma_wait3A_164 = arith.constant 0 : i32
      %dma_wait3A_165 = arith.constant 0 : i32
      %dma_wait3A_166 = tpu.memref_slice %arg6[%dma_wait3A_164, %dma_wait3A_165] : memref<10240x16xf32, #tpu.memory_space<vmem_shared>> -> memref<10240x16xf32, #tpu.memory_space<vmem_shared>>
      tpu.wait_indirect_dma semaphore(%arg11 : memref<!tpu.dma_semaphore, #tpu.memory_space<semaphore_mem>>) src(%arg9 : memref<128x16xf32, #tpu.memory_space<vmem>>) dst(%dma_wait3A_166 : memref<10240x16xf32, #tpu.memory_space<vmem_shared>>)
      %add3A_167 = arith.constant 4 : i32
      %add3A_168 = arith.addi %add3A_154, %add3A_167 : i32
      %dma_start3A_169 = arith.constant 0 : i32
      %dma_start3A_170 = tpu.memref_slice %arg7[%add3A_168, %dma_start3A_169] : memref<80x128xi32, #tpu.memory_space<vmem>> -> memref<1x128xi32, #tpu.memory_space<vmem>>
      %dma_start3A_171 = tpu.memref_squeeze %dma_start3A_170 : memref<1x128xi32, #tpu.memory_space<vmem>> -> memref<128xi32, #tpu.memory_space<vmem>>
      %dma_start3A_172 = arith.constant 0 : i32
      %dma_start3A_173 = arith.constant 0 : i32
      %dma_start3A_174 = tpu.memref_slice %arg5[%dma_start3A_172, %dma_start3A_173] : memref<10240x16xf32, #tpu.memory_space<vmem_shared>> -> memref<10240x16xf32, #tpu.memory_space<vmem_shared>>
      tpu.enqueue_indirect_dma source(%arg9 : memref<128x16xf32, #tpu.memory_space<vmem>>) target(%dma_start3A_174 : memref<10240x16xf32, #tpu.memory_space<vmem_shared>>) offsets(%dma_start3A_171 : memref<128xi32, #tpu.memory_space<vmem>>) semaphore(%arg11 : memref<!tpu.dma_semaphore, #tpu.memory_space<semaphore_mem>>) {add = true}
      %dma_start3A_175 = arith.constant 0 : i32
      %dma_start3A_176 = tpu.memref_slice %arg8[%add3A_168, %dma_start3A_175] : memref<80x128xi32, #tpu.memory_space<vmem>> -> memref<1x128xi32, #tpu.memory_space<vmem>>
      %dma_start3A_177 = tpu.memref_squeeze %dma_start3A_176 : memref<1x128xi32, #tpu.memory_space<vmem>> -> memref<128xi32, #tpu.memory_space<vmem>>
      %dma_start3A_178 = arith.constant 0 : i32
      %dma_start3A_179 = arith.constant 0 : i32
      %dma_start3A_180 = tpu.memref_slice %arg6[%dma_start3A_178, %dma_start3A_179] : memref<10240x16xf32, #tpu.memory_space<vmem_shared>> -> memref<10240x16xf32, #tpu.memory_space<vmem_shared>>
      tpu.enqueue_indirect_dma source(%arg9 : memref<128x16xf32, #tpu.memory_space<vmem>>) target(%dma_start3A_180 : memref<10240x16xf32, #tpu.memory_space<vmem_shared>>) offsets(%dma_start3A_177 : memref<128xi32, #tpu.memory_space<vmem>>) semaphore(%arg11 : memref<!tpu.dma_semaphore, #tpu.memory_space<semaphore_mem>>) {add = true}
      %mul3A_181 = arith.constant 4 : i32
      %mul3A_182 = arith.muli %scan3A_149, %mul3A_181 : i32
      %add3A_183 = arith.constant 1 : i32
      %add3A_184 = arith.addi %mul3A_182, %add3A_183 : i32
      %dma_wait3A_185 = arith.constant 0 : i32
      %dma_wait3A_186 = tpu.memref_slice %arg7[%add3A_184, %dma_wait3A_185] : memref<80x128xi32, #tpu.memory_space<vmem>> -> memref<1x128xi32, #tpu.memory_space<vmem>>
      %dma_wait3A_187 = tpu.memref_squeeze %dma_wait3A_186 : memref<1x128xi32, #tpu.memory_space<vmem>> -> memref<128xi32, #tpu.memory_space<vmem>>
      %dma_wait3A_188 = arith.constant 0 : i32
      %dma_wait3A_189 = arith.constant 0 : i32
      %dma_wait3A_190 = tpu.memref_slice %arg5[%dma_wait3A_188, %dma_wait3A_189] : memref<10240x16xf32, #tpu.memory_space<vmem_shared>> -> memref<10240x16xf32, #tpu.memory_space<vmem_shared>>
      tpu.wait_indirect_dma semaphore(%arg12 : memref<!tpu.dma_semaphore, #tpu.memory_space<semaphore_mem>>) src(%arg9 : memref<128x16xf32, #tpu.memory_space<vmem>>) dst(%dma_wait3A_190 : memref<10240x16xf32, #tpu.memory_space<vmem_shared>>)
      %dma_wait3A_191 = arith.constant 0 : i32
      %dma_wait3A_192 = tpu.memref_slice %arg8[%add3A_184, %dma_wait3A_191] : memref<80x128xi32, #tpu.memory_space<vmem>> -> memref<1x128xi32, #tpu.memory_space<vmem>>
      %dma_wait3A_193 = tpu.memref_squeeze %dma_wait3A_192 : memref<1x128xi32, #tpu.memory_space<vmem>> -> memref<128xi32, #tpu.memory_space<vmem>>
      %dma_wait3A_194 = arith.constant 0 : i32
      %dma_wait3A_195 = arith.constant 0 : i32
      %dma_wait3A_196 = tpu.memref_slice %arg6[%dma_wait3A_194, %dma_wait3A_195] : memref<10240x16xf32, #tpu.memory_space<vmem_shared>> -> memref<10240x16xf32, #tpu.memory_space<vmem_shared>>
      tpu.wait_indirect_dma semaphore(%arg12 : memref<!tpu.dma_semaphore, #tpu.memory_space<semaphore_mem>>) src(%arg9 : memref<128x16xf32, #tpu.memory_space<vmem>>) dst(%dma_wait3A_196 : memref<10240x16xf32, #tpu.memory_space<vmem_shared>>)
      %add3A_197 = arith.constant 4 : i32
      %add3A_198 = arith.addi %add3A_184, %add3A_197 : i32
      %dma_start3A_199 = arith.constant 0 : i32
      %dma_start3A_200 = tpu.memref_slice %arg7[%add3A_198, %dma_start3A_199] : memref<80x128xi32, #tpu.memory_space<vmem>> -> memref<1x128xi32, #tpu.memory_space<vmem>>
      %dma_start3A_201 = tpu.memref_squeeze %dma_start3A_200 : memref<1x128xi32, #tpu.memory_space<vmem>> -> memref<128xi32, #tpu.memory_space<vmem>>
      %dma_start3A_202 = arith.constant 0 : i32
      %dma_start3A_203 = arith.constant 0 : i32
      %dma_start3A_204 = tpu.memref_slice %arg5[%dma_start3A_202, %dma_start3A_203] : memref<10240x16xf32, #tpu.memory_space<vmem_shared>> -> memref<10240x16xf32, #tpu.memory_space<vmem_shared>>
      tpu.enqueue_indirect_dma source(%arg9 : memref<128x16xf32, #tpu.memory_space<vmem>>) target(%dma_start3A_204 : memref<10240x16xf32, #tpu.memory_space<vmem_shared>>) offsets(%dma_start3A_201 : memref<128xi32, #tpu.memory_space<vmem>>) semaphore(%arg12 : memref<!tpu.dma_semaphore, #tpu.memory_space<semaphore_mem>>) {add = true}
      %dma_start3A_205 = arith.constant 0 : i32
      %dma_start3A_206 = tpu.memref_slice %arg8[%add3A_198, %dma_start3A_205] : memref<80x128xi32, #tpu.memory_space<vmem>> -> memref<1x128xi32, #tpu.memory_space<vmem>>
      %dma_start3A_207 = tpu.memref_squeeze %dma_start3A_206 : memref<1x128xi32, #tpu.memory_space<vmem>> -> memref<128xi32, #tpu.memory_space<vmem>>
      %dma_start3A_208 = arith.constant 0 : i32
      %dma_start3A_209 = arith.constant 0 : i32
      %dma_start3A_210 = tpu.memref_slice %arg6[%dma_start3A_208, %dma_start3A_209] : memref<10240x16xf32, #tpu.memory_space<vmem_shared>> -> memref<10240x16xf32, #tpu.memory_space<vmem_shared>>
      tpu.enqueue_indirect_dma source(%arg9 : memref<128x16xf32, #tpu.memory_space<vmem>>) target(%dma_start3A_210 : memref<10240x16xf32, #tpu.memory_space<vmem_shared>>) offsets(%dma_start3A_207 : memref<128xi32, #tpu.memory_space<vmem>>) semaphore(%arg12 : memref<!tpu.dma_semaphore, #tpu.memory_space<semaphore_mem>>) {add = true}
      %mul3A_211 = arith.constant 4 : i32
      %mul3A_212 = arith.muli %scan3A_149, %mul3A_211 : i32
      %add3A_213 = arith.constant 2 : i32
      %add3A_214 = arith.addi %mul3A_212, %add3A_213 : i32
      %dma_wait3A_215 = arith.constant 0 : i32
      %dma_wait3A_216 = tpu.memref_slice %arg7[%add3A_214, %dma_wait3A_215] : memref<80x128xi32, #tpu.memory_space<vmem>> -> memref<1x128xi32, #tpu.memory_space<vmem>>
      %dma_wait3A_217 = tpu.memref_squeeze %dma_wait3A_216 : memref<1x128xi32, #tpu.memory_space<vmem>> -> memref<128xi32, #tpu.memory_space<vmem>>
      %dma_wait3A_218 = arith.constant 0 : i32
      %dma_wait3A_219 = arith.constant 0 : i32
      %dma_wait3A_220 = tpu.memref_slice %arg5[%dma_wait3A_218, %dma_wait3A_219] : memref<10240x16xf32, #tpu.memory_space<vmem_shared>> -> memref<10240x16xf32, #tpu.memory_space<vmem_shared>>
      tpu.wait_indirect_dma semaphore(%arg13 : memref<!tpu.dma_semaphore, #tpu.memory_space<semaphore_mem>>) src(%arg9 : memref<128x16xf32, #tpu.memory_space<vmem>>) dst(%dma_wait3A_220 : memref<10240x16xf32, #tpu.memory_space<vmem_shared>>)
      %dma_wait3A_221 = arith.constant 0 : i32
      %dma_wait3A_222 = tpu.memref_slice %arg8[%add3A_214, %dma_wait3A_221] : memref<80x128xi32, #tpu.memory_space<vmem>> -> memref<1x128xi32, #tpu.memory_space<vmem>>
      %dma_wait3A_223 = tpu.memref_squeeze %dma_wait3A_222 : memref<1x128xi32, #tpu.memory_space<vmem>> -> memref<128xi32, #tpu.memory_space<vmem>>
      %dma_wait3A_224 = arith.constant 0 : i32
      %dma_wait3A_225 = arith.constant 0 : i32
      %dma_wait3A_226 = tpu.memref_slice %arg6[%dma_wait3A_224, %dma_wait3A_225] : memref<10240x16xf32, #tpu.memory_space<vmem_shared>> -> memref<10240x16xf32, #tpu.memory_space<vmem_shared>>
      tpu.wait_indirect_dma semaphore(%arg13 : memref<!tpu.dma_semaphore, #tpu.memory_space<semaphore_mem>>) src(%arg9 : memref<128x16xf32, #tpu.memory_space<vmem>>) dst(%dma_wait3A_226 : memref<10240x16xf32, #tpu.memory_space<vmem_shared>>)
      %add3A_227 = arith.constant 4 : i32
      %add3A_228 = arith.addi %add3A_214, %add3A_227 : i32
      %dma_start3A_229 = arith.constant 0 : i32
      %dma_start3A_230 = tpu.memref_slice %arg7[%add3A_228, %dma_start3A_229] : memref<80x128xi32, #tpu.memory_space<vmem>> -> memref<1x128xi32, #tpu.memory_space<vmem>>
      %dma_start3A_231 = tpu.memref_squeeze %dma_start3A_230 : memref<1x128xi32, #tpu.memory_space<vmem>> -> memref<128xi32, #tpu.memory_space<vmem>>
      %dma_start3A_232 = arith.constant 0 : i32
      %dma_start3A_233 = arith.constant 0 : i32
      %dma_start3A_234 = tpu.memref_slice %arg5[%dma_start3A_232, %dma_start3A_233] : memref<10240x16xf32, #tpu.memory_space<vmem_shared>> -> memref<10240x16xf32, #tpu.memory_space<vmem_shared>>
      tpu.enqueue_indirect_dma source(%arg9 : memref<128x16xf32, #tpu.memory_space<vmem>>) target(%dma_start3A_234 : memref<10240x16xf32, #tpu.memory_space<vmem_shared>>) offsets(%dma_start3A_231 : memref<128xi32, #tpu.memory_space<vmem>>) semaphore(%arg13 : memref<!tpu.dma_semaphore, #tpu.memory_space<semaphore_mem>>) {add = true}
      %dma_start3A_235 = arith.constant 0 : i32
      %dma_start3A_236 = tpu.memref_slice %arg8[%add3A_228, %dma_start3A_235] : memref<80x128xi32, #tpu.memory_space<vmem>> -> memref<1x128xi32, #tpu.memory_space<vmem>>
      %dma_start3A_237 = tpu.memref_squeeze %dma_start3A_236 : memref<1x128xi32, #tpu.memory_space<vmem>> -> memref<128xi32, #tpu.memory_space<vmem>>
      %dma_start3A_238 = arith.constant 0 : i32
      %dma_start3A_239 = arith.constant 0 : i32
      %dma_start3A_240 = tpu.memref_slice %arg6[%dma_start3A_238, %dma_start3A_239] : memref<10240x16xf32, #tpu.memory_space<vmem_shared>> -> memref<10240x16xf32, #tpu.memory_space<vmem_shared>>
      tpu.enqueue_indirect_dma source(%arg9 : memref<128x16xf32, #tpu.memory_space<vmem>>) target(%dma_start3A_240 : memref<10240x16xf32, #tpu.memory_space<vmem_shared>>) offsets(%dma_start3A_237 : memref<128xi32, #tpu.memory_space<vmem>>) semaphore(%arg13 : memref<!tpu.dma_semaphore, #tpu.memory_space<semaphore_mem>>) {add = true}
      %mul3A_241 = arith.constant 4 : i32
      %mul3A_242 = arith.muli %scan3A_149, %mul3A_241 : i32
      %add3A_243 = arith.constant 3 : i32
      %add3A_244 = arith.addi %mul3A_242, %add3A_243 : i32
      %dma_wait3A_245 = arith.constant 0 : i32
      %dma_wait3A_246 = tpu.memref_slice %arg7[%add3A_244, %dma_wait3A_245] : memref<80x128xi32, #tpu.memory_space<vmem>> -> memref<1x128xi32, #tpu.memory_space<vmem>>
      %dma_wait3A_247 = tpu.memref_squeeze %dma_wait3A_246 : memref<1x128xi32, #tpu.memory_space<vmem>> -> memref<128xi32, #tpu.memory_space<vmem>>
      %dma_wait3A_248 = arith.constant 0 : i32
      %dma_wait3A_249 = arith.constant 0 : i32
      %dma_wait3A_250 = tpu.memref_slice %arg5[%dma_wait3A_248, %dma_wait3A_249] : memref<10240x16xf32, #tpu.memory_space<vmem_shared>> -> memref<10240x16xf32, #tpu.memory_space<vmem_shared>>
      tpu.wait_indirect_dma semaphore(%arg14 : memref<!tpu.dma_semaphore, #tpu.memory_space<semaphore_mem>>) src(%arg9 : memref<128x16xf32, #tpu.memory_space<vmem>>) dst(%dma_wait3A_250 : memref<10240x16xf32, #tpu.memory_space<vmem_shared>>)
      %dma_wait3A_251 = arith.constant 0 : i32
      %dma_wait3A_252 = tpu.memref_slice %arg8[%add3A_244, %dma_wait3A_251] : memref<80x128xi32, #tpu.memory_space<vmem>> -> memref<1x128xi32, #tpu.memory_space<vmem>>
      %dma_wait3A_253 = tpu.memref_squeeze %dma_wait3A_252 : memref<1x128xi32, #tpu.memory_space<vmem>> -> memref<128xi32, #tpu.memory_space<vmem>>
      %dma_wait3A_254 = arith.constant 0 : i32
      %dma_wait3A_255 = arith.constant 0 : i32
      %dma_wait3A_256 = tpu.memref_slice %arg6[%dma_wait3A_254, %dma_wait3A_255] : memref<10240x16xf32, #tpu.memory_space<vmem_shared>> -> memref<10240x16xf32, #tpu.memory_space<vmem_shared>>
      tpu.wait_indirect_dma semaphore(%arg14 : memref<!tpu.dma_semaphore, #tpu.memory_space<semaphore_mem>>) src(%arg9 : memref<128x16xf32, #tpu.memory_space<vmem>>) dst(%dma_wait3A_256 : memref<10240x16xf32, #tpu.memory_space<vmem_shared>>)
      %add3A_257 = arith.constant 4 : i32
      %add3A_258 = arith.addi %add3A_244, %add3A_257 : i32
      %dma_start3A_259 = arith.constant 0 : i32
      %dma_start3A_260 = tpu.memref_slice %arg7[%add3A_258, %dma_start3A_259] : memref<80x128xi32, #tpu.memory_space<vmem>> -> memref<1x128xi32, #tpu.memory_space<vmem>>
      %dma_start3A_261 = tpu.memref_squeeze %dma_start3A_260 : memref<1x128xi32, #tpu.memory_space<vmem>> -> memref<128xi32, #tpu.memory_space<vmem>>
      %dma_start3A_262 = arith.constant 0 : i32
      %dma_start3A_263 = arith.constant 0 : i32
      %dma_start3A_264 = tpu.memref_slice %arg5[%dma_start3A_262, %dma_start3A_263] : memref<10240x16xf32, #tpu.memory_space<vmem_shared>> -> memref<10240x16xf32, #tpu.memory_space<vmem_shared>>
      tpu.enqueue_indirect_dma source(%arg9 : memref<128x16xf32, #tpu.memory_space<vmem>>) target(%dma_start3A_264 : memref<10240x16xf32, #tpu.memory_space<vmem_shared>>) offsets(%dma_start3A_261 : memref<128xi32, #tpu.memory_space<vmem>>) semaphore(%arg14 : memref<!tpu.dma_semaphore, #tpu.memory_space<semaphore_mem>>) {add = true}
      %dma_start3A_265 = arith.constant 0 : i32
      %dma_start3A_266 = tpu.memref_slice %arg8[%add3A_258, %dma_start3A_265] : memref<80x128xi32, #tpu.memory_space<vmem>> -> memref<1x128xi32, #tpu.memory_space<vmem>>
      %dma_start3A_267 = tpu.memref_squeeze %dma_start3A_266 : memref<1x128xi32, #tpu.memory_space<vmem>> -> memref<128xi32, #tpu.memory_space<vmem>>
      %dma_start3A_268 = arith.constant 0 : i32
      %dma_start3A_269 = arith.constant 0 : i32
      %dma_start3A_270 = tpu.memref_slice %arg6[%dma_start3A_268, %dma_start3A_269] : memref<10240x16xf32, #tpu.memory_space<vmem_shared>> -> memref<10240x16xf32, #tpu.memory_space<vmem_shared>>
      tpu.enqueue_indirect_dma source(%arg9 : memref<128x16xf32, #tpu.memory_space<vmem>>) target(%dma_start3A_270 : memref<10240x16xf32, #tpu.memory_space<vmem_shared>>) offsets(%dma_start3A_267 : memref<128xi32, #tpu.memory_space<vmem>>) semaphore(%arg14 : memref<!tpu.dma_semaphore, #tpu.memory_space<semaphore_mem>>) {add = true}
      %scan3A_271 = arith.constant 0 : i32
      scf.yield %scan3A_271 : i32
    }
    %scan3A_83 = arith.constant 19 : i32
    %dma_wait3A = arith.constant 76 : i32
    %dma_wait3A_84 = arith.constant 0 : i32
    %dma_wait3A_85 = tpu.memref_slice %arg7[%dma_wait3A, %dma_wait3A_84] : memref<80x128xi32, #tpu.memory_space<vmem>> -> memref<1x128xi32, #tpu.memory_space<vmem>>
    %dma_wait3A_86 = tpu.memref_squeeze %dma_wait3A_85 : memref<1x128xi32, #tpu.memory_space<vmem>> -> memref<128xi32, #tpu.memory_space<vmem>>
    %dma_wait3A_87 = arith.constant 0 : i32
    %dma_wait3A_88 = arith.constant 0 : i32
    %dma_wait3A_89 = tpu.memref_slice %arg5[%dma_wait3A_87, %dma_wait3A_88] : memref<10240x16xf32, #tpu.memory_space<vmem_shared>> -> memref<10240x16xf32, #tpu.memory_space<vmem_shared>>
    tpu.wait_indirect_dma semaphore(%arg11 : memref<!tpu.dma_semaphore, #tpu.memory_space<semaphore_mem>>) src(%arg9 : memref<128x16xf32, #tpu.memory_space<vmem>>) dst(%dma_wait3A_89 : memref<10240x16xf32, #tpu.memory_space<vmem_shared>>)
    %dma_wait3A_90 = arith.constant 76 : i32
    %dma_wait3A_91 = arith.constant 0 : i32
    %dma_wait3A_92 = tpu.memref_slice %arg8[%dma_wait3A_90, %dma_wait3A_91] : memref<80x128xi32, #tpu.memory_space<vmem>> -> memref<1x128xi32, #tpu.memory_space<vmem>>
    %dma_wait3A_93 = tpu.memref_squeeze %dma_wait3A_92 : memref<1x128xi32, #tpu.memory_space<vmem>> -> memref<128xi32, #tpu.memory_space<vmem>>
    %dma_wait3A_94 = arith.constant 0 : i32
    %dma_wait3A_95 = arith.constant 0 : i32
    %dma_wait3A_96 = tpu.memref_slice %arg6[%dma_wait3A_94, %dma_wait3A_95] : memref<10240x16xf32, #tpu.memory_space<vmem_shared>> -> memref<10240x16xf32, #tpu.memory_space<vmem_shared>>
    tpu.wait_indirect_dma semaphore(%arg11 : memref<!tpu.dma_semaphore, #tpu.memory_space<semaphore_mem>>) src(%arg9 : memref<128x16xf32, #tpu.memory_space<vmem>>) dst(%dma_wait3A_96 : memref<10240x16xf32, #tpu.memory_space<vmem_shared>>)
    %dma_wait3A_97 = arith.constant 77 : i32
    %dma_wait3A_98 = arith.constant 0 : i32
    %dma_wait3A_99 = tpu.memref_slice %arg7[%dma_wait3A_97, %dma_wait3A_98] : memref<80x128xi32, #tpu.memory_space<vmem>> -> memref<1x128xi32, #tpu.memory_space<vmem>>
    %dma_wait3A_100 = tpu.memref_squeeze %dma_wait3A_99 : memref<1x128xi32, #tpu.memory_space<vmem>> -> memref<128xi32, #tpu.memory_space<vmem>>
    %dma_wait3A_101 = arith.constant 0 : i32
    %dma_wait3A_102 = arith.constant 0 : i32
    %dma_wait3A_103 = tpu.memref_slice %arg5[%dma_wait3A_101, %dma_wait3A_102] : memref<10240x16xf32, #tpu.memory_space<vmem_shared>> -> memref<10240x16xf32, #tpu.memory_space<vmem_shared>>
    tpu.wait_indirect_dma semaphore(%arg12 : memref<!tpu.dma_semaphore, #tpu.memory_space<semaphore_mem>>) src(%arg9 : memref<128x16xf32, #tpu.memory_space<vmem>>) dst(%dma_wait3A_103 : memref<10240x16xf32, #tpu.memory_space<vmem_shared>>)
    %dma_wait3A_104 = arith.constant 77 : i32
    %dma_wait3A_105 = arith.constant 0 : i32
    %dma_wait3A_106 = tpu.memref_slice %arg8[%dma_wait3A_104, %dma_wait3A_105] : memref<80x128xi32, #tpu.memory_space<vmem>> -> memref<1x128xi32, #tpu.memory_space<vmem>>
    %dma_wait3A_107 = tpu.memref_squeeze %dma_wait3A_106 : memref<1x128xi32, #tpu.memory_space<vmem>> -> memref<128xi32, #tpu.memory_space<vmem>>
    %dma_wait3A_108 = arith.constant 0 : i32
    %dma_wait3A_109 = arith.constant 0 : i32
    %dma_wait3A_110 = tpu.memref_slice %arg6[%dma_wait3A_108, %dma_wait3A_109] : memref<10240x16xf32, #tpu.memory_space<vmem_shared>> -> memref<10240x16xf32, #tpu.memory_space<vmem_shared>>
    tpu.wait_indirect_dma semaphore(%arg12 : memref<!tpu.dma_semaphore, #tpu.memory_space<semaphore_mem>>) src(%arg9 : memref<128x16xf32, #tpu.memory_space<vmem>>) dst(%dma_wait3A_110 : memref<10240x16xf32, #tpu.memory_space<vmem_shared>>)
    %dma_wait3A_111 = arith.constant 78 : i32
    %dma_wait3A_112 = arith.constant 0 : i32
    %dma_wait3A_113 = tpu.memref_slice %arg7[%dma_wait3A_111, %dma_wait3A_112] : memref<80x128xi32, #tpu.memory_space<vmem>> -> memref<1x128xi32, #tpu.memory_space<vmem>>
    %dma_wait3A_114 = tpu.memref_squeeze %dma_wait3A_113 : memref<1x128xi32, #tpu.memory_space<vmem>> -> memref<128xi32, #tpu.memory_space<vmem>>
    %dma_wait3A_115 = arith.constant 0 : i32
    %dma_wait3A_116 = arith.constant 0 : i32
    %dma_wait3A_117 = tpu.memref_slice %arg5[%dma_wait3A_115, %dma_wait3A_116] : memref<10240x16xf32, #tpu.memory_space<vmem_shared>> -> memref<10240x16xf32, #tpu.memory_space<vmem_shared>>
    tpu.wait_indirect_dma semaphore(%arg13 : memref<!tpu.dma_semaphore, #tpu.memory_space<semaphore_mem>>) src(%arg9 : memref<128x16xf32, #tpu.memory_space<vmem>>) dst(%dma_wait3A_117 : memref<10240x16xf32, #tpu.memory_space<vmem_shared>>)
    %dma_wait3A_118 = arith.constant 78 : i32
    %dma_wait3A_119 = arith.constant 0 : i32
    %dma_wait3A_120 = tpu.memref_slice %arg8[%dma_wait3A_118, %dma_wait3A_119] : memref<80x128xi32, #tpu.memory_space<vmem>> -> memref<1x128xi32, #tpu.memory_space<vmem>>
    %dma_wait3A_121 = tpu.memref_squeeze %dma_wait3A_120 : memref<1x128xi32, #tpu.memory_space<vmem>> -> memref<128xi32, #tpu.memory_space<vmem>>
    %dma_wait3A_122 = arith.constant 0 : i32
    %dma_wait3A_123 = arith.constant 0 : i32
    %dma_wait3A_124 = tpu.memref_slice %arg6[%dma_wait3A_122, %dma_wait3A_123] : memref<10240x16xf32, #tpu.memory_space<vmem_shared>> -> memref<10240x16xf32, #tpu.memory_space<vmem_shared>>
    tpu.wait_indirect_dma semaphore(%arg13 : memref<!tpu.dma_semaphore, #tpu.memory_space<semaphore_mem>>) src(%arg9 : memref<128x16xf32, #tpu.memory_space<vmem>>) dst(%dma_wait3A_124 : memref<10240x16xf32, #tpu.memory_space<vmem_shared>>)
    %dma_wait3A_125 = arith.constant 79 : i32
    %dma_wait3A_126 = arith.constant 0 : i32
    %dma_wait3A_127 = tpu.memref_slice %arg7[%dma_wait3A_125, %dma_wait3A_126] : memref<80x128xi32, #tpu.memory_space<vmem>> -> memref<1x128xi32, #tpu.memory_space<vmem>>
    %dma_wait3A_128 = tpu.memref_squeeze %dma_wait3A_127 : memref<1x128xi32, #tpu.memory_space<vmem>> -> memref<128xi32, #tpu.memory_space<vmem>>
    %dma_wait3A_129 = arith.constant 0 : i32
    %dma_wait3A_130 = arith.constant 0 : i32
    %dma_wait3A_131 = tpu.memref_slice %arg5[%dma_wait3A_129, %dma_wait3A_130] : memref<10240x16xf32, #tpu.memory_space<vmem_shared>> -> memref<10240x16xf32, #tpu.memory_space<vmem_shared>>
    tpu.wait_indirect_dma semaphore(%arg14 : memref<!tpu.dma_semaphore, #tpu.memory_space<semaphore_mem>>) src(%arg9 : memref<128x16xf32, #tpu.memory_space<vmem>>) dst(%dma_wait3A_131 : memref<10240x16xf32, #tpu.memory_space<vmem_shared>>)
    %dma_wait3A_132 = arith.constant 79 : i32
    %dma_wait3A_133 = arith.constant 0 : i32
    %dma_wait3A_134 = tpu.memref_slice %arg8[%dma_wait3A_132, %dma_wait3A_133] : memref<80x128xi32, #tpu.memory_space<vmem>> -> memref<1x128xi32, #tpu.memory_space<vmem>>
    %dma_wait3A_135 = tpu.memref_squeeze %dma_wait3A_134 : memref<1x128xi32, #tpu.memory_space<vmem>> -> memref<128xi32, #tpu.memory_space<vmem>>
    %dma_wait3A_136 = arith.constant 0 : i32
    %dma_wait3A_137 = arith.constant 0 : i32
    %dma_wait3A_138 = tpu.memref_slice %arg6[%dma_wait3A_136, %dma_wait3A_137] : memref<10240x16xf32, #tpu.memory_space<vmem_shared>> -> memref<10240x16xf32, #tpu.memory_space<vmem_shared>>
    tpu.wait_indirect_dma semaphore(%arg14 : memref<!tpu.dma_semaphore, #tpu.memory_space<semaphore_mem>>) src(%arg9 : memref<128x16xf32, #tpu.memory_space<vmem>>) dst(%dma_wait3A_138 : memref<10240x16xf32, #tpu.memory_space<vmem_shared>>)
    %barrier3A_139 = arith.constant 0 : index
    tpu.barrier barrier_id(%barrier3A_139)
    %mul3A_140 = arith.constant 640 : i32
    %mul3A_141 = arith.muli %arg1, %mul3A_140 : i32
    %mul3A_142 = arith.constant 640 : i32
    %mul3A_143 = arith.muli %arg1, %mul3A_142 : i32
    %run_scoped3A = arith.constant 0 : i32
    "tpu.region"() ({
      %run_scoped3A_149 = tpu.sem_alloc : memref<!tpu.dma_semaphore, #tpu.memory_space<semaphore_mem>>
      %dma_start3A_150 = arith.constant 0 : i32
      %dma_start3A_151 = tpu.memref_slice %arg4[%arg0, %run_scoped3A, %mul3A_143, %dma_start3A_150] : memref<2x2x10240x16xf32, #tpu.memory_space<hbm>> -> memref<1x1x640x16xf32, #tpu.memory_space<hbm>>
      %dma_start3A_152 = tpu.memref_squeeze %dma_start3A_151 : memref<1x1x640x16xf32, #tpu.memory_space<hbm>> -> memref<640x16xf32, #tpu.memory_space<hbm>>
      %dma_start3A_153 = arith.constant 0 : i32
      %dma_start3A_154 = tpu.memref_slice %arg5[%mul3A_141, %dma_start3A_153] : memref<10240x16xf32, #tpu.memory_space<vmem_shared>> -> memref<640x16xf32, #tpu.memory_space<vmem_shared>>
      tpu.enqueue_dma source(%dma_start3A_154 : memref<640x16xf32, #tpu.memory_space<vmem_shared>>) target(%dma_start3A_152 : memref<640x16xf32, #tpu.memory_space<hbm>>) target_semaphore(%run_scoped3A_149 : memref<!tpu.dma_semaphore, #tpu.memory_space<semaphore_mem>>)
      %dma_wait3A_155 = arith.constant 0 : i32
      %dma_wait3A_156 = tpu.memref_slice %arg4[%arg0, %run_scoped3A, %mul3A_143, %dma_wait3A_155] : memref<2x2x10240x16xf32, #tpu.memory_space<hbm>> -> memref<1x1x640x16xf32, #tpu.memory_space<hbm>>
      %dma_wait3A_157 = tpu.memref_squeeze %dma_wait3A_156 : memref<1x1x640x16xf32, #tpu.memory_space<hbm>> -> memref<640x16xf32, #tpu.memory_space<hbm>>
      %dma_wait3A_158 = arith.constant 0 : i32
      %dma_wait3A_159 = tpu.memref_slice %arg5[%mul3A_141, %dma_wait3A_158] : memref<10240x16xf32, #tpu.memory_space<vmem_shared>> -> memref<640x16xf32, #tpu.memory_space<vmem_shared>>
      tpu.wait_dma2 semaphore(%run_scoped3A_149 : memref<!tpu.dma_semaphore, #tpu.memory_space<semaphore_mem>>) src(%dma_wait3A_159 : memref<640x16xf32, #tpu.memory_space<vmem_shared>>) dst(%dma_wait3A_157 : memref<640x16xf32, #tpu.memory_space<hbm>>)
      tpu.yield
    }) : () -> ()
    %mul3A_144 = arith.constant 640 : i32
    %mul3A_145 = arith.muli %arg1, %mul3A_144 : i32
    %mul3A_146 = arith.constant 640 : i32
    %mul3A_147 = arith.muli %arg1, %mul3A_146 : i32
    %run_scoped3A_148 = arith.constant 1 : i32
    "tpu.region"() ({
      %run_scoped3A_149 = tpu.sem_alloc : memref<!tpu.dma_semaphore, #tpu.memory_space<semaphore_mem>>
      %dma_start3A_150 = arith.constant 0 : i32
      %dma_start3A_151 = tpu.memref_slice %arg4[%arg0, %run_scoped3A_148, %mul3A_147, %dma_start3A_150] : memref<2x2x10240x16xf32, #tpu.memory_space<hbm>> -> memref<1x1x640x16xf32, #tpu.memory_space<hbm>>
      %dma_start3A_152 = tpu.memref_squeeze %dma_start3A_151 : memref<1x1x640x16xf32, #tpu.memory_space<hbm>> -> memref<640x16xf32, #tpu.memory_space<hbm>>
      %dma_start3A_153 = arith.constant 0 : i32
      %dma_start3A_154 = tpu.memref_slice %arg6[%mul3A_145, %dma_start3A_153] : memref<10240x16xf32, #tpu.memory_space<vmem_shared>> -> memref<640x16xf32, #tpu.memory_space<vmem_shared>>
      tpu.enqueue_dma source(%dma_start3A_154 : memref<640x16xf32, #tpu.memory_space<vmem_shared>>) target(%dma_start3A_152 : memref<640x16xf32, #tpu.memory_space<hbm>>) target_semaphore(%run_scoped3A_149 : memref<!tpu.dma_semaphore, #tpu.memory_space<semaphore_mem>>)
      %dma_wait3A_155 = arith.constant 0 : i32
      %dma_wait3A_156 = tpu.memref_slice %arg4[%arg0, %run_scoped3A_148, %mul3A_147, %dma_wait3A_155] : memref<2x2x10240x16xf32, #tpu.memory_space<hbm>> -> memref<1x1x640x16xf32, #tpu.memory_space<hbm>>
      %dma_wait3A_157 = tpu.memref_squeeze %dma_wait3A_156 : memref<1x1x640x16xf32, #tpu.memory_space<hbm>> -> memref<640x16xf32, #tpu.memory_space<hbm>>
      %dma_wait3A_158 = arith.constant 0 : i32
      %dma_wait3A_159 = tpu.memref_slice %arg6[%mul3A_145, %dma_wait3A_158] : memref<10240x16xf32, #tpu.memory_space<vmem_shared>> -> memref<640x16xf32, #tpu.memory_space<vmem_shared>>
      tpu.wait_dma2 semaphore(%run_scoped3A_149 : memref<!tpu.dma_semaphore, #tpu.memory_space<semaphore_mem>>) src(%dma_wait3A_159 : memref<640x16xf32, #tpu.memory_space<vmem_shared>>) dst(%dma_wait3A_157 : memref<640x16xf32, #tpu.memory_space<hbm>>)
      tpu.yield
    }) : () -> ()
    return
  }
}

#map = affine_map<(d0, d1) -> (0, 0)>
#map1 = affine_map<(d0, d1) -> (0, 0, 0)>
module attributes {stable_mosaic.version = 14 : i64} {
  func.func @scat_kernel(%arg0: i32, %arg1: i32, %arg2: memref<20480x64xbf16, #tpu.memory_space<hbm>>, %arg3: memref<2x2560x128xi32, #tpu.memory_space<hbm>>, %arg4: memref<2560x128xi32, #tpu.memory_space<hbm>>, %arg5: memref<2x10240x64xbf16, #tpu.memory_space<hbm>>, %arg6: memref<10240x64xbf16, #tpu.memory_space<vmem_shared>>, %arg7: memref<160x128xi32, #tpu.memory_space<vmem>>, %arg8: memref<160x128xi32, #tpu.memory_space<vmem>>, %arg9: memref<128x64xbf16, #tpu.memory_space<vmem>>, %arg10: memref<128x64xbf16, #tpu.memory_space<vmem>>, %arg11: memref<128x64xbf16, #tpu.memory_space<vmem>>, %arg12: memref<128x64xbf16, #tpu.memory_space<vmem>>, %arg13: memref<64x64xbf16, #tpu.memory_space<vmem>>, %arg14: memref<!tpu.dma_semaphore, #tpu.memory_space<semaphore_mem>>, %arg15: memref<!tpu.dma_semaphore, #tpu.memory_space<semaphore_mem>>, %arg16: memref<!tpu.dma_semaphore, #tpu.memory_space<semaphore_mem>>, %arg17: memref<!tpu.dma_semaphore, #tpu.memory_space<semaphore_mem>>) attributes {dimension_semantics = [#tpu.dimension_semantics<core_parallel>, #tpu.dimension_semantics<subcore_parallel>], iteration_bounds = array<i64: 2, 16>, scalar_prefetch = 0 : i64, scratch_operands = 12 : i64, tpu.core_type = #tpu.core_type<sc_vector_subcore>, window_params = [{transform_indices = #map}, {transform_indices = #map1}, {transform_indices = #map}, {transform_indices = #map1}]} {
    %mul3A = arith.constant 160 : i32
    %mul3A_0 = arith.muli %arg1, %mul3A : i32
    "tpu.region"() ({
      %run_scoped3A = tpu.sem_alloc : memref<!tpu.dma_semaphore, #tpu.memory_space<semaphore_mem>>
      %dma_start3A_170 = arith.constant 0 : i32
      %dma_start3A_171 = tpu.memref_slice %arg3[%arg0, %mul3A_0, %dma_start3A_170] : memref<2x2560x128xi32, #tpu.memory_space<hbm>> -> memref<1x160x128xi32, #tpu.memory_space<hbm>>
      %dma_start3A_172 = tpu.memref_squeeze %dma_start3A_171 : memref<1x160x128xi32, #tpu.memory_space<hbm>> -> memref<160x128xi32, #tpu.memory_space<hbm>>
      %dma_start3A_173 = arith.constant 0 : i32
      %dma_start3A_174 = tpu.memref_slice %arg3[%arg0, %mul3A_0, %dma_start3A_173] : memref<2x2560x128xi32, #tpu.memory_space<hbm>> -> memref<1x160x128xi32, #tpu.memory_space<hbm>>
      %dma_start3A_175 = tpu.memref_squeeze %dma_start3A_174 : memref<1x160x128xi32, #tpu.memory_space<hbm>> -> memref<160x128xi32, #tpu.memory_space<hbm>>
      tpu.enqueue_dma source(%dma_start3A_175 : memref<160x128xi32, #tpu.memory_space<hbm>>) target(%arg7 : memref<160x128xi32, #tpu.memory_space<vmem>>) target_semaphore(%run_scoped3A : memref<!tpu.dma_semaphore, #tpu.memory_space<semaphore_mem>>)
      %dma_wait3A_176 = arith.constant 0 : i32
      %dma_wait3A_177 = tpu.memref_slice %arg3[%arg0, %mul3A_0, %dma_wait3A_176] : memref<2x2560x128xi32, #tpu.memory_space<hbm>> -> memref<1x160x128xi32, #tpu.memory_space<hbm>>
      %dma_wait3A_178 = tpu.memref_squeeze %dma_wait3A_177 : memref<1x160x128xi32, #tpu.memory_space<hbm>> -> memref<160x128xi32, #tpu.memory_space<hbm>>
      %dma_wait3A_179 = arith.constant 0 : i32
      %dma_wait3A_180 = tpu.memref_slice %arg3[%arg0, %mul3A_0, %dma_wait3A_179] : memref<2x2560x128xi32, #tpu.memory_space<hbm>> -> memref<1x160x128xi32, #tpu.memory_space<hbm>>
      %dma_wait3A_181 = tpu.memref_squeeze %dma_wait3A_180 : memref<1x160x128xi32, #tpu.memory_space<hbm>> -> memref<160x128xi32, #tpu.memory_space<hbm>>
      tpu.wait_dma2 semaphore(%run_scoped3A : memref<!tpu.dma_semaphore, #tpu.memory_space<semaphore_mem>>) src(%dma_wait3A_181 : memref<160x128xi32, #tpu.memory_space<hbm>>) dst(%arg7 : memref<160x128xi32, #tpu.memory_space<vmem>>)
      tpu.yield
    }) : () -> ()
    %mul3A_1 = arith.constant 160 : i32
    %mul3A_2 = arith.muli %arg1, %mul3A_1 : i32
    "tpu.region"() ({
      %run_scoped3A = tpu.sem_alloc : memref<!tpu.dma_semaphore, #tpu.memory_space<semaphore_mem>>
      %dma_start3A_170 = arith.constant 0 : i32
      %dma_start3A_171 = tpu.memref_slice %arg4[%mul3A_2, %dma_start3A_170] : memref<2560x128xi32, #tpu.memory_space<hbm>> -> memref<160x128xi32, #tpu.memory_space<hbm>>
      %dma_start3A_172 = arith.constant 0 : i32
      %dma_start3A_173 = tpu.memref_slice %arg4[%mul3A_2, %dma_start3A_172] : memref<2560x128xi32, #tpu.memory_space<hbm>> -> memref<160x128xi32, #tpu.memory_space<hbm>>
      tpu.enqueue_dma source(%dma_start3A_173 : memref<160x128xi32, #tpu.memory_space<hbm>>) target(%arg8 : memref<160x128xi32, #tpu.memory_space<vmem>>) target_semaphore(%run_scoped3A : memref<!tpu.dma_semaphore, #tpu.memory_space<semaphore_mem>>)
      %dma_wait3A_174 = arith.constant 0 : i32
      %dma_wait3A_175 = tpu.memref_slice %arg4[%mul3A_2, %dma_wait3A_174] : memref<2560x128xi32, #tpu.memory_space<hbm>> -> memref<160x128xi32, #tpu.memory_space<hbm>>
      %dma_wait3A_176 = arith.constant 0 : i32
      %dma_wait3A_177 = tpu.memref_slice %arg4[%mul3A_2, %dma_wait3A_176] : memref<2560x128xi32, #tpu.memory_space<hbm>> -> memref<160x128xi32, #tpu.memory_space<hbm>>
      tpu.wait_dma2 semaphore(%run_scoped3A : memref<!tpu.dma_semaphore, #tpu.memory_space<semaphore_mem>>) src(%dma_wait3A_177 : memref<160x128xi32, #tpu.memory_space<hbm>>) dst(%arg8 : memref<160x128xi32, #tpu.memory_space<vmem>>)
      tpu.yield
    }) : () -> ()
    %scan3A = arith.constant 0 : i32
    %scan3A_3 = arith.constant 0 : i32
    %scan3A_4 = arith.constant 64 : i32
    %scan3A_5 = arith.addi %scan3A_3, %scan3A_4 : i32
    %scan3A_6 = arith.constant 1 : i32
    %scan3A_7 = scf.for %scan3A_170 = %scan3A_3 to %scan3A_5 step %scan3A_6 iter_args(%scan3A_171 = %scan3A) -> (i32)  : i32 {
      %broadcast_in_dim3A = arith.constant 0.000000e+00 : bf16
      %broadcast_in_dim3A_172 = vector.broadcast %broadcast_in_dim3A : bf16 to vector<32xbf16>
      %swap3A = arith.index_cast %scan3A_170 : i32 to index
      %swap3A_173 = arith.constant 0 : index
      %swap3A_174 = tpu.vector_load %arg13[%swap3A, %swap3A_173] {strides = array<i32>} : memref<64x64xbf16, #tpu.memory_space<vmem>>, vector<1x32xbf16>,
      %swap3A_175 = vector.shape_cast %swap3A_174 : vector<1x32xbf16> to vector<32xbf16>
      %swap3A_176 = vector.shape_cast %broadcast_in_dim3A_172 : vector<32xbf16> to vector<1x32xbf16>
      tpu.vector_store %arg13[%swap3A, %swap3A_173], %swap3A_176 {strides = array<i32>} : memref<64x64xbf16, #tpu.memory_space<vmem>>, vector<1x32xbf16>,
      %broadcast_in_dim3A_177 = arith.constant 0.000000e+00 : bf16
      %broadcast_in_dim3A_178 = vector.broadcast %broadcast_in_dim3A_177 : bf16 to vector<32xbf16>
      %swap3A_179 = arith.index_cast %scan3A_170 : i32 to index
      %swap3A_180 = arith.constant 32 : index
      %swap3A_181 = tpu.vector_load %arg13[%swap3A_179, %swap3A_180] {strides = array<i32>} : memref<64x64xbf16, #tpu.memory_space<vmem>>, vector<1x32xbf16>,
      %swap3A_182 = vector.shape_cast %swap3A_181 : vector<1x32xbf16> to vector<32xbf16>
      %swap3A_183 = vector.shape_cast %broadcast_in_dim3A_178 : vector<32xbf16> to vector<1x32xbf16>
      tpu.vector_store %arg13[%swap3A_179, %swap3A_180], %swap3A_183 {strides = array<i32>} : memref<64x64xbf16, #tpu.memory_space<vmem>>, vector<1x32xbf16>,
      %scan3A_184 = arith.constant 0 : i32
      scf.yield %scan3A_184 : i32
    }
    %scan3A_8 = arith.constant 64 : i32
    %mul3A_9 = arith.constant 640 : i32
    %mul3A_10 = arith.muli %arg1, %mul3A_9 : i32
    %add3A = arith.constant 0 : i32
    %add3A_11 = arith.addi %mul3A_10, %add3A : i32
    "tpu.region"() ({
      %run_scoped3A = tpu.sem_alloc : memref<!tpu.dma_semaphore, #tpu.memory_space<semaphore_mem>>
      %dma_start3A_170 = arith.constant 0 : i32
      %dma_start3A_171 = tpu.memref_slice %arg6[%add3A_11, %dma_start3A_170] : memref<10240x64xbf16, #tpu.memory_space<vmem_shared>> -> memref<64x64xbf16, #tpu.memory_space<vmem_shared>>
      %dma_start3A_172 = arith.constant 0 : i32
      %dma_start3A_173 = tpu.memref_slice %arg6[%add3A_11, %dma_start3A_172] : memref<10240x64xbf16, #tpu.memory_space<vmem_shared>> -> memref<64x64xbf16, #tpu.memory_space<vmem_shared>>
      tpu.enqueue_dma source(%arg13 : memref<64x64xbf16, #tpu.memory_space<vmem>>) target(%dma_start3A_173 : memref<64x64xbf16, #tpu.memory_space<vmem_shared>>) target_semaphore(%run_scoped3A : memref<!tpu.dma_semaphore, #tpu.memory_space<semaphore_mem>>)
      %dma_wait3A_174 = arith.constant 0 : i32
      %dma_wait3A_175 = tpu.memref_slice %arg6[%add3A_11, %dma_wait3A_174] : memref<10240x64xbf16, #tpu.memory_space<vmem_shared>> -> memref<64x64xbf16, #tpu.memory_space<vmem_shared>>
      %dma_wait3A_176 = arith.constant 0 : i32
      %dma_wait3A_177 = tpu.memref_slice %arg6[%add3A_11, %dma_wait3A_176] : memref<10240x64xbf16, #tpu.memory_space<vmem_shared>> -> memref<64x64xbf16, #tpu.memory_space<vmem_shared>>
      tpu.wait_dma2 semaphore(%run_scoped3A : memref<!tpu.dma_semaphore, #tpu.memory_space<semaphore_mem>>) src(%arg13 : memref<64x64xbf16, #tpu.memory_space<vmem>>) dst(%dma_wait3A_177 : memref<64x64xbf16, #tpu.memory_space<vmem_shared>>)
      tpu.yield
    }) : () -> ()
    %mul3A_12 = arith.constant 640 : i32
    %mul3A_13 = arith.muli %arg1, %mul3A_12 : i32
    %add3A_14 = arith.constant 64 : i32
    %add3A_15 = arith.addi %mul3A_13, %add3A_14 : i32
    "tpu.region"() ({
      %run_scoped3A = tpu.sem_alloc : memref<!tpu.dma_semaphore, #tpu.memory_space<semaphore_mem>>
      %dma_start3A_170 = arith.constant 0 : i32
      %dma_start3A_171 = tpu.memref_slice %arg6[%add3A_15, %dma_start3A_170] : memref<10240x64xbf16, #tpu.memory_space<vmem_shared>> -> memref<64x64xbf16, #tpu.memory_space<vmem_shared>>
      %dma_start3A_172 = arith.constant 0 : i32
      %dma_start3A_173 = tpu.memref_slice %arg6[%add3A_15, %dma_start3A_172] : memref<10240x64xbf16, #tpu.memory_space<vmem_shared>> -> memref<64x64xbf16, #tpu.memory_space<vmem_shared>>
      tpu.enqueue_dma source(%arg13 : memref<64x64xbf16, #tpu.memory_space<vmem>>) target(%dma_start3A_173 : memref<64x64xbf16, #tpu.memory_space<vmem_shared>>) target_semaphore(%run_scoped3A : memref<!tpu.dma_semaphore, #tpu.memory_space<semaphore_mem>>)
      %dma_wait3A_174 = arith.constant 0 : i32
      %dma_wait3A_175 = tpu.memref_slice %arg6[%add3A_15, %dma_wait3A_174] : memref<10240x64xbf16, #tpu.memory_space<vmem_shared>> -> memref<64x64xbf16, #tpu.memory_space<vmem_shared>>
      %dma_wait3A_176 = arith.constant 0 : i32
      %dma_wait3A_177 = tpu.memref_slice %arg6[%add3A_15, %dma_wait3A_176] : memref<10240x64xbf16, #tpu.memory_space<vmem_shared>> -> memref<64x64xbf16, #tpu.memory_space<vmem_shared>>
      tpu.wait_dma2 semaphore(%run_scoped3A : memref<!tpu.dma_semaphore, #tpu.memory_space<semaphore_mem>>) src(%arg13 : memref<64x64xbf16, #tpu.memory_space<vmem>>) dst(%dma_wait3A_177 : memref<64x64xbf16, #tpu.memory_space<vmem_shared>>)
      tpu.yield
    }) : () -> ()
    %mul3A_16 = arith.constant 640 : i32
    %mul3A_17 = arith.muli %arg1, %mul3A_16 : i32
    %add3A_18 = arith.constant 128 : i32
    %add3A_19 = arith.addi %mul3A_17, %add3A_18 : i32
    "tpu.region"() ({
      %run_scoped3A = tpu.sem_alloc : memref<!tpu.dma_semaphore, #tpu.memory_space<semaphore_mem>>
      %dma_start3A_170 = arith.constant 0 : i32
      %dma_start3A_171 = tpu.memref_slice %arg6[%add3A_19, %dma_start3A_170] : memref<10240x64xbf16, #tpu.memory_space<vmem_shared>> -> memref<64x64xbf16, #tpu.memory_space<vmem_shared>>
      %dma_start3A_172 = arith.constant 0 : i32
      %dma_start3A_173 = tpu.memref_slice %arg6[%add3A_19, %dma_start3A_172] : memref<10240x64xbf16, #tpu.memory_space<vmem_shared>> -> memref<64x64xbf16, #tpu.memory_space<vmem_shared>>
      tpu.enqueue_dma source(%arg13 : memref<64x64xbf16, #tpu.memory_space<vmem>>) target(%dma_start3A_173 : memref<64x64xbf16, #tpu.memory_space<vmem_shared>>) target_semaphore(%run_scoped3A : memref<!tpu.dma_semaphore, #tpu.memory_space<semaphore_mem>>)
      %dma_wait3A_174 = arith.constant 0 : i32
      %dma_wait3A_175 = tpu.memref_slice %arg6[%add3A_19, %dma_wait3A_174] : memref<10240x64xbf16, #tpu.memory_space<vmem_shared>> -> memref<64x64xbf16, #tpu.memory_space<vmem_shared>>
      %dma_wait3A_176 = arith.constant 0 : i32
      %dma_wait3A_177 = tpu.memref_slice %arg6[%add3A_19, %dma_wait3A_176] : memref<10240x64xbf16, #tpu.memory_space<vmem_shared>> -> memref<64x64xbf16, #tpu.memory_space<vmem_shared>>
      tpu.wait_dma2 semaphore(%run_scoped3A : memref<!tpu.dma_semaphore, #tpu.memory_space<semaphore_mem>>) src(%arg13 : memref<64x64xbf16, #tpu.memory_space<vmem>>) dst(%dma_wait3A_177 : memref<64x64xbf16, #tpu.memory_space<vmem_shared>>)
      tpu.yield
    }) : () -> ()
    %mul3A_20 = arith.constant 640 : i32
    %mul3A_21 = arith.muli %arg1, %mul3A_20 : i32
    %add3A_22 = arith.constant 192 : i32
    %add3A_23 = arith.addi %mul3A_21, %add3A_22 : i32
    "tpu.region"() ({
      %run_scoped3A = tpu.sem_alloc : memref<!tpu.dma_semaphore, #tpu.memory_space<semaphore_mem>>
      %dma_start3A_170 = arith.constant 0 : i32
      %dma_start3A_171 = tpu.memref_slice %arg6[%add3A_23, %dma_start3A_170] : memref<10240x64xbf16, #tpu.memory_space<vmem_shared>> -> memref<64x64xbf16, #tpu.memory_space<vmem_shared>>
      %dma_start3A_172 = arith.constant 0 : i32
      %dma_start3A_173 = tpu.memref_slice %arg6[%add3A_23, %dma_start3A_172] : memref<10240x64xbf16, #tpu.memory_space<vmem_shared>> -> memref<64x64xbf16, #tpu.memory_space<vmem_shared>>
      tpu.enqueue_dma source(%arg13 : memref<64x64xbf16, #tpu.memory_space<vmem>>) target(%dma_start3A_173 : memref<64x64xbf16, #tpu.memory_space<vmem_shared>>) target_semaphore(%run_scoped3A : memref<!tpu.dma_semaphore, #tpu.memory_space<semaphore_mem>>)
      %dma_wait3A_174 = arith.constant 0 : i32
      %dma_wait3A_175 = tpu.memref_slice %arg6[%add3A_23, %dma_wait3A_174] : memref<10240x64xbf16, #tpu.memory_space<vmem_shared>> -> memref<64x64xbf16, #tpu.memory_space<vmem_shared>>
      %dma_wait3A_176 = arith.constant 0 : i32
      %dma_wait3A_177 = tpu.memref_slice %arg6[%add3A_23, %dma_wait3A_176] : memref<10240x64xbf16, #tpu.memory_space<vmem_shared>> -> memref<64x64xbf16, #tpu.memory_space<vmem_shared>>
      tpu.wait_dma2 semaphore(%run_scoped3A : memref<!tpu.dma_semaphore, #tpu.memory_space<semaphore_mem>>) src(%arg13 : memref<64x64xbf16, #tpu.memory_space<vmem>>) dst(%dma_wait3A_177 : memref<64x64xbf16, #tpu.memory_space<vmem_shared>>)
      tpu.yield
    }) : () -> ()
    %mul3A_24 = arith.constant 640 : i32
    %mul3A_25 = arith.muli %arg1, %mul3A_24 : i32
    %add3A_26 = arith.constant 256 : i32
    %add3A_27 = arith.addi %mul3A_25, %add3A_26 : i32
    "tpu.region"() ({
      %run_scoped3A = tpu.sem_alloc : memref<!tpu.dma_semaphore, #tpu.memory_space<semaphore_mem>>
      %dma_start3A_170 = arith.constant 0 : i32
      %dma_start3A_171 = tpu.memref_slice %arg6[%add3A_27, %dma_start3A_170] : memref<10240x64xbf16, #tpu.memory_space<vmem_shared>> -> memref<64x64xbf16, #tpu.memory_space<vmem_shared>>
      %dma_start3A_172 = arith.constant 0 : i32
      %dma_start3A_173 = tpu.memref_slice %arg6[%add3A_27, %dma_start3A_172] : memref<10240x64xbf16, #tpu.memory_space<vmem_shared>> -> memref<64x64xbf16, #tpu.memory_space<vmem_shared>>
      tpu.enqueue_dma source(%arg13 : memref<64x64xbf16, #tpu.memory_space<vmem>>) target(%dma_start3A_173 : memref<64x64xbf16, #tpu.memory_space<vmem_shared>>) target_semaphore(%run_scoped3A : memref<!tpu.dma_semaphore, #tpu.memory_space<semaphore_mem>>)
      %dma_wait3A_174 = arith.constant 0 : i32
      %dma_wait3A_175 = tpu.memref_slice %arg6[%add3A_27, %dma_wait3A_174] : memref<10240x64xbf16, #tpu.memory_space<vmem_shared>> -> memref<64x64xbf16, #tpu.memory_space<vmem_shared>>
      %dma_wait3A_176 = arith.constant 0 : i32
      %dma_wait3A_177 = tpu.memref_slice %arg6[%add3A_27, %dma_wait3A_176] : memref<10240x64xbf16, #tpu.memory_space<vmem_shared>> -> memref<64x64xbf16, #tpu.memory_space<vmem_shared>>
      tpu.wait_dma2 semaphore(%run_scoped3A : memref<!tpu.dma_semaphore, #tpu.memory_space<semaphore_mem>>) src(%arg13 : memref<64x64xbf16, #tpu.memory_space<vmem>>) dst(%dma_wait3A_177 : memref<64x64xbf16, #tpu.memory_space<vmem_shared>>)
      tpu.yield
    }) : () -> ()
    %mul3A_28 = arith.constant 640 : i32
    %mul3A_29 = arith.muli %arg1, %mul3A_28 : i32
    %add3A_30 = arith.constant 320 : i32
    %add3A_31 = arith.addi %mul3A_29, %add3A_30 : i32
    "tpu.region"() ({
      %run_scoped3A = tpu.sem_alloc : memref<!tpu.dma_semaphore, #tpu.memory_space<semaphore_mem>>
      %dma_start3A_170 = arith.constant 0 : i32
      %dma_start3A_171 = tpu.memref_slice %arg6[%add3A_31, %dma_start3A_170] : memref<10240x64xbf16, #tpu.memory_space<vmem_shared>> -> memref<64x64xbf16, #tpu.memory_space<vmem_shared>>
      %dma_start3A_172 = arith.constant 0 : i32
      %dma_start3A_173 = tpu.memref_slice %arg6[%add3A_31, %dma_start3A_172] : memref<10240x64xbf16, #tpu.memory_space<vmem_shared>> -> memref<64x64xbf16, #tpu.memory_space<vmem_shared>>
      tpu.enqueue_dma source(%arg13 : memref<64x64xbf16, #tpu.memory_space<vmem>>) target(%dma_start3A_173 : memref<64x64xbf16, #tpu.memory_space<vmem_shared>>) target_semaphore(%run_scoped3A : memref<!tpu.dma_semaphore, #tpu.memory_space<semaphore_mem>>)
      %dma_wait3A_174 = arith.constant 0 : i32
      %dma_wait3A_175 = tpu.memref_slice %arg6[%add3A_31, %dma_wait3A_174] : memref<10240x64xbf16, #tpu.memory_space<vmem_shared>> -> memref<64x64xbf16, #tpu.memory_space<vmem_shared>>
      %dma_wait3A_176 = arith.constant 0 : i32
      %dma_wait3A_177 = tpu.memref_slice %arg6[%add3A_31, %dma_wait3A_176] : memref<10240x64xbf16, #tpu.memory_space<vmem_shared>> -> memref<64x64xbf16, #tpu.memory_space<vmem_shared>>
      tpu.wait_dma2 semaphore(%run_scoped3A : memref<!tpu.dma_semaphore, #tpu.memory_space<semaphore_mem>>) src(%arg13 : memref<64x64xbf16, #tpu.memory_space<vmem>>) dst(%dma_wait3A_177 : memref<64x64xbf16, #tpu.memory_space<vmem_shared>>)
      tpu.yield
    }) : () -> ()
    %mul3A_32 = arith.constant 640 : i32
    %mul3A_33 = arith.muli %arg1, %mul3A_32 : i32
    %add3A_34 = arith.constant 384 : i32
    %add3A_35 = arith.addi %mul3A_33, %add3A_34 : i32
    "tpu.region"() ({
      %run_scoped3A = tpu.sem_alloc : memref<!tpu.dma_semaphore, #tpu.memory_space<semaphore_mem>>
      %dma_start3A_170 = arith.constant 0 : i32
      %dma_start3A_171 = tpu.memref_slice %arg6[%add3A_35, %dma_start3A_170] : memref<10240x64xbf16, #tpu.memory_space<vmem_shared>> -> memref<64x64xbf16, #tpu.memory_space<vmem_shared>>
      %dma_start3A_172 = arith.constant 0 : i32
      %dma_start3A_173 = tpu.memref_slice %arg6[%add3A_35, %dma_start3A_172] : memref<10240x64xbf16, #tpu.memory_space<vmem_shared>> -> memref<64x64xbf16, #tpu.memory_space<vmem_shared>>
      tpu.enqueue_dma source(%arg13 : memref<64x64xbf16, #tpu.memory_space<vmem>>) target(%dma_start3A_173 : memref<64x64xbf16, #tpu.memory_space<vmem_shared>>) target_semaphore(%run_scoped3A : memref<!tpu.dma_semaphore, #tpu.memory_space<semaphore_mem>>)
      %dma_wait3A_174 = arith.constant 0 : i32
      %dma_wait3A_175 = tpu.memref_slice %arg6[%add3A_35, %dma_wait3A_174] : memref<10240x64xbf16, #tpu.memory_space<vmem_shared>> -> memref<64x64xbf16, #tpu.memory_space<vmem_shared>>
      %dma_wait3A_176 = arith.constant 0 : i32
      %dma_wait3A_177 = tpu.memref_slice %arg6[%add3A_35, %dma_wait3A_176] : memref<10240x64xbf16, #tpu.memory_space<vmem_shared>> -> memref<64x64xbf16, #tpu.memory_space<vmem_shared>>
      tpu.wait_dma2 semaphore(%run_scoped3A : memref<!tpu.dma_semaphore, #tpu.memory_space<semaphore_mem>>) src(%arg13 : memref<64x64xbf16, #tpu.memory_space<vmem>>) dst(%dma_wait3A_177 : memref<64x64xbf16, #tpu.memory_space<vmem_shared>>)
      tpu.yield
    }) : () -> ()
    %mul3A_36 = arith.constant 640 : i32
    %mul3A_37 = arith.muli %arg1, %mul3A_36 : i32
    %add3A_38 = arith.constant 448 : i32
    %add3A_39 = arith.addi %mul3A_37, %add3A_38 : i32
    "tpu.region"() ({
      %run_scoped3A = tpu.sem_alloc : memref<!tpu.dma_semaphore, #tpu.memory_space<semaphore_mem>>
      %dma_start3A_170 = arith.constant 0 : i32
      %dma_start3A_171 = tpu.memref_slice %arg6[%add3A_39, %dma_start3A_170] : memref<10240x64xbf16, #tpu.memory_space<vmem_shared>> -> memref<64x64xbf16, #tpu.memory_space<vmem_shared>>
      %dma_start3A_172 = arith.constant 0 : i32
      %dma_start3A_173 = tpu.memref_slice %arg6[%add3A_39, %dma_start3A_172] : memref<10240x64xbf16, #tpu.memory_space<vmem_shared>> -> memref<64x64xbf16, #tpu.memory_space<vmem_shared>>
      tpu.enqueue_dma source(%arg13 : memref<64x64xbf16, #tpu.memory_space<vmem>>) target(%dma_start3A_173 : memref<64x64xbf16, #tpu.memory_space<vmem_shared>>) target_semaphore(%run_scoped3A : memref<!tpu.dma_semaphore, #tpu.memory_space<semaphore_mem>>)
      %dma_wait3A_174 = arith.constant 0 : i32
      %dma_wait3A_175 = tpu.memref_slice %arg6[%add3A_39, %dma_wait3A_174] : memref<10240x64xbf16, #tpu.memory_space<vmem_shared>> -> memref<64x64xbf16, #tpu.memory_space<vmem_shared>>
      %dma_wait3A_176 = arith.constant 0 : i32
      %dma_wait3A_177 = tpu.memref_slice %arg6[%add3A_39, %dma_wait3A_176] : memref<10240x64xbf16, #tpu.memory_space<vmem_shared>> -> memref<64x64xbf16, #tpu.memory_space<vmem_shared>>
      tpu.wait_dma2 semaphore(%run_scoped3A : memref<!tpu.dma_semaphore, #tpu.memory_space<semaphore_mem>>) src(%arg13 : memref<64x64xbf16, #tpu.memory_space<vmem>>) dst(%dma_wait3A_177 : memref<64x64xbf16, #tpu.memory_space<vmem_shared>>)
      tpu.yield
    }) : () -> ()
    %mul3A_40 = arith.constant 640 : i32
    %mul3A_41 = arith.muli %arg1, %mul3A_40 : i32
    %add3A_42 = arith.constant 512 : i32
    %add3A_43 = arith.addi %mul3A_41, %add3A_42 : i32
    "tpu.region"() ({
      %run_scoped3A = tpu.sem_alloc : memref<!tpu.dma_semaphore, #tpu.memory_space<semaphore_mem>>
      %dma_start3A_170 = arith.constant 0 : i32
      %dma_start3A_171 = tpu.memref_slice %arg6[%add3A_43, %dma_start3A_170] : memref<10240x64xbf16, #tpu.memory_space<vmem_shared>> -> memref<64x64xbf16, #tpu.memory_space<vmem_shared>>
      %dma_start3A_172 = arith.constant 0 : i32
      %dma_start3A_173 = tpu.memref_slice %arg6[%add3A_43, %dma_start3A_172] : memref<10240x64xbf16, #tpu.memory_space<vmem_shared>> -> memref<64x64xbf16, #tpu.memory_space<vmem_shared>>
      tpu.enqueue_dma source(%arg13 : memref<64x64xbf16, #tpu.memory_space<vmem>>) target(%dma_start3A_173 : memref<64x64xbf16, #tpu.memory_space<vmem_shared>>) target_semaphore(%run_scoped3A : memref<!tpu.dma_semaphore, #tpu.memory_space<semaphore_mem>>)
      %dma_wait3A_174 = arith.constant 0 : i32
      %dma_wait3A_175 = tpu.memref_slice %arg6[%add3A_43, %dma_wait3A_174] : memref<10240x64xbf16, #tpu.memory_space<vmem_shared>> -> memref<64x64xbf16, #tpu.memory_space<vmem_shared>>
      %dma_wait3A_176 = arith.constant 0 : i32
      %dma_wait3A_177 = tpu.memref_slice %arg6[%add3A_43, %dma_wait3A_176] : memref<10240x64xbf16, #tpu.memory_space<vmem_shared>> -> memref<64x64xbf16, #tpu.memory_space<vmem_shared>>
      tpu.wait_dma2 semaphore(%run_scoped3A : memref<!tpu.dma_semaphore, #tpu.memory_space<semaphore_mem>>) src(%arg13 : memref<64x64xbf16, #tpu.memory_space<vmem>>) dst(%dma_wait3A_177 : memref<64x64xbf16, #tpu.memory_space<vmem_shared>>)
      tpu.yield
    }) : () -> ()
    %mul3A_44 = arith.constant 640 : i32
    %mul3A_45 = arith.muli %arg1, %mul3A_44 : i32
    %add3A_46 = arith.constant 576 : i32
    %add3A_47 = arith.addi %mul3A_45, %add3A_46 : i32
    "tpu.region"() ({
      %run_scoped3A = tpu.sem_alloc : memref<!tpu.dma_semaphore, #tpu.memory_space<semaphore_mem>>
      %dma_start3A_170 = arith.constant 0 : i32
      %dma_start3A_171 = tpu.memref_slice %arg6[%add3A_47, %dma_start3A_170] : memref<10240x64xbf16, #tpu.memory_space<vmem_shared>> -> memref<64x64xbf16, #tpu.memory_space<vmem_shared>>
      %dma_start3A_172 = arith.constant 0 : i32
      %dma_start3A_173 = tpu.memref_slice %arg6[%add3A_47, %dma_start3A_172] : memref<10240x64xbf16, #tpu.memory_space<vmem_shared>> -> memref<64x64xbf16, #tpu.memory_space<vmem_shared>>
      tpu.enqueue_dma source(%arg13 : memref<64x64xbf16, #tpu.memory_space<vmem>>) target(%dma_start3A_173 : memref<64x64xbf16, #tpu.memory_space<vmem_shared>>) target_semaphore(%run_scoped3A : memref<!tpu.dma_semaphore, #tpu.memory_space<semaphore_mem>>)
      %dma_wait3A_174 = arith.constant 0 : i32
      %dma_wait3A_175 = tpu.memref_slice %arg6[%add3A_47, %dma_wait3A_174] : memref<10240x64xbf16, #tpu.memory_space<vmem_shared>> -> memref<64x64xbf16, #tpu.memory_space<vmem_shared>>
      %dma_wait3A_176 = arith.constant 0 : i32
      %dma_wait3A_177 = tpu.memref_slice %arg6[%add3A_47, %dma_wait3A_176] : memref<10240x64xbf16, #tpu.memory_space<vmem_shared>> -> memref<64x64xbf16, #tpu.memory_space<vmem_shared>>
      tpu.wait_dma2 semaphore(%run_scoped3A : memref<!tpu.dma_semaphore, #tpu.memory_space<semaphore_mem>>) src(%arg13 : memref<64x64xbf16, #tpu.memory_space<vmem>>) dst(%dma_wait3A_177 : memref<64x64xbf16, #tpu.memory_space<vmem_shared>>)
      tpu.yield
    }) : () -> ()
    %barrier3A = arith.constant 0 : index
    tpu.barrier barrier_id(%barrier3A)
    %dma_start3A = arith.constant 0 : i32
    %dma_start3A_48 = arith.constant 0 : i32
    %dma_start3A_49 = tpu.memref_slice %arg7[%dma_start3A, %dma_start3A_48] : memref<160x128xi32, #tpu.memory_space<vmem>> -> memref<1x128xi32, #tpu.memory_space<vmem>>
    %dma_start3A_50 = tpu.memref_squeeze %dma_start3A_49 : memref<1x128xi32, #tpu.memory_space<vmem>> -> memref<128xi32, #tpu.memory_space<vmem>>
    %dma_start3A_51 = arith.constant 0 : i32
    %dma_start3A_52 = arith.constant 0 : i32
    %dma_start3A_53 = tpu.memref_slice %arg2[%dma_start3A_51, %dma_start3A_52] : memref<20480x64xbf16, #tpu.memory_space<hbm>> -> memref<20480x64xbf16, #tpu.memory_space<hbm>>
    tpu.enqueue_indirect_dma source(%dma_start3A_53 : memref<20480x64xbf16, #tpu.memory_space<hbm>>) target(%arg9 : memref<128x64xbf16, #tpu.memory_space<vmem>>) offsets(%dma_start3A_50 : memref<128xi32, #tpu.memory_space<vmem>>) semaphore(%arg14 : memref<!tpu.dma_semaphore, #tpu.memory_space<semaphore_mem>>)
    %dma_start3A_54 = arith.constant 1 : i32
    %dma_start3A_55 = arith.constant 0 : i32
    %dma_start3A_56 = tpu.memref_slice %arg7[%dma_start3A_54, %dma_start3A_55] : memref<160x128xi32, #tpu.memory_space<vmem>> -> memref<1x128xi32, #tpu.memory_space<vmem>>
    %dma_start3A_57 = tpu.memref_squeeze %dma_start3A_56 : memref<1x128xi32, #tpu.memory_space<vmem>> -> memref<128xi32, #tpu.memory_space<vmem>>
    %dma_start3A_58 = arith.constant 0 : i32
    %dma_start3A_59 = arith.constant 0 : i32
    %dma_start3A_60 = tpu.memref_slice %arg2[%dma_start3A_58, %dma_start3A_59] : memref<20480x64xbf16, #tpu.memory_space<hbm>> -> memref<20480x64xbf16, #tpu.memory_space<hbm>>
    tpu.enqueue_indirect_dma source(%dma_start3A_60 : memref<20480x64xbf16, #tpu.memory_space<hbm>>) target(%arg10 : memref<128x64xbf16, #tpu.memory_space<vmem>>) offsets(%dma_start3A_57 : memref<128xi32, #tpu.memory_space<vmem>>) semaphore(%arg15 : memref<!tpu.dma_semaphore, #tpu.memory_space<semaphore_mem>>)
    %dma_start3A_61 = arith.constant 2 : i32
    %dma_start3A_62 = arith.constant 0 : i32
    %dma_start3A_63 = tpu.memref_slice %arg7[%dma_start3A_61, %dma_start3A_62] : memref<160x128xi32, #tpu.memory_space<vmem>> -> memref<1x128xi32, #tpu.memory_space<vmem>>
    %dma_start3A_64 = tpu.memref_squeeze %dma_start3A_63 : memref<1x128xi32, #tpu.memory_space<vmem>> -> memref<128xi32, #tpu.memory_space<vmem>>
    %dma_start3A_65 = arith.constant 0 : i32
    %dma_start3A_66 = arith.constant 0 : i32
    %dma_start3A_67 = tpu.memref_slice %arg2[%dma_start3A_65, %dma_start3A_66] : memref<20480x64xbf16, #tpu.memory_space<hbm>> -> memref<20480x64xbf16, #tpu.memory_space<hbm>>
    tpu.enqueue_indirect_dma source(%dma_start3A_67 : memref<20480x64xbf16, #tpu.memory_space<hbm>>) target(%arg11 : memref<128x64xbf16, #tpu.memory_space<vmem>>) offsets(%dma_start3A_64 : memref<128xi32, #tpu.memory_space<vmem>>) semaphore(%arg16 : memref<!tpu.dma_semaphore, #tpu.memory_space<semaphore_mem>>)
    %dma_start3A_68 = arith.constant 3 : i32
    %dma_start3A_69 = arith.constant 0 : i32
    %dma_start3A_70 = tpu.memref_slice %arg7[%dma_start3A_68, %dma_start3A_69] : memref<160x128xi32, #tpu.memory_space<vmem>> -> memref<1x128xi32, #tpu.memory_space<vmem>>
    %dma_start3A_71 = tpu.memref_squeeze %dma_start3A_70 : memref<1x128xi32, #tpu.memory_space<vmem>> -> memref<128xi32, #tpu.memory_space<vmem>>
    %dma_start3A_72 = arith.constant 0 : i32
    %dma_start3A_73 = arith.constant 0 : i32
    %dma_start3A_74 = tpu.memref_slice %arg2[%dma_start3A_72, %dma_start3A_73] : memref<20480x64xbf16, #tpu.memory_space<hbm>> -> memref<20480x64xbf16, #tpu.memory_space<hbm>>
    tpu.enqueue_indirect_dma source(%dma_start3A_74 : memref<20480x64xbf16, #tpu.memory_space<hbm>>) target(%arg12 : memref<128x64xbf16, #tpu.memory_space<vmem>>) offsets(%dma_start3A_71 : memref<128xi32, #tpu.memory_space<vmem>>) semaphore(%arg17 : memref<!tpu.dma_semaphore, #tpu.memory_space<semaphore_mem>>)
    %dma_wait3A = arith.constant 0 : i32
    %dma_wait3A_75 = arith.constant 0 : i32
    %dma_wait3A_76 = tpu.memref_slice %arg7[%dma_wait3A, %dma_wait3A_75] : memref<160x128xi32, #tpu.memory_space<vmem>> -> memref<1x128xi32, #tpu.memory_space<vmem>>
    %dma_wait3A_77 = tpu.memref_squeeze %dma_wait3A_76 : memref<1x128xi32, #tpu.memory_space<vmem>> -> memref<128xi32, #tpu.memory_space<vmem>>
    %dma_wait3A_78 = arith.constant 0 : i32
    %dma_wait3A_79 = arith.constant 0 : i32
    %dma_wait3A_80 = tpu.memref_slice %arg2[%dma_wait3A_78, %dma_wait3A_79] : memref<20480x64xbf16, #tpu.memory_space<hbm>> -> memref<20480x64xbf16, #tpu.memory_space<hbm>>
    tpu.wait_indirect_dma semaphore(%arg14 : memref<!tpu.dma_semaphore, #tpu.memory_space<semaphore_mem>>) src(%dma_wait3A_80 : memref<20480x64xbf16, #tpu.memory_space<hbm>>) dst(%arg9 : memref<128x64xbf16, #tpu.memory_space<vmem>>)
    %dma_wait3A_81 = arith.constant 0 : i32
    %dma_wait3A_82 = arith.constant 0 : i32
    %dma_wait3A_83 = tpu.memref_slice %arg7[%dma_wait3A_81, %dma_wait3A_82] : memref<160x128xi32, #tpu.memory_space<vmem>> -> memref<1x128xi32, #tpu.memory_space<vmem>>
    %dma_wait3A_84 = tpu.memref_squeeze %dma_wait3A_83 : memref<1x128xi32, #tpu.memory_space<vmem>> -> memref<128xi32, #tpu.memory_space<vmem>>
    %dma_wait3A_85 = arith.constant 0 : i32
    %dma_wait3A_86 = arith.constant 0 : i32
    %dma_wait3A_87 = tpu.memref_slice %arg2[%dma_wait3A_85, %dma_wait3A_86] : memref<20480x64xbf16, #tpu.memory_space<hbm>> -> memref<20480x64xbf16, #tpu.memory_space<hbm>>
    tpu.wait_indirect_dma semaphore(%arg15 : memref<!tpu.dma_semaphore, #tpu.memory_space<semaphore_mem>>) src(%dma_wait3A_87 : memref<20480x64xbf16, #tpu.memory_space<hbm>>) dst(%arg10 : memref<128x64xbf16, #tpu.memory_space<vmem>>)
    %dma_start3A_88 = arith.constant 0 : i32
    %dma_start3A_89 = arith.constant 0 : i32
    %dma_start3A_90 = tpu.memref_slice %arg8[%dma_start3A_88, %dma_start3A_89] : memref<160x128xi32, #tpu.memory_space<vmem>> -> memref<1x128xi32, #tpu.memory_space<vmem>>
    %dma_start3A_91 = tpu.memref_squeeze %dma_start3A_90 : memref<1x128xi32, #tpu.memory_space<vmem>> -> memref<128xi32, #tpu.memory_space<vmem>>
    %dma_start3A_92 = arith.constant 0 : i32
    %dma_start3A_93 = arith.constant 0 : i32
    %dma_start3A_94 = tpu.memref_slice %arg6[%dma_start3A_92, %dma_start3A_93] : memref<10240x64xbf16, #tpu.memory_space<vmem_shared>> -> memref<10240x64xbf16, #tpu.memory_space<vmem_shared>>
    tpu.enqueue_indirect_dma source(%arg9 : memref<128x64xbf16, #tpu.memory_space<vmem>>) target(%dma_start3A_94 : memref<10240x64xbf16, #tpu.memory_space<vmem_shared>>) offsets(%dma_start3A_91 : memref<128xi32, #tpu.memory_space<vmem>>) semaphore(%arg14 : memref<!tpu.dma_semaphore, #tpu.memory_space<semaphore_mem>>) {add = true}
    %dma_start3A_95 = arith.constant 1 : i32
    %dma_start3A_96 = arith.constant 0 : i32
    %dma_start3A_97 = tpu.memref_slice %arg8[%dma_start3A_95, %dma_start3A_96] : memref<160x128xi32, #tpu.memory_space<vmem>> -> memref<1x128xi32, #tpu.memory_space<vmem>>
    %dma_start3A_98 = tpu.memref_squeeze %dma_start3A_97 : memref<1x128xi32, #tpu.memory_space<vmem>> -> memref<128xi32, #tpu.memory_space<vmem>>
    %dma_start3A_99 = arith.constant 0 : i32
    %dma_start3A_100 = arith.constant 0 : i32
    %dma_start3A_101 = tpu.memref_slice %arg6[%dma_start3A_99, %dma_start3A_100] : memref<10240x64xbf16, #tpu.memory_space<vmem_shared>> -> memref<10240x64xbf16, #tpu.memory_space<vmem_shared>>
    tpu.enqueue_indirect_dma source(%arg10 : memref<128x64xbf16, #tpu.memory_space<vmem>>) target(%dma_start3A_101 : memref<10240x64xbf16, #tpu.memory_space<vmem_shared>>) offsets(%dma_start3A_98 : memref<128xi32, #tpu.memory_space<vmem>>) semaphore(%arg15 : memref<!tpu.dma_semaphore, #tpu.memory_space<semaphore_mem>>) {add = true}
    %scan3A_102 = arith.constant 0 : i32
    %scan3A_103 = arith.constant 1 : i32
    %scan3A_104 = arith.constant 39 : i32
    %scan3A_105 = arith.addi %scan3A_103, %scan3A_104 : i32
    %scan3A_106 = arith.constant 1 : i32
    %scan3A_107 = scf.for %scan3A_170 = %scan3A_103 to %scan3A_105 step %scan3A_106 iter_args(%scan3A_171 = %scan3A_102) -> (i32)  : i32 {
      %mul3A_172 = arith.constant 2 : i32
      %mul3A_173 = arith.muli %mul3A_172, %scan3A_170 : i32
      %add3A_174 = arith.constant 0 : i32
      %add3A_175 = arith.addi %mul3A_173, %add3A_174 : i32
      %dma_wait3A_176 = arith.constant 0 : i32
      %dma_wait3A_177 = arith.constant 0 : i32
      %dma_wait3A_178 = tpu.memref_slice %arg7[%dma_wait3A_176, %dma_wait3A_177] : memref<160x128xi32, #tpu.memory_space<vmem>> -> memref<1x128xi32, #tpu.memory_space<vmem>>
      %dma_wait3A_179 = tpu.memref_squeeze %dma_wait3A_178 : memref<1x128xi32, #tpu.memory_space<vmem>> -> memref<128xi32, #tpu.memory_space<vmem>>
      %dma_wait3A_180 = arith.constant 0 : i32
      %dma_wait3A_181 = arith.constant 0 : i32
      %dma_wait3A_182 = tpu.memref_slice %arg2[%dma_wait3A_180, %dma_wait3A_181] : memref<20480x64xbf16, #tpu.memory_space<hbm>> -> memref<20480x64xbf16, #tpu.memory_space<hbm>>
      tpu.wait_indirect_dma semaphore(%arg14 : memref<!tpu.dma_semaphore, #tpu.memory_space<semaphore_mem>>) src(%dma_wait3A_182 : memref<20480x64xbf16, #tpu.memory_space<hbm>>) dst(%arg9 : memref<128x64xbf16, #tpu.memory_space<vmem>>)
      %dma_wait3A_183 = arith.constant 0 : i32
      %dma_wait3A_184 = arith.constant 0 : i32
      %dma_wait3A_185 = tpu.memref_slice %arg7[%dma_wait3A_183, %dma_wait3A_184] : memref<160x128xi32, #tpu.memory_space<vmem>> -> memref<1x128xi32, #tpu.memory_space<vmem>>
      %dma_wait3A_186 = tpu.memref_squeeze %dma_wait3A_185 : memref<1x128xi32, #tpu.memory_space<vmem>> -> memref<128xi32, #tpu.memory_space<vmem>>
      %dma_wait3A_187 = arith.constant 0 : i32
      %dma_wait3A_188 = arith.constant 0 : i32
      %dma_wait3A_189 = tpu.memref_slice %arg2[%dma_wait3A_187, %dma_wait3A_188] : memref<20480x64xbf16, #tpu.memory_space<hbm>> -> memref<20480x64xbf16, #tpu.memory_space<hbm>>
      tpu.wait_indirect_dma semaphore(%arg15 : memref<!tpu.dma_semaphore, #tpu.memory_space<semaphore_mem>>) src(%dma_wait3A_189 : memref<20480x64xbf16, #tpu.memory_space<hbm>>) dst(%arg10 : memref<128x64xbf16, #tpu.memory_space<vmem>>)
      %mul3A_190 = arith.constant 2 : i32
      %mul3A_191 = arith.muli %mul3A_190, %add3A_175 : i32
      %dma_start3A_192 = arith.constant 0 : i32
      %dma_start3A_193 = tpu.memref_slice %arg7[%mul3A_191, %dma_start3A_192] : memref<160x128xi32, #tpu.memory_space<vmem>> -> memref<1x128xi32, #tpu.memory_space<vmem>>
      %dma_start3A_194 = tpu.memref_squeeze %dma_start3A_193 : memref<1x128xi32, #tpu.memory_space<vmem>> -> memref<128xi32, #tpu.memory_space<vmem>>
      %dma_start3A_195 = arith.constant 0 : i32
      %dma_start3A_196 = arith.constant 0 : i32
      %dma_start3A_197 = tpu.memref_slice %arg2[%dma_start3A_195, %dma_start3A_196] : memref<20480x64xbf16, #tpu.memory_space<hbm>> -> memref<20480x64xbf16, #tpu.memory_space<hbm>>
      tpu.enqueue_indirect_dma source(%dma_start3A_197 : memref<20480x64xbf16, #tpu.memory_space<hbm>>) target(%arg9 : memref<128x64xbf16, #tpu.memory_space<vmem>>) offsets(%dma_start3A_194 : memref<128xi32, #tpu.memory_space<vmem>>) semaphore(%arg14 : memref<!tpu.dma_semaphore, #tpu.memory_space<semaphore_mem>>)
      %mul3A_198 = arith.constant 2 : i32
      %mul3A_199 = arith.muli %mul3A_198, %add3A_175 : i32
      %add3A_200 = arith.constant 1 : i32
      %add3A_201 = arith.addi %mul3A_199, %add3A_200 : i32
      %dma_start3A_202 = arith.constant 0 : i32
      %dma_start3A_203 = tpu.memref_slice %arg7[%add3A_201, %dma_start3A_202] : memref<160x128xi32, #tpu.memory_space<vmem>> -> memref<1x128xi32, #tpu.memory_space<vmem>>
      %dma_start3A_204 = tpu.memref_squeeze %dma_start3A_203 : memref<1x128xi32, #tpu.memory_space<vmem>> -> memref<128xi32, #tpu.memory_space<vmem>>
      %dma_start3A_205 = arith.constant 0 : i32
      %dma_start3A_206 = arith.constant 0 : i32
      %dma_start3A_207 = tpu.memref_slice %arg2[%dma_start3A_205, %dma_start3A_206] : memref<20480x64xbf16, #tpu.memory_space<hbm>> -> memref<20480x64xbf16, #tpu.memory_space<hbm>>
      tpu.enqueue_indirect_dma source(%dma_start3A_207 : memref<20480x64xbf16, #tpu.memory_space<hbm>>) target(%arg10 : memref<128x64xbf16, #tpu.memory_space<vmem>>) offsets(%dma_start3A_204 : memref<128xi32, #tpu.memory_space<vmem>>) semaphore(%arg15 : memref<!tpu.dma_semaphore, #tpu.memory_space<semaphore_mem>>)
      %dma_wait3A_208 = arith.constant 0 : i32
      %dma_wait3A_209 = arith.constant 0 : i32
      %dma_wait3A_210 = tpu.memref_slice %arg7[%dma_wait3A_208, %dma_wait3A_209] : memref<160x128xi32, #tpu.memory_space<vmem>> -> memref<1x128xi32, #tpu.memory_space<vmem>>
      %dma_wait3A_211 = tpu.memref_squeeze %dma_wait3A_210 : memref<1x128xi32, #tpu.memory_space<vmem>> -> memref<128xi32, #tpu.memory_space<vmem>>
      %dma_wait3A_212 = arith.constant 0 : i32
      %dma_wait3A_213 = arith.constant 0 : i32
      %dma_wait3A_214 = tpu.memref_slice %arg2[%dma_wait3A_212, %dma_wait3A_213] : memref<20480x64xbf16, #tpu.memory_space<hbm>> -> memref<20480x64xbf16, #tpu.memory_space<hbm>>
      tpu.wait_indirect_dma semaphore(%arg16 : memref<!tpu.dma_semaphore, #tpu.memory_space<semaphore_mem>>) src(%dma_wait3A_214 : memref<20480x64xbf16, #tpu.memory_space<hbm>>) dst(%arg11 : memref<128x64xbf16, #tpu.memory_space<vmem>>)
      %dma_wait3A_215 = arith.constant 0 : i32
      %dma_wait3A_216 = arith.constant 0 : i32
      %dma_wait3A_217 = tpu.memref_slice %arg7[%dma_wait3A_215, %dma_wait3A_216] : memref<160x128xi32, #tpu.memory_space<vmem>> -> memref<1x128xi32, #tpu.memory_space<vmem>>
      %dma_wait3A_218 = tpu.memref_squeeze %dma_wait3A_217 : memref<1x128xi32, #tpu.memory_space<vmem>> -> memref<128xi32, #tpu.memory_space<vmem>>
      %dma_wait3A_219 = arith.constant 0 : i32
      %dma_wait3A_220 = arith.constant 0 : i32
      %dma_wait3A_221 = tpu.memref_slice %arg2[%dma_wait3A_219, %dma_wait3A_220] : memref<20480x64xbf16, #tpu.memory_space<hbm>> -> memref<20480x64xbf16, #tpu.memory_space<hbm>>
      tpu.wait_indirect_dma semaphore(%arg17 : memref<!tpu.dma_semaphore, #tpu.memory_space<semaphore_mem>>) src(%dma_wait3A_221 : memref<20480x64xbf16, #tpu.memory_space<hbm>>) dst(%arg12 : memref<128x64xbf16, #tpu.memory_space<vmem>>)
      %sub3A = arith.constant 1 : i32
      %sub3A_222 = arith.subi %add3A_175, %sub3A : i32
      %mul3A_223 = arith.constant 2 : i32
      %mul3A_224 = arith.muli %mul3A_223, %sub3A_222 : i32
      %dma_start3A_225 = arith.constant 0 : i32
      %dma_start3A_226 = tpu.memref_slice %arg8[%mul3A_224, %dma_start3A_225] : memref<160x128xi32, #tpu.memory_space<vmem>> -> memref<1x128xi32, #tpu.memory_space<vmem>>
      %dma_start3A_227 = tpu.memref_squeeze %dma_start3A_226 : memref<1x128xi32, #tpu.memory_space<vmem>> -> memref<128xi32, #tpu.memory_space<vmem>>
      %dma_start3A_228 = arith.constant 0 : i32
      %dma_start3A_229 = arith.constant 0 : i32
      %dma_start3A_230 = tpu.memref_slice %arg6[%dma_start3A_228, %dma_start3A_229] : memref<10240x64xbf16, #tpu.memory_space<vmem_shared>> -> memref<10240x64xbf16, #tpu.memory_space<vmem_shared>>
      tpu.enqueue_indirect_dma source(%arg11 : memref<128x64xbf16, #tpu.memory_space<vmem>>) target(%dma_start3A_230 : memref<10240x64xbf16, #tpu.memory_space<vmem_shared>>) offsets(%dma_start3A_227 : memref<128xi32, #tpu.memory_space<vmem>>) semaphore(%arg16 : memref<!tpu.dma_semaphore, #tpu.memory_space<semaphore_mem>>) {add = true}
      %sub3A_231 = arith.constant 1 : i32
      %sub3A_232 = arith.subi %add3A_175, %sub3A_231 : i32
      %mul3A_233 = arith.constant 2 : i32
      %mul3A_234 = arith.muli %mul3A_233, %sub3A_232 : i32
      %add3A_235 = arith.constant 1 : i32
      %add3A_236 = arith.addi %mul3A_234, %add3A_235 : i32
      %dma_start3A_237 = arith.constant 0 : i32
      %dma_start3A_238 = tpu.memref_slice %arg8[%add3A_236, %dma_start3A_237] : memref<160x128xi32, #tpu.memory_space<vmem>> -> memref<1x128xi32, #tpu.memory_space<vmem>>
      %dma_start3A_239 = tpu.memref_squeeze %dma_start3A_238 : memref<1x128xi32, #tpu.memory_space<vmem>> -> memref<128xi32, #tpu.memory_space<vmem>>
      %dma_start3A_240 = arith.constant 0 : i32
      %dma_start3A_241 = arith.constant 0 : i32
      %dma_start3A_242 = tpu.memref_slice %arg6[%dma_start3A_240, %dma_start3A_241] : memref<10240x64xbf16, #tpu.memory_space<vmem_shared>> -> memref<10240x64xbf16, #tpu.memory_space<vmem_shared>>
      tpu.enqueue_indirect_dma source(%arg12 : memref<128x64xbf16, #tpu.memory_space<vmem>>) target(%dma_start3A_242 : memref<10240x64xbf16, #tpu.memory_space<vmem_shared>>) offsets(%dma_start3A_239 : memref<128xi32, #tpu.memory_space<vmem>>) semaphore(%arg17 : memref<!tpu.dma_semaphore, #tpu.memory_space<semaphore_mem>>) {add = true}
      %mul3A_243 = arith.constant 2 : i32
      %mul3A_244 = arith.muli %mul3A_243, %scan3A_170 : i32
      %add3A_245 = arith.constant 1 : i32
      %add3A_246 = arith.addi %mul3A_244, %add3A_245 : i32
      %dma_wait3A_247 = arith.constant 0 : i32
      %dma_wait3A_248 = arith.constant 0 : i32
      %dma_wait3A_249 = tpu.memref_slice %arg7[%dma_wait3A_247, %dma_wait3A_248] : memref<160x128xi32, #tpu.memory_space<vmem>> -> memref<1x128xi32, #tpu.memory_space<vmem>>
      %dma_wait3A_250 = tpu.memref_squeeze %dma_wait3A_249 : memref<1x128xi32, #tpu.memory_space<vmem>> -> memref<128xi32, #tpu.memory_space<vmem>>
      %dma_wait3A_251 = arith.constant 0 : i32
      %dma_wait3A_252 = arith.constant 0 : i32
      %dma_wait3A_253 = tpu.memref_slice %arg2[%dma_wait3A_251, %dma_wait3A_252] : memref<20480x64xbf16, #tpu.memory_space<hbm>> -> memref<20480x64xbf16, #tpu.memory_space<hbm>>
      tpu.wait_indirect_dma semaphore(%arg16 : memref<!tpu.dma_semaphore, #tpu.memory_space<semaphore_mem>>) src(%dma_wait3A_253 : memref<20480x64xbf16, #tpu.memory_space<hbm>>) dst(%arg11 : memref<128x64xbf16, #tpu.memory_space<vmem>>)
      %dma_wait3A_254 = arith.constant 0 : i32
      %dma_wait3A_255 = arith.constant 0 : i32
      %dma_wait3A_256 = tpu.memref_slice %arg7[%dma_wait3A_254, %dma_wait3A_255] : memref<160x128xi32, #tpu.memory_space<vmem>> -> memref<1x128xi32, #tpu.memory_space<vmem>>
      %dma_wait3A_257 = tpu.memref_squeeze %dma_wait3A_256 : memref<1x128xi32, #tpu.memory_space<vmem>> -> memref<128xi32, #tpu.memory_space<vmem>>
      %dma_wait3A_258 = arith.constant 0 : i32
      %dma_wait3A_259 = arith.constant 0 : i32
      %dma_wait3A_260 = tpu.memref_slice %arg2[%dma_wait3A_258, %dma_wait3A_259] : memref<20480x64xbf16, #tpu.memory_space<hbm>> -> memref<20480x64xbf16, #tpu.memory_space<hbm>>
      tpu.wait_indirect_dma semaphore(%arg17 : memref<!tpu.dma_semaphore, #tpu.memory_space<semaphore_mem>>) src(%dma_wait3A_260 : memref<20480x64xbf16, #tpu.memory_space<hbm>>) dst(%arg12 : memref<128x64xbf16, #tpu.memory_space<vmem>>)
      %mul3A_261 = arith.constant 2 : i32
      %mul3A_262 = arith.muli %mul3A_261, %add3A_246 : i32
      %dma_start3A_263 = arith.constant 0 : i32
      %dma_start3A_264 = tpu.memref_slice %arg7[%mul3A_262, %dma_start3A_263] : memref<160x128xi32, #tpu.memory_space<vmem>> -> memref<1x128xi32, #tpu.memory_space<vmem>>
      %dma_start3A_265 = tpu.memref_squeeze %dma_start3A_264 : memref<1x128xi32, #tpu.memory_space<vmem>> -> memref<128xi32, #tpu.memory_space<vmem>>
      %dma_start3A_266 = arith.constant 0 : i32
      %dma_start3A_267 = arith.constant 0 : i32
      %dma_start3A_268 = tpu.memref_slice %arg2[%dma_start3A_266, %dma_start3A_267] : memref<20480x64xbf16, #tpu.memory_space<hbm>> -> memref<20480x64xbf16, #tpu.memory_space<hbm>>
      tpu.enqueue_indirect_dma source(%dma_start3A_268 : memref<20480x64xbf16, #tpu.memory_space<hbm>>) target(%arg11 : memref<128x64xbf16, #tpu.memory_space<vmem>>) offsets(%dma_start3A_265 : memref<128xi32, #tpu.memory_space<vmem>>) semaphore(%arg16 : memref<!tpu.dma_semaphore, #tpu.memory_space<semaphore_mem>>)
      %mul3A_269 = arith.constant 2 : i32
      %mul3A_270 = arith.muli %mul3A_269, %add3A_246 : i32
      %add3A_271 = arith.constant 1 : i32
      %add3A_272 = arith.addi %mul3A_270, %add3A_271 : i32
      %dma_start3A_273 = arith.constant 0 : i32
      %dma_start3A_274 = tpu.memref_slice %arg7[%add3A_272, %dma_start3A_273] : memref<160x128xi32, #tpu.memory_space<vmem>> -> memref<1x128xi32, #tpu.memory_space<vmem>>
      %dma_start3A_275 = tpu.memref_squeeze %dma_start3A_274 : memref<1x128xi32, #tpu.memory_space<vmem>> -> memref<128xi32, #tpu.memory_space<vmem>>
      %dma_start3A_276 = arith.constant 0 : i32
      %dma_start3A_277 = arith.constant 0 : i32
      %dma_start3A_278 = tpu.memref_slice %arg2[%dma_start3A_276, %dma_start3A_277] : memref<20480x64xbf16, #tpu.memory_space<hbm>> -> memref<20480x64xbf16, #tpu.memory_space<hbm>>
      tpu.enqueue_indirect_dma source(%dma_start3A_278 : memref<20480x64xbf16, #tpu.memory_space<hbm>>) target(%arg12 : memref<128x64xbf16, #tpu.memory_space<vmem>>) offsets(%dma_start3A_275 : memref<128xi32, #tpu.memory_space<vmem>>) semaphore(%arg17 : memref<!tpu.dma_semaphore, #tpu.memory_space<semaphore_mem>>)
      %dma_wait3A_279 = arith.constant 0 : i32
      %dma_wait3A_280 = arith.constant 0 : i32
      %dma_wait3A_281 = tpu.memref_slice %arg7[%dma_wait3A_279, %dma_wait3A_280] : memref<160x128xi32, #tpu.memory_space<vmem>> -> memref<1x128xi32, #tpu.memory_space<vmem>>
      %dma_wait3A_282 = tpu.memref_squeeze %dma_wait3A_281 : memref<1x128xi32, #tpu.memory_space<vmem>> -> memref<128xi32, #tpu.memory_space<vmem>>
      %dma_wait3A_283 = arith.constant 0 : i32
      %dma_wait3A_284 = arith.constant 0 : i32
      %dma_wait3A_285 = tpu.memref_slice %arg2[%dma_wait3A_283, %dma_wait3A_284] : memref<20480x64xbf16, #tpu.memory_space<hbm>> -> memref<20480x64xbf16, #tpu.memory_space<hbm>>
      tpu.wait_indirect_dma semaphore(%arg14 : memref<!tpu.dma_semaphore, #tpu.memory_space<semaphore_mem>>) src(%dma_wait3A_285 : memref<20480x64xbf16, #tpu.memory_space<hbm>>) dst(%arg9 : memref<128x64xbf16, #tpu.memory_space<vmem>>)
      %dma_wait3A_286 = arith.constant 0 : i32
      %dma_wait3A_287 = arith.constant 0 : i32
      %dma_wait3A_288 = tpu.memref_slice %arg7[%dma_wait3A_286, %dma_wait3A_287] : memref<160x128xi32, #tpu.memory_space<vmem>> -> memref<1x128xi32, #tpu.memory_space<vmem>>
      %dma_wait3A_289 = tpu.memref_squeeze %dma_wait3A_288 : memref<1x128xi32, #tpu.memory_space<vmem>> -> memref<128xi32, #tpu.memory_space<vmem>>
      %dma_wait3A_290 = arith.constant 0 : i32
      %dma_wait3A_291 = arith.constant 0 : i32
      %dma_wait3A_292 = tpu.memref_slice %arg2[%dma_wait3A_290, %dma_wait3A_291] : memref<20480x64xbf16, #tpu.memory_space<hbm>> -> memref<20480x64xbf16, #tpu.memory_space<hbm>>
      tpu.wait_indirect_dma semaphore(%arg15 : memref<!tpu.dma_semaphore, #tpu.memory_space<semaphore_mem>>) src(%dma_wait3A_292 : memref<20480x64xbf16, #tpu.memory_space<hbm>>) dst(%arg10 : memref<128x64xbf16, #tpu.memory_space<vmem>>)
      %sub3A_293 = arith.constant 1 : i32
      %sub3A_294 = arith.subi %add3A_246, %sub3A_293 : i32
      %mul3A_295 = arith.constant 2 : i32
      %mul3A_296 = arith.muli %mul3A_295, %sub3A_294 : i32
      %dma_start3A_297 = arith.constant 0 : i32
      %dma_start3A_298 = tpu.memref_slice %arg8[%mul3A_296, %dma_start3A_297] : memref<160x128xi32, #tpu.memory_space<vmem>> -> memref<1x128xi32, #tpu.memory_space<vmem>>
      %dma_start3A_299 = tpu.memref_squeeze %dma_start3A_298 : memref<1x128xi32, #tpu.memory_space<vmem>> -> memref<128xi32, #tpu.memory_space<vmem>>
      %dma_start3A_300 = arith.constant 0 : i32
      %dma_start3A_301 = arith.constant 0 : i32
      %dma_start3A_302 = tpu.memref_slice %arg6[%dma_start3A_300, %dma_start3A_301] : memref<10240x64xbf16, #tpu.memory_space<vmem_shared>> -> memref<10240x64xbf16, #tpu.memory_space<vmem_shared>>
      tpu.enqueue_indirect_dma source(%arg9 : memref<128x64xbf16, #tpu.memory_space<vmem>>) target(%dma_start3A_302 : memref<10240x64xbf16, #tpu.memory_space<vmem_shared>>) offsets(%dma_start3A_299 : memref<128xi32, #tpu.memory_space<vmem>>) semaphore(%arg14 : memref<!tpu.dma_semaphore, #tpu.memory_space<semaphore_mem>>) {add = true}
      %sub3A_303 = arith.constant 1 : i32
      %sub3A_304 = arith.subi %add3A_246, %sub3A_303 : i32
      %mul3A_305 = arith.constant 2 : i32
      %mul3A_306 = arith.muli %mul3A_305, %sub3A_304 : i32
      %add3A_307 = arith.constant 1 : i32
      %add3A_308 = arith.addi %mul3A_306, %add3A_307 : i32
      %dma_start3A_309 = arith.constant 0 : i32
      %dma_start3A_310 = tpu.memref_slice %arg8[%add3A_308, %dma_start3A_309] : memref<160x128xi32, #tpu.memory_space<vmem>> -> memref<1x128xi32, #tpu.memory_space<vmem>>
      %dma_start3A_311 = tpu.memref_squeeze %dma_start3A_310 : memref<1x128xi32, #tpu.memory_space<vmem>> -> memref<128xi32, #tpu.memory_space<vmem>>
      %dma_start3A_312 = arith.constant 0 : i32
      %dma_start3A_313 = arith.constant 0 : i32
      %dma_start3A_314 = tpu.memref_slice %arg6[%dma_start3A_312, %dma_start3A_313] : memref<10240x64xbf16, #tpu.memory_space<vmem_shared>> -> memref<10240x64xbf16, #tpu.memory_space<vmem_shared>>
      tpu.enqueue_indirect_dma source(%arg10 : memref<128x64xbf16, #tpu.memory_space<vmem>>) target(%dma_start3A_314 : memref<10240x64xbf16, #tpu.memory_space<vmem_shared>>) offsets(%dma_start3A_311 : memref<128xi32, #tpu.memory_space<vmem>>) semaphore(%arg15 : memref<!tpu.dma_semaphore, #tpu.memory_space<semaphore_mem>>) {add = true}
      %scan3A_315 = arith.constant 0 : i32
      scf.yield %scan3A_315 : i32
    }
    %scan3A_108 = arith.constant 39 : i32
    %dma_wait3A_109 = arith.constant 0 : i32
    %dma_wait3A_110 = arith.constant 0 : i32
    %dma_wait3A_111 = tpu.memref_slice %arg7[%dma_wait3A_109, %dma_wait3A_110] : memref<160x128xi32, #tpu.memory_space<vmem>> -> memref<1x128xi32, #tpu.memory_space<vmem>>
    %dma_wait3A_112 = tpu.memref_squeeze %dma_wait3A_111 : memref<1x128xi32, #tpu.memory_space<vmem>> -> memref<128xi32, #tpu.memory_space<vmem>>
    %dma_wait3A_113 = arith.constant 0 : i32
    %dma_wait3A_114 = arith.constant 0 : i32
    %dma_wait3A_115 = tpu.memref_slice %arg2[%dma_wait3A_113, %dma_wait3A_114] : memref<20480x64xbf16, #tpu.memory_space<hbm>> -> memref<20480x64xbf16, #tpu.memory_space<hbm>>
    tpu.wait_indirect_dma semaphore(%arg16 : memref<!tpu.dma_semaphore, #tpu.memory_space<semaphore_mem>>) src(%dma_wait3A_115 : memref<20480x64xbf16, #tpu.memory_space<hbm>>) dst(%arg11 : memref<128x64xbf16, #tpu.memory_space<vmem>>)
    %dma_wait3A_116 = arith.constant 0 : i32
    %dma_wait3A_117 = arith.constant 0 : i32
    %dma_wait3A_118 = tpu.memref_slice %arg7[%dma_wait3A_116, %dma_wait3A_117] : memref<160x128xi32, #tpu.memory_space<vmem>> -> memref<1x128xi32, #tpu.memory_space<vmem>>
    %dma_wait3A_119 = tpu.memref_squeeze %dma_wait3A_118 : memref<1x128xi32, #tpu.memory_space<vmem>> -> memref<128xi32, #tpu.memory_space<vmem>>
    %dma_wait3A_120 = arith.constant 0 : i32
    %dma_wait3A_121 = arith.constant 0 : i32
    %dma_wait3A_122 = tpu.memref_slice %arg2[%dma_wait3A_120, %dma_wait3A_121] : memref<20480x64xbf16, #tpu.memory_space<hbm>> -> memref<20480x64xbf16, #tpu.memory_space<hbm>>
    tpu.wait_indirect_dma semaphore(%arg17 : memref<!tpu.dma_semaphore, #tpu.memory_space<semaphore_mem>>) src(%dma_wait3A_122 : memref<20480x64xbf16, #tpu.memory_space<hbm>>) dst(%arg12 : memref<128x64xbf16, #tpu.memory_space<vmem>>)
    %dma_start3A_123 = arith.constant 158 : i32
    %dma_start3A_124 = arith.constant 0 : i32
    %dma_start3A_125 = tpu.memref_slice %arg8[%dma_start3A_123, %dma_start3A_124] : memref<160x128xi32, #tpu.memory_space<vmem>> -> memref<1x128xi32, #tpu.memory_space<vmem>>
    %dma_start3A_126 = tpu.memref_squeeze %dma_start3A_125 : memref<1x128xi32, #tpu.memory_space<vmem>> -> memref<128xi32, #tpu.memory_space<vmem>>
    %dma_start3A_127 = arith.constant 0 : i32
    %dma_start3A_128 = arith.constant 0 : i32
    %dma_start3A_129 = tpu.memref_slice %arg6[%dma_start3A_127, %dma_start3A_128] : memref<10240x64xbf16, #tpu.memory_space<vmem_shared>> -> memref<10240x64xbf16, #tpu.memory_space<vmem_shared>>
    tpu.enqueue_indirect_dma source(%arg11 : memref<128x64xbf16, #tpu.memory_space<vmem>>) target(%dma_start3A_129 : memref<10240x64xbf16, #tpu.memory_space<vmem_shared>>) offsets(%dma_start3A_126 : memref<128xi32, #tpu.memory_space<vmem>>) semaphore(%arg16 : memref<!tpu.dma_semaphore, #tpu.memory_space<semaphore_mem>>) {add = true}
    %dma_start3A_130 = arith.constant 159 : i32
    %dma_start3A_131 = arith.constant 0 : i32
    %dma_start3A_132 = tpu.memref_slice %arg8[%dma_start3A_130, %dma_start3A_131] : memref<160x128xi32, #tpu.memory_space<vmem>> -> memref<1x128xi32, #tpu.memory_space<vmem>>
    %dma_start3A_133 = tpu.memref_squeeze %dma_start3A_132 : memref<1x128xi32, #tpu.memory_space<vmem>> -> memref<128xi32, #tpu.memory_space<vmem>>
    %dma_start3A_134 = arith.constant 0 : i32
    %dma_start3A_135 = arith.constant 0 : i32
    %dma_start3A_136 = tpu.memref_slice %arg6[%dma_start3A_134, %dma_start3A_135] : memref<10240x64xbf16, #tpu.memory_space<vmem_shared>> -> memref<10240x64xbf16, #tpu.memory_space<vmem_shared>>
    tpu.enqueue_indirect_dma source(%arg12 : memref<128x64xbf16, #tpu.memory_space<vmem>>) target(%dma_start3A_136 : memref<10240x64xbf16, #tpu.memory_space<vmem_shared>>) offsets(%dma_start3A_133 : memref<128xi32, #tpu.memory_space<vmem>>) semaphore(%arg17 : memref<!tpu.dma_semaphore, #tpu.memory_space<semaphore_mem>>) {add = true}
    %dma_wait3A_137 = arith.constant 0 : i32
    %dma_wait3A_138 = arith.constant 0 : i32
    %dma_wait3A_139 = tpu.memref_slice %arg7[%dma_wait3A_137, %dma_wait3A_138] : memref<160x128xi32, #tpu.memory_space<vmem>> -> memref<1x128xi32, #tpu.memory_space<vmem>>
    %dma_wait3A_140 = tpu.memref_squeeze %dma_wait3A_139 : memref<1x128xi32, #tpu.memory_space<vmem>> -> memref<128xi32, #tpu.memory_space<vmem>>
    %dma_wait3A_141 = arith.constant 0 : i32
    %dma_wait3A_142 = arith.constant 0 : i32
    %dma_wait3A_143 = tpu.memref_slice %arg2[%dma_wait3A_141, %dma_wait3A_142] : memref<20480x64xbf16, #tpu.memory_space<hbm>> -> memref<20480x64xbf16, #tpu.memory_space<hbm>>
    tpu.wait_indirect_dma semaphore(%arg14 : memref<!tpu.dma_semaphore, #tpu.memory_space<semaphore_mem>>) src(%dma_wait3A_143 : memref<20480x64xbf16, #tpu.memory_space<hbm>>) dst(%arg9 : memref<128x64xbf16, #tpu.memory_space<vmem>>)
    %dma_wait3A_144 = arith.constant 0 : i32
    %dma_wait3A_145 = arith.constant 0 : i32
    %dma_wait3A_146 = tpu.memref_slice %arg7[%dma_wait3A_144, %dma_wait3A_145] : memref<160x128xi32, #tpu.memory_space<vmem>> -> memref<1x128xi32, #tpu.memory_space<vmem>>
    %dma_wait3A_147 = tpu.memref_squeeze %dma_wait3A_146 : memref<1x128xi32, #tpu.memory_space<vmem>> -> memref<128xi32, #tpu.memory_space<vmem>>
    %dma_wait3A_148 = arith.constant 0 : i32
    %dma_wait3A_149 = arith.constant 0 : i32
    %dma_wait3A_150 = tpu.memref_slice %arg2[%dma_wait3A_148, %dma_wait3A_149] : memref<20480x64xbf16, #tpu.memory_space<hbm>> -> memref<20480x64xbf16, #tpu.memory_space<hbm>>
    tpu.wait_indirect_dma semaphore(%arg15 : memref<!tpu.dma_semaphore, #tpu.memory_space<semaphore_mem>>) src(%dma_wait3A_150 : memref<20480x64xbf16, #tpu.memory_space<hbm>>) dst(%arg10 : memref<128x64xbf16, #tpu.memory_space<vmem>>)
    %dma_wait3A_151 = arith.constant 0 : i32
    %dma_wait3A_152 = arith.constant 0 : i32
    %dma_wait3A_153 = tpu.memref_slice %arg7[%dma_wait3A_151, %dma_wait3A_152] : memref<160x128xi32, #tpu.memory_space<vmem>> -> memref<1x128xi32, #tpu.memory_space<vmem>>
    %dma_wait3A_154 = tpu.memref_squeeze %dma_wait3A_153 : memref<1x128xi32, #tpu.memory_space<vmem>> -> memref<128xi32, #tpu.memory_space<vmem>>
    %dma_wait3A_155 = arith.constant 0 : i32
    %dma_wait3A_156 = arith.constant 0 : i32
    %dma_wait3A_157 = tpu.memref_slice %arg2[%dma_wait3A_155, %dma_wait3A_156] : memref<20480x64xbf16, #tpu.memory_space<hbm>> -> memref<20480x64xbf16, #tpu.memory_space<hbm>>
    tpu.wait_indirect_dma semaphore(%arg16 : memref<!tpu.dma_semaphore, #tpu.memory_space<semaphore_mem>>) src(%dma_wait3A_157 : memref<20480x64xbf16, #tpu.memory_space<hbm>>) dst(%arg11 : memref<128x64xbf16, #tpu.memory_space<vmem>>)
    %dma_wait3A_158 = arith.constant 0 : i32
    %dma_wait3A_159 = arith.constant 0 : i32
    %dma_wait3A_160 = tpu.memref_slice %arg7[%dma_wait3A_158, %dma_wait3A_159] : memref<160x128xi32, #tpu.memory_space<vmem>> -> memref<1x128xi32, #tpu.memory_space<vmem>>
    %dma_wait3A_161 = tpu.memref_squeeze %dma_wait3A_160 : memref<1x128xi32, #tpu.memory_space<vmem>> -> memref<128xi32, #tpu.memory_space<vmem>>
    %dma_wait3A_162 = arith.constant 0 : i32
    %dma_wait3A_163 = arith.constant 0 : i32
    %dma_wait3A_164 = tpu.memref_slice %arg2[%dma_wait3A_162, %dma_wait3A_163] : memref<20480x64xbf16, #tpu.memory_space<hbm>> -> memref<20480x64xbf16, #tpu.memory_space<hbm>>
    tpu.wait_indirect_dma semaphore(%arg17 : memref<!tpu.dma_semaphore, #tpu.memory_space<semaphore_mem>>) src(%dma_wait3A_164 : memref<20480x64xbf16, #tpu.memory_space<hbm>>) dst(%arg12 : memref<128x64xbf16, #tpu.memory_space<vmem>>)
    %barrier3A_165 = arith.constant 0 : index
    tpu.barrier barrier_id(%barrier3A_165)
    %mul3A_166 = arith.constant 640 : i32
    %mul3A_167 = arith.muli %arg1, %mul3A_166 : i32
    %mul3A_168 = arith.constant 640 : i32
    %mul3A_169 = arith.muli %arg1, %mul3A_168 : i32
    "tpu.region"() ({
      %run_scoped3A = tpu.sem_alloc : memref<!tpu.dma_semaphore, #tpu.memory_space<semaphore_mem>>
      %dma_start3A_170 = arith.constant 0 : i32
      %dma_start3A_171 = tpu.memref_slice %arg5[%arg0, %mul3A_169, %dma_start3A_170] : memref<2x10240x64xbf16, #tpu.memory_space<hbm>> -> memref<1x640x64xbf16, #tpu.memory_space<hbm>>
      %dma_start3A_172 = tpu.memref_squeeze %dma_start3A_171 : memref<1x640x64xbf16, #tpu.memory_space<hbm>> -> memref<640x64xbf16, #tpu.memory_space<hbm>>
      %dma_start3A_173 = arith.constant 0 : i32
      %dma_start3A_174 = tpu.memref_slice %arg6[%mul3A_167, %dma_start3A_173] : memref<10240x64xbf16, #tpu.memory_space<vmem_shared>> -> memref<640x64xbf16, #tpu.memory_space<vmem_shared>>
      tpu.enqueue_dma source(%dma_start3A_174 : memref<640x64xbf16, #tpu.memory_space<vmem_shared>>) target(%dma_start3A_172 : memref<640x64xbf16, #tpu.memory_space<hbm>>) target_semaphore(%run_scoped3A : memref<!tpu.dma_semaphore, #tpu.memory_space<semaphore_mem>>)
      %dma_wait3A_175 = arith.constant 0 : i32
      %dma_wait3A_176 = tpu.memref_slice %arg5[%arg0, %mul3A_169, %dma_wait3A_175] : memref<2x10240x64xbf16, #tpu.memory_space<hbm>> -> memref<1x640x64xbf16, #tpu.memory_space<hbm>>
      %dma_wait3A_177 = tpu.memref_squeeze %dma_wait3A_176 : memref<1x640x64xbf16, #tpu.memory_space<hbm>> -> memref<640x64xbf16, #tpu.memory_space<hbm>>
      %dma_wait3A_178 = arith.constant 0 : i32
      %dma_wait3A_179 = tpu.memref_slice %arg6[%mul3A_167, %dma_wait3A_178] : memref<10240x64xbf16, #tpu.memory_space<vmem_shared>> -> memref<640x64xbf16, #tpu.memory_space<vmem_shared>>
      tpu.wait_dma2 semaphore(%run_scoped3A : memref<!tpu.dma_semaphore, #tpu.memory_space<semaphore_mem>>) src(%dma_wait3A_179 : memref<640x64xbf16, #tpu.memory_space<vmem_shared>>) dst(%dma_wait3A_177 : memref<640x64xbf16, #tpu.memory_space<hbm>>)
      tpu.yield
    }) : () -> ()
    return
  }
}

#map = affine_map<(d0, d1) -> (0, 0)>
#map1 = affine_map<(d0, d1) -> (0, 0, 0)>
module attributes {stable_mosaic.version = 14 : i64} {
  func.func @scat_kernel(%arg0: i32, %arg1: i32, %arg2: memref<10240x16xf32, #tpu.memory_space<hbm>>, %arg3: memref<2560x128xi32, #tpu.memory_space<hbm>>, %arg4: memref<2560x128xi32, #tpu.memory_space<hbm>>, %arg5: memref<2x10240x16xf32, #tpu.memory_space<hbm>>, %arg6: memref<10240x16xf32, #tpu.memory_space<vmem_shared>>, %arg7: memref<80x128xi32, #tpu.memory_space<vmem>>, %arg8: memref<80x128xi32, #tpu.memory_space<vmem>>, %arg9: memref<128x16xf32, #tpu.memory_space<vmem>>, %arg10: memref<128x16xf32, #tpu.memory_space<vmem>>, %arg11: memref<128x16xf32, #tpu.memory_space<vmem>>, %arg12: memref<128x16xf32, #tpu.memory_space<vmem>>, %arg13: memref<640x16xf32, #tpu.memory_space<vmem>>, %arg14: memref<!tpu.dma_semaphore, #tpu.memory_space<semaphore_mem>>, %arg15: memref<!tpu.dma_semaphore, #tpu.memory_space<semaphore_mem>>, %arg16: memref<!tpu.dma_semaphore, #tpu.memory_space<semaphore_mem>>, %arg17: memref<!tpu.dma_semaphore, #tpu.memory_space<semaphore_mem>>) attributes {dimension_semantics = [#tpu.dimension_semantics<core_parallel>, #tpu.dimension_semantics<subcore_parallel>], iteration_bounds = array<i64: 2, 16>, scalar_prefetch = 0 : i64, scratch_operands = 12 : i64, tpu.core_type = #tpu.core_type<sc_vector_subcore>, window_params = [{transform_indices = #map}, {transform_indices = #map}, {transform_indices = #map}, {transform_indices = #map1}]} {
    %mul3A = arith.constant 16 : i32
    %mul3A_0 = arith.muli %arg0, %mul3A : i32
    %add3A = arith.addi %mul3A_0, %arg1 : i32
    %mul3A_1 = arith.constant 80 : i32
    %mul3A_2 = arith.muli %add3A, %mul3A_1 : i32
    "tpu.region"() ({
      %run_scoped3A = tpu.sem_alloc : memref<!tpu.dma_semaphore, #tpu.memory_space<semaphore_mem>>
      %dma_start3A_135 = arith.constant 0 : i32
      %dma_start3A_136 = tpu.memref_slice %arg3[%mul3A_2, %dma_start3A_135] : memref<2560x128xi32, #tpu.memory_space<hbm>> -> memref<80x128xi32, #tpu.memory_space<hbm>>
      %dma_start3A_137 = arith.constant 0 : i32
      %dma_start3A_138 = tpu.memref_slice %arg3[%mul3A_2, %dma_start3A_137] : memref<2560x128xi32, #tpu.memory_space<hbm>> -> memref<80x128xi32, #tpu.memory_space<hbm>>
      tpu.enqueue_dma source(%dma_start3A_138 : memref<80x128xi32, #tpu.memory_space<hbm>>) target(%arg7 : memref<80x128xi32, #tpu.memory_space<vmem>>) target_semaphore(%run_scoped3A : memref<!tpu.dma_semaphore, #tpu.memory_space<semaphore_mem>>)
      %dma_wait3A_139 = arith.constant 0 : i32
      %dma_wait3A_140 = tpu.memref_slice %arg3[%mul3A_2, %dma_wait3A_139] : memref<2560x128xi32, #tpu.memory_space<hbm>> -> memref<80x128xi32, #tpu.memory_space<hbm>>
      %dma_wait3A_141 = arith.constant 0 : i32
      %dma_wait3A_142 = tpu.memref_slice %arg3[%mul3A_2, %dma_wait3A_141] : memref<2560x128xi32, #tpu.memory_space<hbm>> -> memref<80x128xi32, #tpu.memory_space<hbm>>
      tpu.wait_dma2 semaphore(%run_scoped3A : memref<!tpu.dma_semaphore, #tpu.memory_space<semaphore_mem>>) src(%dma_wait3A_142 : memref<80x128xi32, #tpu.memory_space<hbm>>) dst(%arg7 : memref<80x128xi32, #tpu.memory_space<vmem>>)
      tpu.yield
    }) : () -> ()
    %mul3A_3 = arith.constant 80 : i32
    %mul3A_4 = arith.muli %add3A, %mul3A_3 : i32
    "tpu.region"() ({
      %run_scoped3A = tpu.sem_alloc : memref<!tpu.dma_semaphore, #tpu.memory_space<semaphore_mem>>
      %dma_start3A_135 = arith.constant 0 : i32
      %dma_start3A_136 = tpu.memref_slice %arg4[%mul3A_4, %dma_start3A_135] : memref<2560x128xi32, #tpu.memory_space<hbm>> -> memref<80x128xi32, #tpu.memory_space<hbm>>
      %dma_start3A_137 = arith.constant 0 : i32
      %dma_start3A_138 = tpu.memref_slice %arg4[%mul3A_4, %dma_start3A_137] : memref<2560x128xi32, #tpu.memory_space<hbm>> -> memref<80x128xi32, #tpu.memory_space<hbm>>
      tpu.enqueue_dma source(%dma_start3A_138 : memref<80x128xi32, #tpu.memory_space<hbm>>) target(%arg8 : memref<80x128xi32, #tpu.memory_space<vmem>>) target_semaphore(%run_scoped3A : memref<!tpu.dma_semaphore, #tpu.memory_space<semaphore_mem>>)
      %dma_wait3A_139 = arith.constant 0 : i32
      %dma_wait3A_140 = tpu.memref_slice %arg4[%mul3A_4, %dma_wait3A_139] : memref<2560x128xi32, #tpu.memory_space<hbm>> -> memref<80x128xi32, #tpu.memory_space<hbm>>
      %dma_wait3A_141 = arith.constant 0 : i32
      %dma_wait3A_142 = tpu.memref_slice %arg4[%mul3A_4, %dma_wait3A_141] : memref<2560x128xi32, #tpu.memory_space<hbm>> -> memref<80x128xi32, #tpu.memory_space<hbm>>
      tpu.wait_dma2 semaphore(%run_scoped3A : memref<!tpu.dma_semaphore, #tpu.memory_space<semaphore_mem>>) src(%dma_wait3A_142 : memref<80x128xi32, #tpu.memory_space<hbm>>) dst(%arg8 : memref<80x128xi32, #tpu.memory_space<vmem>>)
      tpu.yield
    }) : () -> ()
    %scan3A = arith.constant 0 : i32
    %scan3A_5 = arith.constant 0 : i32
    %scan3A_6 = arith.constant 640 : i32
    %scan3A_7 = arith.addi %scan3A_5, %scan3A_6 : i32
    %scan3A_8 = arith.constant 1 : i32
    %scan3A_9 = scf.for %scan3A_135 = %scan3A_5 to %scan3A_7 step %scan3A_8 iter_args(%scan3A_136 = %scan3A) -> (i32)  : i32 {
      %broadcast_in_dim3A = arith.constant 0.000000e+00 : f32
      %broadcast_in_dim3A_137 = vector.broadcast %broadcast_in_dim3A : f32 to vector<16xf32>
      %swap3A = arith.index_cast %scan3A_135 : i32 to index
      %swap3A_138 = arith.constant 0 : index
      %swap3A_139 = tpu.vector_load %arg13[%swap3A, %swap3A_138] {strides = array<i32>} : memref<640x16xf32, #tpu.memory_space<vmem>>, vector<1x16xf32>,
      %swap3A_140 = vector.shape_cast %swap3A_139 : vector<1x16xf32> to vector<16xf32>
      %swap3A_141 = vector.shape_cast %broadcast_in_dim3A_137 : vector<16xf32> to vector<1x16xf32>
      tpu.vector_store %arg13[%swap3A, %swap3A_138], %swap3A_141 {strides = array<i32>} : memref<640x16xf32, #tpu.memory_space<vmem>>, vector<1x16xf32>,
      %scan3A_142 = arith.constant 0 : i32
      scf.yield %scan3A_142 : i32
    }
    %scan3A_10 = arith.constant 640 : i32
    %mul3A_11 = arith.constant 640 : i32
    %mul3A_12 = arith.muli %arg1, %mul3A_11 : i32
    "tpu.region"() ({
      %run_scoped3A = tpu.sem_alloc : memref<!tpu.dma_semaphore, #tpu.memory_space<semaphore_mem>>
      %dma_start3A_135 = arith.constant 0 : i32
      %dma_start3A_136 = tpu.memref_slice %arg6[%mul3A_12, %dma_start3A_135] : memref<10240x16xf32, #tpu.memory_space<vmem_shared>> -> memref<640x16xf32, #tpu.memory_space<vmem_shared>>
      %dma_start3A_137 = arith.constant 0 : i32
      %dma_start3A_138 = tpu.memref_slice %arg6[%mul3A_12, %dma_start3A_137] : memref<10240x16xf32, #tpu.memory_space<vmem_shared>> -> memref<640x16xf32, #tpu.memory_space<vmem_shared>>
      tpu.enqueue_dma source(%arg13 : memref<640x16xf32, #tpu.memory_space<vmem>>) target(%dma_start3A_138 : memref<640x16xf32, #tpu.memory_space<vmem_shared>>) target_semaphore(%run_scoped3A : memref<!tpu.dma_semaphore, #tpu.memory_space<semaphore_mem>>)
      %dma_wait3A_139 = arith.constant 0 : i32
      %dma_wait3A_140 = tpu.memref_slice %arg6[%mul3A_12, %dma_wait3A_139] : memref<10240x16xf32, #tpu.memory_space<vmem_shared>> -> memref<640x16xf32, #tpu.memory_space<vmem_shared>>
      %dma_wait3A_141 = arith.constant 0 : i32
      %dma_wait3A_142 = tpu.memref_slice %arg6[%mul3A_12, %dma_wait3A_141] : memref<10240x16xf32, #tpu.memory_space<vmem_shared>> -> memref<640x16xf32, #tpu.memory_space<vmem_shared>>
      tpu.wait_dma2 semaphore(%run_scoped3A : memref<!tpu.dma_semaphore, #tpu.memory_space<semaphore_mem>>) src(%arg13 : memref<640x16xf32, #tpu.memory_space<vmem>>) dst(%dma_wait3A_142 : memref<640x16xf32, #tpu.memory_space<vmem_shared>>)
      tpu.yield
    }) : () -> ()
    %barrier3A = arith.constant 0 : index
    tpu.barrier barrier_id(%barrier3A)
    %dma_start3A = arith.constant 0 : i32
    %dma_start3A_13 = arith.constant 0 : i32
    %dma_start3A_14 = tpu.memref_slice %arg7[%dma_start3A, %dma_start3A_13] : memref<80x128xi32, #tpu.memory_space<vmem>> -> memref<1x128xi32, #tpu.memory_space<vmem>>
    %dma_start3A_15 = tpu.memref_squeeze %dma_start3A_14 : memref<1x128xi32, #tpu.memory_space<vmem>> -> memref<128xi32, #tpu.memory_space<vmem>>
    %dma_start3A_16 = arith.constant 0 : i32
    %dma_start3A_17 = arith.constant 0 : i32
    %dma_start3A_18 = tpu.memref_slice %arg2[%dma_start3A_16, %dma_start3A_17] : memref<10240x16xf32, #tpu.memory_space<hbm>> -> memref<10240x16xf32, #tpu.memory_space<hbm>>
    tpu.enqueue_indirect_dma source(%dma_start3A_18 : memref<10240x16xf32, #tpu.memory_space<hbm>>) target(%arg9 : memref<128x16xf32, #tpu.memory_space<vmem>>) offsets(%dma_start3A_15 : memref<128xi32, #tpu.memory_space<vmem>>) semaphore(%arg14 : memref<!tpu.dma_semaphore, #tpu.memory_space<semaphore_mem>>)
    %dma_start3A_19 = arith.constant 1 : i32
    %dma_start3A_20 = arith.constant 0 : i32
    %dma_start3A_21 = tpu.memref_slice %arg7[%dma_start3A_19, %dma_start3A_20] : memref<80x128xi32, #tpu.memory_space<vmem>> -> memref<1x128xi32, #tpu.memory_space<vmem>>
    %dma_start3A_22 = tpu.memref_squeeze %dma_start3A_21 : memref<1x128xi32, #tpu.memory_space<vmem>> -> memref<128xi32, #tpu.memory_space<vmem>>
    %dma_start3A_23 = arith.constant 0 : i32
    %dma_start3A_24 = arith.constant 0 : i32
    %dma_start3A_25 = tpu.memref_slice %arg2[%dma_start3A_23, %dma_start3A_24] : memref<10240x16xf32, #tpu.memory_space<hbm>> -> memref<10240x16xf32, #tpu.memory_space<hbm>>
    tpu.enqueue_indirect_dma source(%dma_start3A_25 : memref<10240x16xf32, #tpu.memory_space<hbm>>) target(%arg10 : memref<128x16xf32, #tpu.memory_space<vmem>>) offsets(%dma_start3A_22 : memref<128xi32, #tpu.memory_space<vmem>>) semaphore(%arg15 : memref<!tpu.dma_semaphore, #tpu.memory_space<semaphore_mem>>)
    %dma_start3A_26 = arith.constant 2 : i32
    %dma_start3A_27 = arith.constant 0 : i32
    %dma_start3A_28 = tpu.memref_slice %arg7[%dma_start3A_26, %dma_start3A_27] : memref<80x128xi32, #tpu.memory_space<vmem>> -> memref<1x128xi32, #tpu.memory_space<vmem>>
    %dma_start3A_29 = tpu.memref_squeeze %dma_start3A_28 : memref<1x128xi32, #tpu.memory_space<vmem>> -> memref<128xi32, #tpu.memory_space<vmem>>
    %dma_start3A_30 = arith.constant 0 : i32
    %dma_start3A_31 = arith.constant 0 : i32
    %dma_start3A_32 = tpu.memref_slice %arg2[%dma_start3A_30, %dma_start3A_31] : memref<10240x16xf32, #tpu.memory_space<hbm>> -> memref<10240x16xf32, #tpu.memory_space<hbm>>
    tpu.enqueue_indirect_dma source(%dma_start3A_32 : memref<10240x16xf32, #tpu.memory_space<hbm>>) target(%arg11 : memref<128x16xf32, #tpu.memory_space<vmem>>) offsets(%dma_start3A_29 : memref<128xi32, #tpu.memory_space<vmem>>) semaphore(%arg16 : memref<!tpu.dma_semaphore, #tpu.memory_space<semaphore_mem>>)
    %dma_start3A_33 = arith.constant 3 : i32
    %dma_start3A_34 = arith.constant 0 : i32
    %dma_start3A_35 = tpu.memref_slice %arg7[%dma_start3A_33, %dma_start3A_34] : memref<80x128xi32, #tpu.memory_space<vmem>> -> memref<1x128xi32, #tpu.memory_space<vmem>>
    %dma_start3A_36 = tpu.memref_squeeze %dma_start3A_35 : memref<1x128xi32, #tpu.memory_space<vmem>> -> memref<128xi32, #tpu.memory_space<vmem>>
    %dma_start3A_37 = arith.constant 0 : i32
    %dma_start3A_38 = arith.constant 0 : i32
    %dma_start3A_39 = tpu.memref_slice %arg2[%dma_start3A_37, %dma_start3A_38] : memref<10240x16xf32, #tpu.memory_space<hbm>> -> memref<10240x16xf32, #tpu.memory_space<hbm>>
    tpu.enqueue_indirect_dma source(%dma_start3A_39 : memref<10240x16xf32, #tpu.memory_space<hbm>>) target(%arg12 : memref<128x16xf32, #tpu.memory_space<vmem>>) offsets(%dma_start3A_36 : memref<128xi32, #tpu.memory_space<vmem>>) semaphore(%arg17 : memref<!tpu.dma_semaphore, #tpu.memory_space<semaphore_mem>>)
    %dma_wait3A = arith.constant 0 : i32
    %dma_wait3A_40 = arith.constant 0 : i32
    %dma_wait3A_41 = tpu.memref_slice %arg7[%dma_wait3A, %dma_wait3A_40] : memref<80x128xi32, #tpu.memory_space<vmem>> -> memref<1x128xi32, #tpu.memory_space<vmem>>
    %dma_wait3A_42 = tpu.memref_squeeze %dma_wait3A_41 : memref<1x128xi32, #tpu.memory_space<vmem>> -> memref<128xi32, #tpu.memory_space<vmem>>
    %dma_wait3A_43 = arith.constant 0 : i32
    %dma_wait3A_44 = arith.constant 0 : i32
    %dma_wait3A_45 = tpu.memref_slice %arg2[%dma_wait3A_43, %dma_wait3A_44] : memref<10240x16xf32, #tpu.memory_space<hbm>> -> memref<10240x16xf32, #tpu.memory_space<hbm>>
    tpu.wait_indirect_dma semaphore(%arg14 : memref<!tpu.dma_semaphore, #tpu.memory_space<semaphore_mem>>) src(%dma_wait3A_45 : memref<10240x16xf32, #tpu.memory_space<hbm>>) dst(%arg9 : memref<128x16xf32, #tpu.memory_space<vmem>>)
    %dma_wait3A_46 = arith.constant 0 : i32
    %dma_wait3A_47 = arith.constant 0 : i32
    %dma_wait3A_48 = tpu.memref_slice %arg7[%dma_wait3A_46, %dma_wait3A_47] : memref<80x128xi32, #tpu.memory_space<vmem>> -> memref<1x128xi32, #tpu.memory_space<vmem>>
    %dma_wait3A_49 = tpu.memref_squeeze %dma_wait3A_48 : memref<1x128xi32, #tpu.memory_space<vmem>> -> memref<128xi32, #tpu.memory_space<vmem>>
    %dma_wait3A_50 = arith.constant 0 : i32
    %dma_wait3A_51 = arith.constant 0 : i32
    %dma_wait3A_52 = tpu.memref_slice %arg2[%dma_wait3A_50, %dma_wait3A_51] : memref<10240x16xf32, #tpu.memory_space<hbm>> -> memref<10240x16xf32, #tpu.memory_space<hbm>>
    tpu.wait_indirect_dma semaphore(%arg15 : memref<!tpu.dma_semaphore, #tpu.memory_space<semaphore_mem>>) src(%dma_wait3A_52 : memref<10240x16xf32, #tpu.memory_space<hbm>>) dst(%arg10 : memref<128x16xf32, #tpu.memory_space<vmem>>)
    %dma_start3A_53 = arith.constant 0 : i32
    %dma_start3A_54 = arith.constant 0 : i32
    %dma_start3A_55 = tpu.memref_slice %arg8[%dma_start3A_53, %dma_start3A_54] : memref<80x128xi32, #tpu.memory_space<vmem>> -> memref<1x128xi32, #tpu.memory_space<vmem>>
    %dma_start3A_56 = tpu.memref_squeeze %dma_start3A_55 : memref<1x128xi32, #tpu.memory_space<vmem>> -> memref<128xi32, #tpu.memory_space<vmem>>
    %dma_start3A_57 = arith.constant 0 : i32
    %dma_start3A_58 = arith.constant 0 : i32
    %dma_start3A_59 = tpu.memref_slice %arg6[%dma_start3A_57, %dma_start3A_58] : memref<10240x16xf32, #tpu.memory_space<vmem_shared>> -> memref<10240x16xf32, #tpu.memory_space<vmem_shared>>
    tpu.enqueue_indirect_dma source(%arg9 : memref<128x16xf32, #tpu.memory_space<vmem>>) target(%dma_start3A_59 : memref<10240x16xf32, #tpu.memory_space<vmem_shared>>) offsets(%dma_start3A_56 : memref<128xi32, #tpu.memory_space<vmem>>) semaphore(%arg14 : memref<!tpu.dma_semaphore, #tpu.memory_space<semaphore_mem>>) {add = true}
    %dma_start3A_60 = arith.constant 1 : i32
    %dma_start3A_61 = arith.constant 0 : i32
    %dma_start3A_62 = tpu.memref_slice %arg8[%dma_start3A_60, %dma_start3A_61] : memref<80x128xi32, #tpu.memory_space<vmem>> -> memref<1x128xi32, #tpu.memory_space<vmem>>
    %dma_start3A_63 = tpu.memref_squeeze %dma_start3A_62 : memref<1x128xi32, #tpu.memory_space<vmem>> -> memref<128xi32, #tpu.memory_space<vmem>>
    %dma_start3A_64 = arith.constant 0 : i32
    %dma_start3A_65 = arith.constant 0 : i32
    %dma_start3A_66 = tpu.memref_slice %arg6[%dma_start3A_64, %dma_start3A_65] : memref<10240x16xf32, #tpu.memory_space<vmem_shared>> -> memref<10240x16xf32, #tpu.memory_space<vmem_shared>>
    tpu.enqueue_indirect_dma source(%arg10 : memref<128x16xf32, #tpu.memory_space<vmem>>) target(%dma_start3A_66 : memref<10240x16xf32, #tpu.memory_space<vmem_shared>>) offsets(%dma_start3A_63 : memref<128xi32, #tpu.memory_space<vmem>>) semaphore(%arg15 : memref<!tpu.dma_semaphore, #tpu.memory_space<semaphore_mem>>) {add = true}
    %scan3A_67 = arith.constant 0 : i32
    %scan3A_68 = arith.constant 1 : i32
    %scan3A_69 = arith.constant 19 : i32
    %scan3A_70 = arith.addi %scan3A_68, %scan3A_69 : i32
    %scan3A_71 = arith.constant 1 : i32
    %scan3A_72 = scf.for %scan3A_135 = %scan3A_68 to %scan3A_70 step %scan3A_71 iter_args(%scan3A_136 = %scan3A_67) -> (i32)  : i32 {
      %mul3A_137 = arith.constant 2 : i32
      %mul3A_138 = arith.muli %mul3A_137, %scan3A_135 : i32
      %add3A_139 = arith.constant 0 : i32
      %add3A_140 = arith.addi %mul3A_138, %add3A_139 : i32
      %dma_wait3A_141 = arith.constant 0 : i32
      %dma_wait3A_142 = arith.constant 0 : i32
      %dma_wait3A_143 = tpu.memref_slice %arg7[%dma_wait3A_141, %dma_wait3A_142] : memref<80x128xi32, #tpu.memory_space<vmem>> -> memref<1x128xi32, #tpu.memory_space<vmem>>
      %dma_wait3A_144 = tpu.memref_squeeze %dma_wait3A_143 : memref<1x128xi32, #tpu.memory_space<vmem>> -> memref<128xi32, #tpu.memory_space<vmem>>
      %dma_wait3A_145 = arith.constant 0 : i32
      %dma_wait3A_146 = arith.constant 0 : i32
      %dma_wait3A_147 = tpu.memref_slice %arg2[%dma_wait3A_145, %dma_wait3A_146] : memref<10240x16xf32, #tpu.memory_space<hbm>> -> memref<10240x16xf32, #tpu.memory_space<hbm>>
      tpu.wait_indirect_dma semaphore(%arg14 : memref<!tpu.dma_semaphore, #tpu.memory_space<semaphore_mem>>) src(%dma_wait3A_147 : memref<10240x16xf32, #tpu.memory_space<hbm>>) dst(%arg9 : memref<128x16xf32, #tpu.memory_space<vmem>>)
      %dma_wait3A_148 = arith.constant 0 : i32
      %dma_wait3A_149 = arith.constant 0 : i32
      %dma_wait3A_150 = tpu.memref_slice %arg7[%dma_wait3A_148, %dma_wait3A_149] : memref<80x128xi32, #tpu.memory_space<vmem>> -> memref<1x128xi32, #tpu.memory_space<vmem>>
      %dma_wait3A_151 = tpu.memref_squeeze %dma_wait3A_150 : memref<1x128xi32, #tpu.memory_space<vmem>> -> memref<128xi32, #tpu.memory_space<vmem>>
      %dma_wait3A_152 = arith.constant 0 : i32
      %dma_wait3A_153 = arith.constant 0 : i32
      %dma_wait3A_154 = tpu.memref_slice %arg2[%dma_wait3A_152, %dma_wait3A_153] : memref<10240x16xf32, #tpu.memory_space<hbm>> -> memref<10240x16xf32, #tpu.memory_space<hbm>>
      tpu.wait_indirect_dma semaphore(%arg15 : memref<!tpu.dma_semaphore, #tpu.memory_space<semaphore_mem>>) src(%dma_wait3A_154 : memref<10240x16xf32, #tpu.memory_space<hbm>>) dst(%arg10 : memref<128x16xf32, #tpu.memory_space<vmem>>)
      %mul3A_155 = arith.constant 2 : i32
      %mul3A_156 = arith.muli %mul3A_155, %add3A_140 : i32
      %dma_start3A_157 = arith.constant 0 : i32
      %dma_start3A_158 = tpu.memref_slice %arg7[%mul3A_156, %dma_start3A_157] : memref<80x128xi32, #tpu.memory_space<vmem>> -> memref<1x128xi32, #tpu.memory_space<vmem>>
      %dma_start3A_159 = tpu.memref_squeeze %dma_start3A_158 : memref<1x128xi32, #tpu.memory_space<vmem>> -> memref<128xi32, #tpu.memory_space<vmem>>
      %dma_start3A_160 = arith.constant 0 : i32
      %dma_start3A_161 = arith.constant 0 : i32
      %dma_start3A_162 = tpu.memref_slice %arg2[%dma_start3A_160, %dma_start3A_161] : memref<10240x16xf32, #tpu.memory_space<hbm>> -> memref<10240x16xf32, #tpu.memory_space<hbm>>
      tpu.enqueue_indirect_dma source(%dma_start3A_162 : memref<10240x16xf32, #tpu.memory_space<hbm>>) target(%arg9 : memref<128x16xf32, #tpu.memory_space<vmem>>) offsets(%dma_start3A_159 : memref<128xi32, #tpu.memory_space<vmem>>) semaphore(%arg14 : memref<!tpu.dma_semaphore, #tpu.memory_space<semaphore_mem>>)
      %mul3A_163 = arith.constant 2 : i32
      %mul3A_164 = arith.muli %mul3A_163, %add3A_140 : i32
      %add3A_165 = arith.constant 1 : i32
      %add3A_166 = arith.addi %mul3A_164, %add3A_165 : i32
      %dma_start3A_167 = arith.constant 0 : i32
      %dma_start3A_168 = tpu.memref_slice %arg7[%add3A_166, %dma_start3A_167] : memref<80x128xi32, #tpu.memory_space<vmem>> -> memref<1x128xi32, #tpu.memory_space<vmem>>
      %dma_start3A_169 = tpu.memref_squeeze %dma_start3A_168 : memref<1x128xi32, #tpu.memory_space<vmem>> -> memref<128xi32, #tpu.memory_space<vmem>>
      %dma_start3A_170 = arith.constant 0 : i32
      %dma_start3A_171 = arith.constant 0 : i32
      %dma_start3A_172 = tpu.memref_slice %arg2[%dma_start3A_170, %dma_start3A_171] : memref<10240x16xf32, #tpu.memory_space<hbm>> -> memref<10240x16xf32, #tpu.memory_space<hbm>>
      tpu.enqueue_indirect_dma source(%dma_start3A_172 : memref<10240x16xf32, #tpu.memory_space<hbm>>) target(%arg10 : memref<128x16xf32, #tpu.memory_space<vmem>>) offsets(%dma_start3A_169 : memref<128xi32, #tpu.memory_space<vmem>>) semaphore(%arg15 : memref<!tpu.dma_semaphore, #tpu.memory_space<semaphore_mem>>)
      %dma_wait3A_173 = arith.constant 0 : i32
      %dma_wait3A_174 = arith.constant 0 : i32
      %dma_wait3A_175 = tpu.memref_slice %arg7[%dma_wait3A_173, %dma_wait3A_174] : memref<80x128xi32, #tpu.memory_space<vmem>> -> memref<1x128xi32, #tpu.memory_space<vmem>>
      %dma_wait3A_176 = tpu.memref_squeeze %dma_wait3A_175 : memref<1x128xi32, #tpu.memory_space<vmem>> -> memref<128xi32, #tpu.memory_space<vmem>>
      %dma_wait3A_177 = arith.constant 0 : i32
      %dma_wait3A_178 = arith.constant 0 : i32
      %dma_wait3A_179 = tpu.memref_slice %arg2[%dma_wait3A_177, %dma_wait3A_178] : memref<10240x16xf32, #tpu.memory_space<hbm>> -> memref<10240x16xf32, #tpu.memory_space<hbm>>
      tpu.wait_indirect_dma semaphore(%arg16 : memref<!tpu.dma_semaphore, #tpu.memory_space<semaphore_mem>>) src(%dma_wait3A_179 : memref<10240x16xf32, #tpu.memory_space<hbm>>) dst(%arg11 : memref<128x16xf32, #tpu.memory_space<vmem>>)
      %dma_wait3A_180 = arith.constant 0 : i32
      %dma_wait3A_181 = arith.constant 0 : i32
      %dma_wait3A_182 = tpu.memref_slice %arg7[%dma_wait3A_180, %dma_wait3A_181] : memref<80x128xi32, #tpu.memory_space<vmem>> -> memref<1x128xi32, #tpu.memory_space<vmem>>
      %dma_wait3A_183 = tpu.memref_squeeze %dma_wait3A_182 : memref<1x128xi32, #tpu.memory_space<vmem>> -> memref<128xi32, #tpu.memory_space<vmem>>
      %dma_wait3A_184 = arith.constant 0 : i32
      %dma_wait3A_185 = arith.constant 0 : i32
      %dma_wait3A_186 = tpu.memref_slice %arg2[%dma_wait3A_184, %dma_wait3A_185] : memref<10240x16xf32, #tpu.memory_space<hbm>> -> memref<10240x16xf32, #tpu.memory_space<hbm>>
      tpu.wait_indirect_dma semaphore(%arg17 : memref<!tpu.dma_semaphore, #tpu.memory_space<semaphore_mem>>) src(%dma_wait3A_186 : memref<10240x16xf32, #tpu.memory_space<hbm>>) dst(%arg12 : memref<128x16xf32, #tpu.memory_space<vmem>>)
      %sub3A = arith.constant 1 : i32
      %sub3A_187 = arith.subi %add3A_140, %sub3A : i32
      %mul3A_188 = arith.constant 2 : i32
      %mul3A_189 = arith.muli %mul3A_188, %sub3A_187 : i32
      %dma_start3A_190 = arith.constant 0 : i32
      %dma_start3A_191 = tpu.memref_slice %arg8[%mul3A_189, %dma_start3A_190] : memref<80x128xi32, #tpu.memory_space<vmem>> -> memref<1x128xi32, #tpu.memory_space<vmem>>
      %dma_start3A_192 = tpu.memref_squeeze %dma_start3A_191 : memref<1x128xi32, #tpu.memory_space<vmem>> -> memref<128xi32, #tpu.memory_space<vmem>>
      %dma_start3A_193 = arith.constant 0 : i32
      %dma_start3A_194 = arith.constant 0 : i32
      %dma_start3A_195 = tpu.memref_slice %arg6[%dma_start3A_193, %dma_start3A_194] : memref<10240x16xf32, #tpu.memory_space<vmem_shared>> -> memref<10240x16xf32, #tpu.memory_space<vmem_shared>>
      tpu.enqueue_indirect_dma source(%arg11 : memref<128x16xf32, #tpu.memory_space<vmem>>) target(%dma_start3A_195 : memref<10240x16xf32, #tpu.memory_space<vmem_shared>>) offsets(%dma_start3A_192 : memref<128xi32, #tpu.memory_space<vmem>>) semaphore(%arg16 : memref<!tpu.dma_semaphore, #tpu.memory_space<semaphore_mem>>) {add = true}
      %sub3A_196 = arith.constant 1 : i32
      %sub3A_197 = arith.subi %add3A_140, %sub3A_196 : i32
      %mul3A_198 = arith.constant 2 : i32
      %mul3A_199 = arith.muli %mul3A_198, %sub3A_197 : i32
      %add3A_200 = arith.constant 1 : i32
      %add3A_201 = arith.addi %mul3A_199, %add3A_200 : i32
      %dma_start3A_202 = arith.constant 0 : i32
      %dma_start3A_203 = tpu.memref_slice %arg8[%add3A_201, %dma_start3A_202] : memref<80x128xi32, #tpu.memory_space<vmem>> -> memref<1x128xi32, #tpu.memory_space<vmem>>
      %dma_start3A_204 = tpu.memref_squeeze %dma_start3A_203 : memref<1x128xi32, #tpu.memory_space<vmem>> -> memref<128xi32, #tpu.memory_space<vmem>>
      %dma_start3A_205 = arith.constant 0 : i32
      %dma_start3A_206 = arith.constant 0 : i32
      %dma_start3A_207 = tpu.memref_slice %arg6[%dma_start3A_205, %dma_start3A_206] : memref<10240x16xf32, #tpu.memory_space<vmem_shared>> -> memref<10240x16xf32, #tpu.memory_space<vmem_shared>>
      tpu.enqueue_indirect_dma source(%arg12 : memref<128x16xf32, #tpu.memory_space<vmem>>) target(%dma_start3A_207 : memref<10240x16xf32, #tpu.memory_space<vmem_shared>>) offsets(%dma_start3A_204 : memref<128xi32, #tpu.memory_space<vmem>>) semaphore(%arg17 : memref<!tpu.dma_semaphore, #tpu.memory_space<semaphore_mem>>) {add = true}
      %mul3A_208 = arith.constant 2 : i32
      %mul3A_209 = arith.muli %mul3A_208, %scan3A_135 : i32
      %add3A_210 = arith.constant 1 : i32
      %add3A_211 = arith.addi %mul3A_209, %add3A_210 : i32
      %dma_wait3A_212 = arith.constant 0 : i32
      %dma_wait3A_213 = arith.constant 0 : i32
      %dma_wait3A_214 = tpu.memref_slice %arg7[%dma_wait3A_212, %dma_wait3A_213] : memref<80x128xi32, #tpu.memory_space<vmem>> -> memref<1x128xi32, #tpu.memory_space<vmem>>
      %dma_wait3A_215 = tpu.memref_squeeze %dma_wait3A_214 : memref<1x128xi32, #tpu.memory_space<vmem>> -> memref<128xi32, #tpu.memory_space<vmem>>
      %dma_wait3A_216 = arith.constant 0 : i32
      %dma_wait3A_217 = arith.constant 0 : i32
      %dma_wait3A_218 = tpu.memref_slice %arg2[%dma_wait3A_216, %dma_wait3A_217] : memref<10240x16xf32, #tpu.memory_space<hbm>> -> memref<10240x16xf32, #tpu.memory_space<hbm>>
      tpu.wait_indirect_dma semaphore(%arg16 : memref<!tpu.dma_semaphore, #tpu.memory_space<semaphore_mem>>) src(%dma_wait3A_218 : memref<10240x16xf32, #tpu.memory_space<hbm>>) dst(%arg11 : memref<128x16xf32, #tpu.memory_space<vmem>>)
      %dma_wait3A_219 = arith.constant 0 : i32
      %dma_wait3A_220 = arith.constant 0 : i32
      %dma_wait3A_221 = tpu.memref_slice %arg7[%dma_wait3A_219, %dma_wait3A_220] : memref<80x128xi32, #tpu.memory_space<vmem>> -> memref<1x128xi32, #tpu.memory_space<vmem>>
      %dma_wait3A_222 = tpu.memref_squeeze %dma_wait3A_221 : memref<1x128xi32, #tpu.memory_space<vmem>> -> memref<128xi32, #tpu.memory_space<vmem>>
      %dma_wait3A_223 = arith.constant 0 : i32
      %dma_wait3A_224 = arith.constant 0 : i32
      %dma_wait3A_225 = tpu.memref_slice %arg2[%dma_wait3A_223, %dma_wait3A_224] : memref<10240x16xf32, #tpu.memory_space<hbm>> -> memref<10240x16xf32, #tpu.memory_space<hbm>>
      tpu.wait_indirect_dma semaphore(%arg17 : memref<!tpu.dma_semaphore, #tpu.memory_space<semaphore_mem>>) src(%dma_wait3A_225 : memref<10240x16xf32, #tpu.memory_space<hbm>>) dst(%arg12 : memref<128x16xf32, #tpu.memory_space<vmem>>)
      %mul3A_226 = arith.constant 2 : i32
      %mul3A_227 = arith.muli %mul3A_226, %add3A_211 : i32
      %dma_start3A_228 = arith.constant 0 : i32
      %dma_start3A_229 = tpu.memref_slice %arg7[%mul3A_227, %dma_start3A_228] : memref<80x128xi32, #tpu.memory_space<vmem>> -> memref<1x128xi32, #tpu.memory_space<vmem>>
      %dma_start3A_230 = tpu.memref_squeeze %dma_start3A_229 : memref<1x128xi32, #tpu.memory_space<vmem>> -> memref<128xi32, #tpu.memory_space<vmem>>
      %dma_start3A_231 = arith.constant 0 : i32
      %dma_start3A_232 = arith.constant 0 : i32
      %dma_start3A_233 = tpu.memref_slice %arg2[%dma_start3A_231, %dma_start3A_232] : memref<10240x16xf32, #tpu.memory_space<hbm>> -> memref<10240x16xf32, #tpu.memory_space<hbm>>
      tpu.enqueue_indirect_dma source(%dma_start3A_233 : memref<10240x16xf32, #tpu.memory_space<hbm>>) target(%arg11 : memref<128x16xf32, #tpu.memory_space<vmem>>) offsets(%dma_start3A_230 : memref<128xi32, #tpu.memory_space<vmem>>) semaphore(%arg16 : memref<!tpu.dma_semaphore, #tpu.memory_space<semaphore_mem>>)
      %mul3A_234 = arith.constant 2 : i32
      %mul3A_235 = arith.muli %mul3A_234, %add3A_211 : i32
      %add3A_236 = arith.constant 1 : i32
      %add3A_237 = arith.addi %mul3A_235, %add3A_236 : i32
      %dma_start3A_238 = arith.constant 0 : i32
      %dma_start3A_239 = tpu.memref_slice %arg7[%add3A_237, %dma_start3A_238] : memref<80x128xi32, #tpu.memory_space<vmem>> -> memref<1x128xi32, #tpu.memory_space<vmem>>
      %dma_start3A_240 = tpu.memref_squeeze %dma_start3A_239 : memref<1x128xi32, #tpu.memory_space<vmem>> -> memref<128xi32, #tpu.memory_space<vmem>>
      %dma_start3A_241 = arith.constant 0 : i32
      %dma_start3A_242 = arith.constant 0 : i32
      %dma_start3A_243 = tpu.memref_slice %arg2[%dma_start3A_241, %dma_start3A_242] : memref<10240x16xf32, #tpu.memory_space<hbm>> -> memref<10240x16xf32, #tpu.memory_space<hbm>>
      tpu.enqueue_indirect_dma source(%dma_start3A_243 : memref<10240x16xf32, #tpu.memory_space<hbm>>) target(%arg12 : memref<128x16xf32, #tpu.memory_space<vmem>>) offsets(%dma_start3A_240 : memref<128xi32, #tpu.memory_space<vmem>>) semaphore(%arg17 : memref<!tpu.dma_semaphore, #tpu.memory_space<semaphore_mem>>)
      %dma_wait3A_244 = arith.constant 0 : i32
      %dma_wait3A_245 = arith.constant 0 : i32
      %dma_wait3A_246 = tpu.memref_slice %arg7[%dma_wait3A_244, %dma_wait3A_245] : memref<80x128xi32, #tpu.memory_space<vmem>> -> memref<1x128xi32, #tpu.memory_space<vmem>>
      %dma_wait3A_247 = tpu.memref_squeeze %dma_wait3A_246 : memref<1x128xi32, #tpu.memory_space<vmem>> -> memref<128xi32, #tpu.memory_space<vmem>>
      %dma_wait3A_248 = arith.constant 0 : i32
      %dma_wait3A_249 = arith.constant 0 : i32
      %dma_wait3A_250 = tpu.memref_slice %arg2[%dma_wait3A_248, %dma_wait3A_249] : memref<10240x16xf32, #tpu.memory_space<hbm>> -> memref<10240x16xf32, #tpu.memory_space<hbm>>
      tpu.wait_indirect_dma semaphore(%arg14 : memref<!tpu.dma_semaphore, #tpu.memory_space<semaphore_mem>>) src(%dma_wait3A_250 : memref<10240x16xf32, #tpu.memory_space<hbm>>) dst(%arg9 : memref<128x16xf32, #tpu.memory_space<vmem>>)
      %dma_wait3A_251 = arith.constant 0 : i32
      %dma_wait3A_252 = arith.constant 0 : i32
      %dma_wait3A_253 = tpu.memref_slice %arg7[%dma_wait3A_251, %dma_wait3A_252] : memref<80x128xi32, #tpu.memory_space<vmem>> -> memref<1x128xi32, #tpu.memory_space<vmem>>
      %dma_wait3A_254 = tpu.memref_squeeze %dma_wait3A_253 : memref<1x128xi32, #tpu.memory_space<vmem>> -> memref<128xi32, #tpu.memory_space<vmem>>
      %dma_wait3A_255 = arith.constant 0 : i32
      %dma_wait3A_256 = arith.constant 0 : i32
      %dma_wait3A_257 = tpu.memref_slice %arg2[%dma_wait3A_255, %dma_wait3A_256] : memref<10240x16xf32, #tpu.memory_space<hbm>> -> memref<10240x16xf32, #tpu.memory_space<hbm>>
      tpu.wait_indirect_dma semaphore(%arg15 : memref<!tpu.dma_semaphore, #tpu.memory_space<semaphore_mem>>) src(%dma_wait3A_257 : memref<10240x16xf32, #tpu.memory_space<hbm>>) dst(%arg10 : memref<128x16xf32, #tpu.memory_space<vmem>>)
      %sub3A_258 = arith.constant 1 : i32
      %sub3A_259 = arith.subi %add3A_211, %sub3A_258 : i32
      %mul3A_260 = arith.constant 2 : i32
      %mul3A_261 = arith.muli %mul3A_260, %sub3A_259 : i32
      %dma_start3A_262 = arith.constant 0 : i32
      %dma_start3A_263 = tpu.memref_slice %arg8[%mul3A_261, %dma_start3A_262] : memref<80x128xi32, #tpu.memory_space<vmem>> -> memref<1x128xi32, #tpu.memory_space<vmem>>
      %dma_start3A_264 = tpu.memref_squeeze %dma_start3A_263 : memref<1x128xi32, #tpu.memory_space<vmem>> -> memref<128xi32, #tpu.memory_space<vmem>>
      %dma_start3A_265 = arith.constant 0 : i32
      %dma_start3A_266 = arith.constant 0 : i32
      %dma_start3A_267 = tpu.memref_slice %arg6[%dma_start3A_265, %dma_start3A_266] : memref<10240x16xf32, #tpu.memory_space<vmem_shared>> -> memref<10240x16xf32, #tpu.memory_space<vmem_shared>>
      tpu.enqueue_indirect_dma source(%arg9 : memref<128x16xf32, #tpu.memory_space<vmem>>) target(%dma_start3A_267 : memref<10240x16xf32, #tpu.memory_space<vmem_shared>>) offsets(%dma_start3A_264 : memref<128xi32, #tpu.memory_space<vmem>>) semaphore(%arg14 : memref<!tpu.dma_semaphore, #tpu.memory_space<semaphore_mem>>) {add = true}
      %sub3A_268 = arith.constant 1 : i32
      %sub3A_269 = arith.subi %add3A_211, %sub3A_268 : i32
      %mul3A_270 = arith.constant 2 : i32
      %mul3A_271 = arith.muli %mul3A_270, %sub3A_269 : i32
      %add3A_272 = arith.constant 1 : i32
      %add3A_273 = arith.addi %mul3A_271, %add3A_272 : i32
      %dma_start3A_274 = arith.constant 0 : i32
      %dma_start3A_275 = tpu.memref_slice %arg8[%add3A_273, %dma_start3A_274] : memref<80x128xi32, #tpu.memory_space<vmem>> -> memref<1x128xi32, #tpu.memory_space<vmem>>
      %dma_start3A_276 = tpu.memref_squeeze %dma_start3A_275 : memref<1x128xi32, #tpu.memory_space<vmem>> -> memref<128xi32, #tpu.memory_space<vmem>>
      %dma_start3A_277 = arith.constant 0 : i32
      %dma_start3A_278 = arith.constant 0 : i32
      %dma_start3A_279 = tpu.memref_slice %arg6[%dma_start3A_277, %dma_start3A_278] : memref<10240x16xf32, #tpu.memory_space<vmem_shared>> -> memref<10240x16xf32, #tpu.memory_space<vmem_shared>>
      tpu.enqueue_indirect_dma source(%arg10 : memref<128x16xf32, #tpu.memory_space<vmem>>) target(%dma_start3A_279 : memref<10240x16xf32, #tpu.memory_space<vmem_shared>>) offsets(%dma_start3A_276 : memref<128xi32, #tpu.memory_space<vmem>>) semaphore(%arg15 : memref<!tpu.dma_semaphore, #tpu.memory_space<semaphore_mem>>) {add = true}
      %scan3A_280 = arith.constant 0 : i32
      scf.yield %scan3A_280 : i32
    }
    %scan3A_73 = arith.constant 19 : i32
    %dma_wait3A_74 = arith.constant 0 : i32
    %dma_wait3A_75 = arith.constant 0 : i32
    %dma_wait3A_76 = tpu.memref_slice %arg7[%dma_wait3A_74, %dma_wait3A_75] : memref<80x128xi32, #tpu.memory_space<vmem>> -> memref<1x128xi32, #tpu.memory_space<vmem>>
    %dma_wait3A_77 = tpu.memref_squeeze %dma_wait3A_76 : memref<1x128xi32, #tpu.memory_space<vmem>> -> memref<128xi32, #tpu.memory_space<vmem>>
    %dma_wait3A_78 = arith.constant 0 : i32
    %dma_wait3A_79 = arith.constant 0 : i32
    %dma_wait3A_80 = tpu.memref_slice %arg2[%dma_wait3A_78, %dma_wait3A_79] : memref<10240x16xf32, #tpu.memory_space<hbm>> -> memref<10240x16xf32, #tpu.memory_space<hbm>>
    tpu.wait_indirect_dma semaphore(%arg16 : memref<!tpu.dma_semaphore, #tpu.memory_space<semaphore_mem>>) src(%dma_wait3A_80 : memref<10240x16xf32, #tpu.memory_space<hbm>>) dst(%arg11 : memref<128x16xf32, #tpu.memory_space<vmem>>)
    %dma_wait3A_81 = arith.constant 0 : i32
    %dma_wait3A_82 = arith.constant 0 : i32
    %dma_wait3A_83 = tpu.memref_slice %arg7[%dma_wait3A_81, %dma_wait3A_82] : memref<80x128xi32, #tpu.memory_space<vmem>> -> memref<1x128xi32, #tpu.memory_space<vmem>>
    %dma_wait3A_84 = tpu.memref_squeeze %dma_wait3A_83 : memref<1x128xi32, #tpu.memory_space<vmem>> -> memref<128xi32, #tpu.memory_space<vmem>>
    %dma_wait3A_85 = arith.constant 0 : i32
    %dma_wait3A_86 = arith.constant 0 : i32
    %dma_wait3A_87 = tpu.memref_slice %arg2[%dma_wait3A_85, %dma_wait3A_86] : memref<10240x16xf32, #tpu.memory_space<hbm>> -> memref<10240x16xf32, #tpu.memory_space<hbm>>
    tpu.wait_indirect_dma semaphore(%arg17 : memref<!tpu.dma_semaphore, #tpu.memory_space<semaphore_mem>>) src(%dma_wait3A_87 : memref<10240x16xf32, #tpu.memory_space<hbm>>) dst(%arg12 : memref<128x16xf32, #tpu.memory_space<vmem>>)
    %dma_start3A_88 = arith.constant 78 : i32
    %dma_start3A_89 = arith.constant 0 : i32
    %dma_start3A_90 = tpu.memref_slice %arg8[%dma_start3A_88, %dma_start3A_89] : memref<80x128xi32, #tpu.memory_space<vmem>> -> memref<1x128xi32, #tpu.memory_space<vmem>>
    %dma_start3A_91 = tpu.memref_squeeze %dma_start3A_90 : memref<1x128xi32, #tpu.memory_space<vmem>> -> memref<128xi32, #tpu.memory_space<vmem>>
    %dma_start3A_92 = arith.constant 0 : i32
    %dma_start3A_93 = arith.constant 0 : i32
    %dma_start3A_94 = tpu.memref_slice %arg6[%dma_start3A_92, %dma_start3A_93] : memref<10240x16xf32, #tpu.memory_space<vmem_shared>> -> memref<10240x16xf32, #tpu.memory_space<vmem_shared>>
    tpu.enqueue_indirect_dma source(%arg11 : memref<128x16xf32, #tpu.memory_space<vmem>>) target(%dma_start3A_94 : memref<10240x16xf32, #tpu.memory_space<vmem_shared>>) offsets(%dma_start3A_91 : memref<128xi32, #tpu.memory_space<vmem>>) semaphore(%arg16 : memref<!tpu.dma_semaphore, #tpu.memory_space<semaphore_mem>>) {add = true}
    %dma_start3A_95 = arith.constant 79 : i32
    %dma_start3A_96 = arith.constant 0 : i32
    %dma_start3A_97 = tpu.memref_slice %arg8[%dma_start3A_95, %dma_start3A_96] : memref<80x128xi32, #tpu.memory_space<vmem>> -> memref<1x128xi32, #tpu.memory_space<vmem>>
    %dma_start3A_98 = tpu.memref_squeeze %dma_start3A_97 : memref<1x128xi32, #tpu.memory_space<vmem>> -> memref<128xi32, #tpu.memory_space<vmem>>
    %dma_start3A_99 = arith.constant 0 : i32
    %dma_start3A_100 = arith.constant 0 : i32
    %dma_start3A_101 = tpu.memref_slice %arg6[%dma_start3A_99, %dma_start3A_100] : memref<10240x16xf32, #tpu.memory_space<vmem_shared>> -> memref<10240x16xf32, #tpu.memory_space<vmem_shared>>
    tpu.enqueue_indirect_dma source(%arg12 : memref<128x16xf32, #tpu.memory_space<vmem>>) target(%dma_start3A_101 : memref<10240x16xf32, #tpu.memory_space<vmem_shared>>) offsets(%dma_start3A_98 : memref<128xi32, #tpu.memory_space<vmem>>) semaphore(%arg17 : memref<!tpu.dma_semaphore, #tpu.memory_space<semaphore_mem>>) {add = true}
    %dma_wait3A_102 = arith.constant 0 : i32
    %dma_wait3A_103 = arith.constant 0 : i32
    %dma_wait3A_104 = tpu.memref_slice %arg7[%dma_wait3A_102, %dma_wait3A_103] : memref<80x128xi32, #tpu.memory_space<vmem>> -> memref<1x128xi32, #tpu.memory_space<vmem>>
    %dma_wait3A_105 = tpu.memref_squeeze %dma_wait3A_104 : memref<1x128xi32, #tpu.memory_space<vmem>> -> memref<128xi32, #tpu.memory_space<vmem>>
    %dma_wait3A_106 = arith.constant 0 : i32
    %dma_wait3A_107 = arith.constant 0 : i32
    %dma_wait3A_108 = tpu.memref_slice %arg2[%dma_wait3A_106, %dma_wait3A_107] : memref<10240x16xf32, #tpu.memory_space<hbm>> -> memref<10240x16xf32, #tpu.memory_space<hbm>>
    tpu.wait_indirect_dma semaphore(%arg14 : memref<!tpu.dma_semaphore, #tpu.memory_space<semaphore_mem>>) src(%dma_wait3A_108 : memref<10240x16xf32, #tpu.memory_space<hbm>>) dst(%arg9 : memref<128x16xf32, #tpu.memory_space<vmem>>)
    %dma_wait3A_109 = arith.constant 0 : i32
    %dma_wait3A_110 = arith.constant 0 : i32
    %dma_wait3A_111 = tpu.memref_slice %arg7[%dma_wait3A_109, %dma_wait3A_110] : memref<80x128xi32, #tpu.memory_space<vmem>> -> memref<1x128xi32, #tpu.memory_space<vmem>>
    %dma_wait3A_112 = tpu.memref_squeeze %dma_wait3A_111 : memref<1x128xi32, #tpu.memory_space<vmem>> -> memref<128xi32, #tpu.memory_space<vmem>>
    %dma_wait3A_113 = arith.constant 0 : i32
    %dma_wait3A_114 = arith.constant 0 : i32
    %dma_wait3A_115 = tpu.memref_slice %arg2[%dma_wait3A_113, %dma_wait3A_114] : memref<10240x16xf32, #tpu.memory_space<hbm>> -> memref<10240x16xf32, #tpu.memory_space<hbm>>
    tpu.wait_indirect_dma semaphore(%arg15 : memref<!tpu.dma_semaphore, #tpu.memory_space<semaphore_mem>>) src(%dma_wait3A_115 : memref<10240x16xf32, #tpu.memory_space<hbm>>) dst(%arg10 : memref<128x16xf32, #tpu.memory_space<vmem>>)
    %dma_wait3A_116 = arith.constant 0 : i32
    %dma_wait3A_117 = arith.constant 0 : i32
    %dma_wait3A_118 = tpu.memref_slice %arg7[%dma_wait3A_116, %dma_wait3A_117] : memref<80x128xi32, #tpu.memory_space<vmem>> -> memref<1x128xi32, #tpu.memory_space<vmem>>
    %dma_wait3A_119 = tpu.memref_squeeze %dma_wait3A_118 : memref<1x128xi32, #tpu.memory_space<vmem>> -> memref<128xi32, #tpu.memory_space<vmem>>
    %dma_wait3A_120 = arith.constant 0 : i32
    %dma_wait3A_121 = arith.constant 0 : i32
    %dma_wait3A_122 = tpu.memref_slice %arg2[%dma_wait3A_120, %dma_wait3A_121] : memref<10240x16xf32, #tpu.memory_space<hbm>> -> memref<10240x16xf32, #tpu.memory_space<hbm>>
    tpu.wait_indirect_dma semaphore(%arg16 : memref<!tpu.dma_semaphore, #tpu.memory_space<semaphore_mem>>) src(%dma_wait3A_122 : memref<10240x16xf32, #tpu.memory_space<hbm>>) dst(%arg11 : memref<128x16xf32, #tpu.memory_space<vmem>>)
    %dma_wait3A_123 = arith.constant 0 : i32
    %dma_wait3A_124 = arith.constant 0 : i32
    %dma_wait3A_125 = tpu.memref_slice %arg7[%dma_wait3A_123, %dma_wait3A_124] : memref<80x128xi32, #tpu.memory_space<vmem>> -> memref<1x128xi32, #tpu.memory_space<vmem>>
    %dma_wait3A_126 = tpu.memref_squeeze %dma_wait3A_125 : memref<1x128xi32, #tpu.memory_space<vmem>> -> memref<128xi32, #tpu.memory_space<vmem>>
    %dma_wait3A_127 = arith.constant 0 : i32
    %dma_wait3A_128 = arith.constant 0 : i32
    %dma_wait3A_129 = tpu.memref_slice %arg2[%dma_wait3A_127, %dma_wait3A_128] : memref<10240x16xf32, #tpu.memory_space<hbm>> -> memref<10240x16xf32, #tpu.memory_space<hbm>>
    tpu.wait_indirect_dma semaphore(%arg17 : memref<!tpu.dma_semaphore, #tpu.memory_space<semaphore_mem>>) src(%dma_wait3A_129 : memref<10240x16xf32, #tpu.memory_space<hbm>>) dst(%arg12 : memref<128x16xf32, #tpu.memory_space<vmem>>)
    %barrier3A_130 = arith.constant 0 : index
    tpu.barrier barrier_id(%barrier3A_130)
    %mul3A_131 = arith.constant 640 : i32
    %mul3A_132 = arith.muli %arg1, %mul3A_131 : i32
    %mul3A_133 = arith.constant 640 : i32
    %mul3A_134 = arith.muli %arg1, %mul3A_133 : i32
    "tpu.region"() ({
      %run_scoped3A = tpu.sem_alloc : memref<!tpu.dma_semaphore, #tpu.memory_space<semaphore_mem>>
      %dma_start3A_135 = arith.constant 0 : i32
      %dma_start3A_136 = tpu.memref_slice %arg5[%arg0, %mul3A_134, %dma_start3A_135] : memref<2x10240x16xf32, #tpu.memory_space<hbm>> -> memref<1x640x16xf32, #tpu.memory_space<hbm>>
      %dma_start3A_137 = tpu.memref_squeeze %dma_start3A_136 : memref<1x640x16xf32, #tpu.memory_space<hbm>> -> memref<640x16xf32, #tpu.memory_space<hbm>>
      %dma_start3A_138 = arith.constant 0 : i32
      %dma_start3A_139 = tpu.memref_slice %arg6[%mul3A_132, %dma_start3A_138] : memref<10240x16xf32, #tpu.memory_space<vmem_shared>> -> memref<640x16xf32, #tpu.memory_space<vmem_shared>>
      tpu.enqueue_dma source(%dma_start3A_139 : memref<640x16xf32, #tpu.memory_space<vmem_shared>>) target(%dma_start3A_137 : memref<640x16xf32, #tpu.memory_space<hbm>>) target_semaphore(%run_scoped3A : memref<!tpu.dma_semaphore, #tpu.memory_space<semaphore_mem>>)
      %dma_wait3A_140 = arith.constant 0 : i32
      %dma_wait3A_141 = tpu.memref_slice %arg5[%arg0, %mul3A_134, %dma_wait3A_140] : memref<2x10240x16xf32, #tpu.memory_space<hbm>> -> memref<1x640x16xf32, #tpu.memory_space<hbm>>
      %dma_wait3A_142 = tpu.memref_squeeze %dma_wait3A_141 : memref<1x640x16xf32, #tpu.memory_space<hbm>> -> memref<640x16xf32, #tpu.memory_space<hbm>>
      %dma_wait3A_143 = arith.constant 0 : i32
      %dma_wait3A_144 = tpu.memref_slice %arg6[%mul3A_132, %dma_wait3A_143] : memref<10240x16xf32, #tpu.memory_space<vmem_shared>> -> memref<640x16xf32, #tpu.memory_space<vmem_shared>>
      tpu.wait_dma2 semaphore(%run_scoped3A : memref<!tpu.dma_semaphore, #tpu.memory_space<semaphore_mem>>) src(%dma_wait3A_144 : memref<640x16xf32, #tpu.memory_space<vmem_shared>>) dst(%dma_wait3A_142 : memref<640x16xf32, #tpu.memory_space<hbm>>)
      tpu.yield
    }) : () -> ()
    return
  }
}

module attributes {stable_mosaic.version = 14 : i64} {
  func.func @body(%arg0: memref<10000x128xf32, #tpu.memory_space<vmem>>, %arg1: memref<128x128xf32, #tpu.memory_space<vmem>>, %arg2: memref<2x2x10240x16xf32, #tpu.memory_space<vmem>>, %arg3: memref<20480x64xbf16, #tpu.memory_space<vmem>>) attributes {dimension_semantics = [], scalar_prefetch = 0 : i64, scratch_operands = 0 : i64, tpu.core_type = #tpu.core_type<tc>} {
    %get3A = arith.constant 0 : index
    %get3A_0 = arith.constant 0 : index
    %get3A_1 = vector.load %arg0[%get3A, %get3A_0] : memref<10000x128xf32, #tpu.memory_space<vmem>>, vector<10000x128xf32>
    %get3A_2 = arith.constant 0 : index
    %get3A_3 = arith.constant 0 : index
    %get3A_4 = vector.load %arg1[%get3A_2, %get3A_3] : memref<128x128xf32, #tpu.memory_space<vmem>>, vector<128x128xf32>
    %dot_general3A = arith.constant dense<0.000000e+00> : vector<10000x128xf32>
    %dot_general3A_5 = tpu.matmul %get3A_1, %get3A_4, %dot_general3A {dimension_numbers = #tpu.dot_dimension_numbers<[1], [0], [0], [1], [0, 0, 1, 1], [], []>, transpose_lhs_hint = false} : vector<10000x128xf32>, vector<128x128xf32>, vector<10000x128xf32> -> vector<10000x128xf32>
    %get3A_6 = arith.constant 0 : index
    %get3A_7 = arith.constant 0 : index
    %get3A_8 = arith.constant 0 : index
    %get3A_9 = arith.constant 0 : index
    %get3A_10 = vector.load %arg2[%get3A_6, %get3A_7, %get3A_8, %get3A_9] : memref<2x2x10240x16xf32, #tpu.memory_space<vmem>>, vector<1x1x10240x1xf32>
    %get3A_11 = vector.shape_cast %get3A_10 : vector<1x1x10240x1xf32> to vector<10240x1xf32>
    %get3A_12 = arith.constant 1 : index
    %get3A_13 = arith.constant 0 : index
    %get3A_14 = arith.constant 0 : index
    %get3A_15 = arith.constant 0 : index
    %get3A_16 = vector.load %arg2[%get3A_12, %get3A_13, %get3A_14, %get3A_15] : memref<2x2x10240x16xf32, #tpu.memory_space<vmem>>, vector<1x1x10240x1xf32>
    %get3A_17 = vector.shape_cast %get3A_16 : vector<1x1x10240x1xf32> to vector<10240x1xf32>
    %add3A = arith.addf %get3A_11, %get3A_17 : vector<10240x1xf32>
    %max3A = arith.constant 1.000000e+00 : f32
    %max3A_18 = vector.broadcast %max3A : f32 to vector<10240x1xf32>
    %max3A_19 = arith.maximumf %add3A, %max3A_18 : vector<10240x1xf32>
    %rsqrt3A = math.rsqrt %max3A_19 : vector<10240x1xf32>
    %slice3A = vector.extract_strided_slice %rsqrt3A {offsets = [0, 0], sizes = [10000, 1], strides = [1, 1]} : vector<10240x1xf32> to vector<10000x1xf32>
    %mul3A = vector.broadcast %slice3A : vector<10000x1xf32> to vector<10000x128xf32>
    %mul3A_20 = arith.mulf %dot_general3A_5, %mul3A : vector<10000x128xf32>
    %convert_element_type3A = arith.truncf %mul3A_20 : vector<10000x128xf32> to vector<10000x128xbf16>
    %broadcast_in_dim3A = arith.constant 0.000000e+00 : bf16
    %broadcast_in_dim3A_21 = vector.broadcast %broadcast_in_dim3A : bf16 to vector<240x64xbf16>
    %slice3A_22 = vector.extract_strided_slice %convert_element_type3A {offsets = [0, 0], sizes = [10000, 64], strides = [1, 1]} : vector<10000x128xbf16> to vector<10000x64xbf16>
    %swap3A = arith.constant 0 : index
    %swap3A_23 = arith.constant 0 : index
    %swap3A_24 = vector.load %arg3[%swap3A, %swap3A_23] : memref<20480x64xbf16, #tpu.memory_space<vmem>>, vector<10000x64xbf16>
    tpu.vector_store %arg3[%swap3A, %swap3A_23], %slice3A_22 {strides = array<i32>} : memref<20480x64xbf16, #tpu.memory_space<vmem>>, vector<10000x64xbf16>,
    %swap3A_25 = arith.constant 10000 : index
    %swap3A_26 = arith.constant 0 : index
    %swap3A_27 = vector.load %arg3[%swap3A_25, %swap3A_26] : memref<20480x64xbf16, #tpu.memory_space<vmem>>, vector<240x64xbf16>
    tpu.vector_store %arg3[%swap3A_25, %swap3A_26], %broadcast_in_dim3A_21 {strides = array<i32>} : memref<20480x64xbf16, #tpu.memory_space<vmem>>, vector<240x64xbf16>,
    %slice3A_28 = vector.extract_strided_slice %convert_element_type3A {offsets = [0, 64], sizes = [10000, 64], strides = [1, 1]} : vector<10000x128xbf16> to vector<10000x64xbf16>
    %swap3A_29 = arith.constant 10240 : index
    %swap3A_30 = arith.constant 0 : index
    %swap3A_31 = vector.load %arg3[%swap3A_29, %swap3A_30] : memref<20480x64xbf16, #tpu.memory_space<vmem>>, vector<10000x64xbf16>
    tpu.vector_store %arg3[%swap3A_29, %swap3A_30], %slice3A_28 {strides = array<i32>} : memref<20480x64xbf16, #tpu.memory_space<vmem>>, vector<10000x64xbf16>,
    %swap3A_32 = arith.constant 20240 : index
    %swap3A_33 = arith.constant 0 : index
    %swap3A_34 = vector.load %arg3[%swap3A_32, %swap3A_33] : memref<20480x64xbf16, #tpu.memory_space<vmem>>, vector<240x64xbf16>
    tpu.vector_store %arg3[%swap3A_32, %swap3A_33], %broadcast_in_dim3A_21 {strides = array<i32>} : memref<20480x64xbf16, #tpu.memory_space<vmem>>, vector<240x64xbf16>,
    return
  }
}

module attributes {stable_mosaic.version = 14 : i64} {
  func.func @body(%arg0: memref<2x10240x64xbf16, #tpu.memory_space<vmem>>, %arg1: memref<2x2x10240x16xf32, #tpu.memory_space<vmem>>, %arg2: memref<1x128xf32, #tpu.memory_space<vmem>>, %arg3: memref<128x16xf32, #tpu.memory_space<vmem>>, %arg4: memref<10240x16xf32, #tpu.memory_space<vmem>>) attributes {dimension_semantics = [], scalar_prefetch = 0 : i64, scratch_operands = 0 : i64, tpu.core_type = #tpu.core_type<tc>} {
    %get3A = arith.constant 0 : index
    %get3A_0 = arith.constant 0 : index
    %get3A_1 = arith.constant 0 : index
    %get3A_2 = vector.load %arg0[%get3A, %get3A_0, %get3A_1] : memref<2x10240x64xbf16, #tpu.memory_space<vmem>>, vector<1x10240x64xbf16>
    %get3A_3 = vector.shape_cast %get3A_2 : vector<1x10240x64xbf16> to vector<10240x64xbf16>
    %get3A_4 = arith.constant 1 : index
    %get3A_5 = arith.constant 0 : index
    %get3A_6 = arith.constant 0 : index
    %get3A_7 = vector.load %arg0[%get3A_4, %get3A_5, %get3A_6] : memref<2x10240x64xbf16, #tpu.memory_space<vmem>>, vector<1x10240x64xbf16>
    %get3A_8 = vector.shape_cast %get3A_7 : vector<1x10240x64xbf16> to vector<10240x64xbf16>
    %concatenate3A = tpu.concatenate %get3A_3, %get3A_8 in 1 : vector<10240x64xbf16>, vector<10240x64xbf16> -> vector<10240x128xbf16>
    %convert_element_type3A = arith.extf %concatenate3A : vector<10240x128xbf16> to vector<10240x128xf32>
    %get3A_9 = arith.constant 0 : index
    %get3A_10 = arith.constant 1 : index
    %get3A_11 = arith.constant 0 : index
    %get3A_12 = arith.constant 0 : index
    %get3A_13 = vector.load %arg1[%get3A_9, %get3A_10, %get3A_11, %get3A_12] : memref<2x2x10240x16xf32, #tpu.memory_space<vmem>>, vector<1x1x10240x1xf32>
    %get3A_14 = vector.shape_cast %get3A_13 : vector<1x1x10240x1xf32> to vector<10240x1xf32>
    %get3A_15 = arith.constant 1 : index
    %get3A_16 = arith.constant 1 : index
    %get3A_17 = arith.constant 0 : index
    %get3A_18 = arith.constant 0 : index
    %get3A_19 = vector.load %arg1[%get3A_15, %get3A_16, %get3A_17, %get3A_18] : memref<2x2x10240x16xf32, #tpu.memory_space<vmem>>, vector<1x1x10240x1xf32>
    %get3A_20 = vector.shape_cast %get3A_19 : vector<1x1x10240x1xf32> to vector<10240x1xf32>
    %add3A = arith.addf %get3A_14, %get3A_20 : vector<10240x1xf32>
    %max3A = arith.constant 1.000000e+00 : f32
    %max3A_21 = vector.broadcast %max3A : f32 to vector<10240x1xf32>
    %max3A_22 = arith.maximumf %add3A, %max3A_21 : vector<10240x1xf32>
    %rsqrt3A = math.rsqrt %max3A_22 : vector<10240x1xf32>
    %mul3A = vector.broadcast %rsqrt3A : vector<10240x1xf32> to vector<10240x128xf32>
    %mul3A_23 = arith.mulf %convert_element_type3A, %mul3A : vector<10240x128xf32>
    %get3A_24 = arith.constant 0 : index
    %get3A_25 = arith.constant 0 : index
    %get3A_26 = vector.load %arg2[%get3A_24, %get3A_25] : memref<1x128xf32, #tpu.memory_space<vmem>>, vector<1x128xf32>
    %add3A_27 = vector.broadcast %get3A_26 : vector<1x128xf32> to vector<10240x128xf32>
    %add3A_28 = arith.addf %mul3A_23, %add3A_27 : vector<10240x128xf32>
    %max3A_29 = arith.constant 0.000000e+00 : f32
    %max3A_30 = vector.broadcast %max3A_29 : f32 to vector<10240x128xf32>
    %max3A_31 = arith.maximumf %add3A_28, %max3A_30 : vector<10240x128xf32>
    %get3A_32 = arith.constant 0 : index
    %get3A_33 = arith.constant 0 : index
    %get3A_34 = arith.constant 0 : index
    %get3A_35 = arith.constant 0 : index
    %get3A_36 = vector.load %arg1[%get3A_32, %get3A_33, %get3A_34, %get3A_35] : memref<2x2x10240x16xf32, #tpu.memory_space<vmem>>, vector<1x1x10240x1xf32>
    %get3A_37 = vector.shape_cast %get3A_36 : vector<1x1x10240x1xf32> to vector<10240x1xf32>
    %get3A_38 = arith.constant 1 : index
    %get3A_39 = arith.constant 0 : index
    %get3A_40 = arith.constant 0 : index
    %get3A_41 = arith.constant 0 : index
    %get3A_42 = vector.load %arg1[%get3A_38, %get3A_39, %get3A_40, %get3A_41] : memref<2x2x10240x16xf32, #tpu.memory_space<vmem>>, vector<1x1x10240x1xf32>
    %get3A_43 = vector.shape_cast %get3A_42 : vector<1x1x10240x1xf32> to vector<10240x1xf32>
    %add3A_44 = arith.addf %get3A_37, %get3A_43 : vector<10240x1xf32>
    %max3A_45 = arith.constant 1.000000e+00 : f32
    %max3A_46 = vector.broadcast %max3A_45 : f32 to vector<10240x1xf32>
    %max3A_47 = arith.maximumf %add3A_44, %max3A_46 : vector<10240x1xf32>
    %rsqrt3A_48 = math.rsqrt %max3A_47 : vector<10240x1xf32>
    %mul3A_49 = vector.broadcast %rsqrt3A_48 : vector<10240x1xf32> to vector<10240x128xf32>
    %mul3A_50 = arith.mulf %max3A_31, %mul3A_49 : vector<10240x128xf32>
    %get3A_51 = arith.constant 0 : index
    %get3A_52 = arith.constant 0 : index
    %get3A_53 = vector.load %arg3[%get3A_51, %get3A_52] : memref<128x16xf32, #tpu.memory_space<vmem>>, vector<128x16xf32>
    %dot_general3A = arith.constant dense<0.000000e+00> : vector<10240x16xf32>
    %dot_general3A_54 = tpu.matmul %mul3A_50, %get3A_53, %dot_general3A {dimension_numbers = #tpu.dot_dimension_numbers<[1], [0], [0], [1], [0, 0, 1, 1], [], []>, transpose_lhs_hint = false} : vector<10240x128xf32>, vector<128x16xf32>, vector<10240x16xf32> -> vector<10240x16xf32>
    %iota3A = tpu.iota {dimensions = array<i32: 0>} : vector<10240x1xi32>
    %lt3A = arith.constant 10000 : i32
    %lt3A_55 = vector.broadcast %lt3A : i32 to vector<10240x1xi32>
    %lt3A_56 = arith.cmpi slt, %iota3A, %lt3A_55 : vector<10240x1xi32>
    %jit3A = arith.constant 0.000000e+00 : f32
    %broadcast_in_dim3A = vector.shape_cast %lt3A_56 : vector<10240x1xi1> to vector<10240x1xi1>
    %broadcast_in_dim3A_57 = vector.broadcast %broadcast_in_dim3A : vector<10240x1xi1> to vector<10240x16xi1>
    %broadcast_in_dim3A_58 = vector.broadcast %jit3A : f32 to vector<10240x16xf32>
    %select_n3A = arith.select %broadcast_in_dim3A_57, %dot_general3A_54, %broadcast_in_dim3A_58 : vector<10240x16xi1>, vector<10240x16xf32>
    %swap3A = arith.constant 0 : index
    %swap3A_59 = arith.constant 0 : index
    %swap3A_60 = vector.load %arg4[%swap3A, %swap3A_59] : memref<10240x16xf32, #tpu.memory_space<vmem>>, vector<10240x16xf32>
    tpu.vector_store %arg4[%swap3A, %swap3A_59], %select_n3A {strides = array<i32>} : memref<10240x16xf32, #tpu.memory_space<vmem>>, vector<10240x16xf32>,
    return
  }
}

module attributes {stable_mosaic.version = 14 : i64} {
  func.func @body(%arg0: memref<2x10240x16xf32, #tpu.memory_space<vmem>>, %arg1: memref<2x2x10240x16xf32, #tpu.memory_space<vmem>>, %arg2: memref<1x16xf32, #tpu.memory_space<vmem>>, %arg3: memref<10000x16xf32, #tpu.memory_space<vmem>>) attributes {dimension_semantics = [], scalar_prefetch = 0 : i64, scratch_operands = 0 : i64, tpu.core_type = #tpu.core_type<tc>} {
    %get3A = arith.constant 0 : index
    %get3A_0 = arith.constant 0 : index
    %get3A_1 = arith.constant 0 : index
    %get3A_2 = vector.load %arg0[%get3A, %get3A_0, %get3A_1] : memref<2x10240x16xf32, #tpu.memory_space<vmem>>, vector<1x10000x16xf32>
    %get3A_3 = vector.shape_cast %get3A_2 : vector<1x10000x16xf32> to vector<10000x16xf32>
    %get3A_4 = arith.constant 1 : index
    %get3A_5 = arith.constant 0 : index
    %get3A_6 = arith.constant 0 : index
    %get3A_7 = vector.load %arg0[%get3A_4, %get3A_5, %get3A_6] : memref<2x10240x16xf32, #tpu.memory_space<vmem>>, vector<1x10000x16xf32>
    %get3A_8 = vector.shape_cast %get3A_7 : vector<1x10000x16xf32> to vector<10000x16xf32>
    %add3A = arith.addf %get3A_3, %get3A_8 : vector<10000x16xf32>
    %get3A_9 = arith.constant 0 : index
    %get3A_10 = arith.constant 1 : index
    %get3A_11 = arith.constant 0 : index
    %get3A_12 = arith.constant 0 : index
    %get3A_13 = vector.load %arg1[%get3A_9, %get3A_10, %get3A_11, %get3A_12] : memref<2x2x10240x16xf32, #tpu.memory_space<vmem>>, vector<1x1x10240x1xf32>
    %get3A_14 = vector.shape_cast %get3A_13 : vector<1x1x10240x1xf32> to vector<10240x1xf32>
    %get3A_15 = arith.constant 1 : index
    %get3A_16 = arith.constant 1 : index
    %get3A_17 = arith.constant 0 : index
    %get3A_18 = arith.constant 0 : index
    %get3A_19 = vector.load %arg1[%get3A_15, %get3A_16, %get3A_17, %get3A_18] : memref<2x2x10240x16xf32, #tpu.memory_space<vmem>>, vector<1x1x10240x1xf32>
    %get3A_20 = vector.shape_cast %get3A_19 : vector<1x1x10240x1xf32> to vector<10240x1xf32>
    %add3A_21 = arith.addf %get3A_14, %get3A_20 : vector<10240x1xf32>
    %max3A = arith.constant 1.000000e+00 : f32
    %max3A_22 = vector.broadcast %max3A : f32 to vector<10240x1xf32>
    %max3A_23 = arith.maximumf %add3A_21, %max3A_22 : vector<10240x1xf32>
    %rsqrt3A = math.rsqrt %max3A_23 : vector<10240x1xf32>
    %slice3A = vector.extract_strided_slice %rsqrt3A {offsets = [0, 0], sizes = [10000, 1], strides = [1, 1]} : vector<10240x1xf32> to vector<10000x1xf32>
    %mul3A = vector.broadcast %slice3A : vector<10000x1xf32> to vector<10000x16xf32>
    %mul3A_24 = arith.mulf %add3A, %mul3A : vector<10000x16xf32>
    %get3A_25 = arith.constant 0 : index
    %get3A_26 = arith.constant 0 : index
    %get3A_27 = vector.load %arg2[%get3A_25, %get3A_26] : memref<1x16xf32, #tpu.memory_space<vmem>>, vector<1x16xf32>
    %add3A_28 = vector.broadcast %get3A_27 : vector<1x16xf32> to vector<10000x16xf32>
    %add3A_29 = arith.addf %mul3A_24, %add3A_28 : vector<10000x16xf32>
    %reduce_max3A = arith.constant dense<0xFF800000> : vector<10000xf32>
    %reduce_max3A_30 = vector.multi_reduction <maximumf>, %add3A_29, %reduce_max3A [1] : vector<10000x16xf32> to vector<10000xf32>
    %broadcast_in_dim3A = vector.shape_cast %reduce_max3A_30 : vector<10000xf32> to vector<10000x1xf32>
    %sub3A = vector.broadcast %broadcast_in_dim3A : vector<10000x1xf32> to vector<10000x16xf32>
    %sub3A_31 = arith.subf %add3A_29, %sub3A : vector<10000x16xf32>
    %exp3A = math.exp %sub3A_31 : vector<10000x16xf32>
    %reduce_sum3A = arith.constant dense<0.000000e+00> : vector<10000xf32>
    %reduce_sum3A_32 = vector.multi_reduction <add>, %exp3A, %reduce_sum3A [1] : vector<10000x16xf32> to vector<10000xf32>
    %broadcast_in_dim3A_33 = vector.shape_cast %reduce_sum3A_32 : vector<10000xf32> to vector<10000x1xf32>
    %div3A = vector.broadcast %broadcast_in_dim3A_33 : vector<10000x1xf32> to vector<10000x16xf32>
    %div3A_34 = arith.divf %exp3A, %div3A : vector<10000x16xf32>
    %swap3A = arith.constant 0 : index
    %swap3A_35 = arith.constant 0 : index
    %swap3A_36 = vector.load %arg3[%swap3A, %swap3A_35] : memref<10000x16xf32, #tpu.memory_space<vmem>>, vector<10000x16xf32>
    tpu.vector_store %arg3[%swap3A, %swap3A_35], %div3A_34 {strides = array<i32>} : memref<10000x16xf32, #tpu.memory_space<vmem>>, vector<10000x16xf32>,
    return
  }
}

</mosaic_0001>

<sc_bundles>
// kernel: kernel.11.cloned.1.call-start
scs
__scs_entry_jumppad:
0x0: {  	(pc) =	sbr.rel $0x88, $3  }
0x1: {  	(tag) =	ssettag $0x0;
	lr =	simm.s32 $0x1  }
0x2: {  	[smem:$0x3F9B] =	sst lr;
	_ =	strace $0xD0000000  }
0x3: {  	_ = 	snop  }
0x4: {  	_ = 	snop  }
0x5: {  	_ = 	snop  }
0x6: {  	_ = 	snop  }
0x7: {  	_ = 	snop  }
__scs_overlays_trampoline_lowered:
0x8: {  	[smem:$0x3FAA] =	sst s0  }
0x9: {  	[smem:$0x3FAB] =	sst s1  }
0xa: {  	[smem:$0x3FAC] =	sst s2  }
0xb: {  	[smem:$0x3FAD] =	sst s3  }
0xc: {  	[smem:$0x3FAE] =	sst s4  }
0xd: {  	[smem:$0x3FAF] =	sst s5  }
0xe: {  	[smem:$0x3FB0] =	sst s6  }
0xf: {  	[smem:$0x3FB1] =	sst s7  }
0x10: {  	[smem:$0x3FB2] =	sst s8  }
0x11: {  	[smem:$0x3FB3] =	sst s9;
	s0 =	simm.s32 @!p0 $0x0  }
0x12: {  	s1 =	sld [smem:$0x3F99];
	s0 =	simm.s32 @p0 $0x1  }
0x13: {  	[smem:$0x3FB4] =	sst s0;
	s0 =	simm.s32 @!p1 $0x0  }
0x14: {  	s2 =	sld [smem:$0x3F98];
	s0 =	simm.s32 @p1 $0x1  }
0x15: {  	[smem:$0x3FB5] =	sst s0;
	s0 =	simm.s32 @!p2 $0x0  }
0x16: {  	s3 =	sld [smem:$0x3FDB];
	s0 =	simm.s32 @p2 $0x1  }
0x17: {  	s4 =	simm.s32 $0x1BF5;
	[smem:$0x3FB7] =	sst s0  }
0x18: {  	s0 =	sld [smem:$0x3F9A];
	_ =	swait.ge [sflag:s4], $0x0  }
0x19: {  	s7 =	sld [smem:$0x3F9B]  }
0x1a: {  	s8 =	sadd.s32 $0xFFFFE003, lr  }
0x1b: {  	s9 =	sadd.s32 $0xFFFFFEF7, lr;
	s5 =	simm.s32 $0xFFFFFFFF;
	p2 =	slt.u32 s8, $0xFFFFF086  }
0x1c: {  	p1 =	slt.u32 s9, $0xF7A;
	s5 =	simm.s32 @!p2 $0x0  }
0x1d: {  	s5 =	simm.s32 @p1 $0x1;
	p0 =	seq.s32 s7, s2  }
0x1e: {  	s7 =	smul.u32 @!p0 $0xF7A, s2;
	p2 =	seq.s32 @!p0 s5, $0x0  }
0x1f: {  	s9 =	smul.u32 $0xF7A, s1;
	s8 =	simm.s32 @!p0 $0x1BF5;
	p2 =	por !p2, p0  }
0x20: {  	[sflag:s8] =	ssyncset.s32 @!p0 $0xFFFFF086;
	s6 =	sadd.s32 @!p0 s3, s7;
	s7 =	simm.s32 @!p0 $0x108  }
0x21: {  	s3 =	sadd.s32 s3, s9;
	s6 =	sadd.s32 @!p0 $0x88, s6;
	s7 =	simm.s32 @p2 $0x1082  }
0x22: {  	[simem:s7], [sflag:s8] =	dma.local @!p0 [hbm:s6], $0xF7A  }
0x23: {  	s9 =	sor.u32 $0xD0000000, s2;
	s6 =	simm.s32 $0x108;
	_ =	swait.ge @!p0 [sflag:s8], $0x0  }
0x24: {  	s3 =	sadd.s32 $0x88, s3;
	s6 =	simm.s32 @!p1 $0x1082;
	[sflag:s4] =	ssyncset.s32 $0xFFFFF086  }
0x25: {  	[simem:s6], [sflag:s4] =	dma.local [hbm:s3], $0xF7A  }
0x26: {  	[smem:$0x3F9B] =	sst s1;
	(tag) =	ssettag s2;
	_ =	strace s9  }
0x27: {  	s1 =	sld [smem:$0x3FAB]  }
0x28: {  	s2 =	sld [smem:$0x3FAC]  }
0x29: {  	s4 =	sld [smem:$0x3FAE]  }
0x2a: {  	p0 =	seq.s32 s5, $0x0;
	s5 =	sld [smem:$0x3FAF]  }
0x2b: {  	s6 =	sld [smem:$0x3FB0]  }
0x2c: {  	s7 =	sld [smem:$0x3FB1]  }
0x2d: {  	s3 =	simm.s32 $0x108;
	s8 =	sld [smem:$0x3FB2]  }
0x2e: {  	s3 =	simm.s32 @!p0 $0x1082;
	s9 =	sld [smem:$0x3FB3]  }
0x2f: {  	lr =	sadd.s32 s0, s3;
	s0 =	sld [smem:$0x3FAA]  }
0x30: {  	s3 =	sld [smem:$0x3FAD]  }
0x31: {  	[smem:$0x3FB6] =	sst s10  }
0x32: {  	s10 =	sld [smem:$0x3FB4];
	_ =	sdelay $0x3  }
0x33: {  	p0 =	seq.s32 s10, $0x1;
	s10 =	sld [smem:$0x3FB6];
	_ =	sdelay $0x3  }
0x34: {  	[smem:$0x3FB6] =	sst s10  }
0x35: {  	s10 =	sld [smem:$0x3FB5];
	_ =	sdelay $0x3  }
0x36: {  	p1 =	seq.s32 s10, $0x1;
	s10 =	sld [smem:$0x3FB6];
	_ =	sdelay $0x3  }
0x37: {  	[smem:$0x3FB6] =	sst s10  }
0x38: {  	s10 =	sld [smem:$0x3FB7]  }
0x39: {  	_ = 	snop;
	(pc) =	sbr.ind lr, $3  }
0x3a: {  	_ = 	snop  }
0x3b: {  	_ = 	snop  }
0x3c: {  	p2 =	seq.s32 s10, $0x1;
	s10 =	sld [smem:$0x3FB6]  }
0x3d: {  	_ =	shalt  }
0x3e: {  	_ =	shalt  }
0x3f: {  	_ =	shalt  }
0x40: {  	_ =	shalt  }
0x41: {  	_ =	shalt  }
0x42: {  	_ =	shalt  }
0x43: {  	_ =	shalt  }
0x44: {  	_ =	shalt  }
0x45: {  	_ =	shalt  }
0x46: {  	_ =	shalt  }
0x47: {  	_ =	shalt  }
0x48: {  	_ =	shalt  }
0x49: {  	_ =	shalt  }
0x4a: {  	_ =	shalt  }
0x4b: {  	_ =	shalt  }
0x4c: {  	_ =	shalt  }
0x4d: {  	_ =	shalt  }
0x4e: {  	_ =	shalt  }
0x4f: {  	_ =	shalt  }
0x50: {  	_ =	shalt  }
0x51: {  	_ =	shalt  }
0x52: {  	_ =	shalt  }
0x53: {  	_ =	shalt  }
0x54: {  	_ =	shalt  }
0x55: {  	_ =	shalt  }
0x56: {  	_ =	shalt  }
0x57: {  	_ =	shalt  }
0x58: {  	_ =	shalt  }
0x59: {  	_ =	shalt  }
0x5a: {  	_ =	shalt  }
0x5b: {  	_ =	shalt  }
0x5c: {  	_ =	shalt  }
0x5d: {  	_ =	shalt  }
0x5e: {  	_ =	shalt  }
0x5f: {  	_ =	shalt  }
0x60: {  	_ =	shalt  }
0x61: {  	_ =	shalt  }
0x62: {  	_ =	shalt  }
0x63: {  	_ =	shalt  }
0x64: {  	_ =	shalt  }
0x65: {  	_ =	shalt  }
0x66: {  	_ =	shalt  }
0x67: {  	_ =	shalt  }
0x68: {  	_ =	shalt  }
0x69: {  	_ =	shalt  }
0x6a: {  	_ =	shalt  }
0x6b: {  	_ =	shalt  }
0x6c: {  	_ =	shalt  }
0x6d: {  	_ =	shalt  }
0x6e: {  	_ =	shalt  }
0x6f: {  	_ =	shalt  }
0x70: {  	_ =	shalt  }
0x71: {  	_ =	shalt  }
0x72: {  	_ =	shalt  }
0x73: {  	_ =	shalt  }
0x74: {  	_ =	shalt  }
0x75: {  	_ =	shalt  }
0x76: {  	_ =	shalt  }
0x77: {  	_ =	shalt  }
0x78: {  	_ =	shalt  }
0x79: {  	_ =	shalt  }
0x7a: {  	_ =	shalt  }
0x7b: {  	_ =	shalt  }
0x7c: {  	_ =	shalt  }
0x7d: {  	_ =	shalt  }
0x7e: {  	_ =	shalt  }
0x7f: {  	_ =	shalt  }
0x80: {  	_ =	shalt  }
0x81: {  	_ =	shalt  }
0x82: {  	_ =	shalt  }
0x83: {  	_ =	shalt  }
0x84: {  	_ =	shalt  }
0x85: {  	_ =	shalt  }
0x86: {  	_ =	shalt  }
0x87: {  	_ =	shalt  }
.Lfunc_end0:
.L_simem_size_0:
called_computation.1_lowered:
.L_overlay_start_0:
0x88: {  	s2 =	sld [smem:$0x3FD9]  }
0x89: {  	s3 =	sld [smem:$0x3FFE];
	_ =	sdelay $0x1  }
0x8a: {  	s1 =	srdreg.scid  }
0x8b: {  	s0 =	sand.u32 $0x1, s1  }
0x8c: {  	s16 =	sshll.u32 s0, $0xA;
	s2 =	sadd.s32 s3, s2  }
0x8d: {  	s2 =	sadd.s32 s2, s16  }
0x8e: {  	[smem:$0x3FC2] =	sst s2  }
0x8f: {  	_ = 	snop  }
0x90: {  	(tm) =	ssettm $0x1  }
0x91: {  	s17 =	sld [smem:$0x3FFB];
	_ =	sdelay $0x3  }
0x92: {  	_ =	strace s17  }
0x93: {  	s2 =	sld [smem:$0x3FFC];
	_ =	sdelay $0x3  }
0x94: {  	_ =	strace s2  }
0x95: {  	s2 =	sld [smem:$0x3FFD];
	_ =	sdelay $0x3  }
0x96: {  	_ =	strace s2  }
0x97: {  	_ =	strace $0x8FFFFFFF  }
0x98: {  	s18 =	sld [smem:$0x3FDB];
	_ =	sdelay $0x1  }
0x99: {  	s19 =	simm.s32 $_scs_section_size  }
0x9a: {  	s4 =	simm.s32 $_size__tile_overlayer_lowered;
	s5 =	simm.s32 $_tile_overlayer_lowered  }
0x9b: {  	s22 =	simm.s32 $0x1BFF;
	s21 =	sshll.u32 s5, $0x1;
	s2 =	sadd.s32 s19, s18  }
0x9c: {  	s6 =	simm.s32 $0x0;
	s20 =	sshll.u32 s4, $0x1;
	s4 =	sadd.s32 s21, s2  }
0x9d: {  	[timem:s6], [sflag:s22] =	dma.local [hbm:s4], s20  }
0x9e: {  	_ =	swait.ge [sflag:s22], s20  }
0x9f: {  	s3 =	ssub.s32 $0x0, s20;
	[sflag:s22] =	ssyncset.done $0x0  }
0xa0: {  	[sflag:s22] =	ssyncadd.s32 s3;
	_ =	sdelay $0x1  }
0xa1: {  	s23 =	simm.s32 $0x1B8B  }
0xa2: {  	_ =	swait.ge [sflag:s23], $0x1  }
0xa3: {  	[sflag:s23] =	ssyncset.done $0x0  }
0xa4: {  	s25 =	simm.s32 $0x1B8E;
	s24 =	sld [smem:$0x3FFE];
	[sflag:s23] =	ssyncadd.s32 $0xFFFFFFFF  }
0xa5: {  	s26 =	simm.s32 $execute0_lowered;
	[smem:$0x3FD2] =	sst s25  }
0xa6: {  	s4 =	sshll.u32 s26, $0x1;
	_ =	strace $0x80000049;
	[dreg:$0x1] =	wrdreg $0xFFFFFFFF  }
0xa7: {  	s28 =	simm.s32 $_size_execute0_lowered;
	s2 =	sadd.s32 s2, s4;
	[dreg:$0x0] =	wrdreg $0x0  }
0xa8: {  	s4 =	sshll.u32 s28, $0x1;
	[dreg:$0x2] =	wrdreg s2  }
0xa9: {  	[dreg:$0x3] =	wrdreg s4  }
0xaa: {  	[dreg:$0x4] =	wrdreg $0xC0  }
0xab: {  	_ =	task [dreg:s6], $0x5FFFF  }
0xac: {  	[dreg:$0x1] =	wrdreg $0xFFFFFFFF  }
0xad: {  	[dreg:$0x0] =	wrdreg $0x60  }
0xae: {  	[dreg:$0x2] =	wrdreg s24  }
0xaf: {  	[dreg:$0x3] =	wrdreg $0x0  }
0xb0: {  	[dreg:$0x4] =	wrdreg $0x9  }
0xb1: {  	_ =	task.clear_ibuf [dreg:s6], $0x5FFFF;
	_ =	strace $0x90000049  }
0xb2: {  	s29 =	simm.s32 $0x9;
	_ =	strace $0x8000004B  }
0xb3: {  	_ =	swait.ge [sflag:s29], $0x1  }
0xb4: {  	[sflag:s29] =	ssyncadd.s32 $0xFFFFFFFF  }
0xb5: {  	_ =	strace $0x9000004B  }
0xb6: {  	_ =	sfence  }
0xb7: {  	s30 =	sld [smem:$0x0];
	_ =	sdelay $0x2  }
0xb8: {  	s31 =	sshll.u32 s1, $0xD;
	s1 =	sshrl.u32 s1, $0x2  }
0xb9: {  	s3 =	sand.u32 $0x4000, s31;
	s1 =	sadd.s32 s1, s30  }
0xba: {  	s0 =	sor.u32 s3, s0;
	s1 =	sshll.u32 s1, $0x11  }
0xbb: {  	s0 =	sor.u32 s1, s0  }
0xbc: {  	s0 =	sadd.s32 $0x8F2B, s0  }
0xbd: {  	[sflag:s0] =	ssyncadd.remote.s32 $0x1  }
0xbe: {  	_ =	sfence.sel $0xFFFF  }
0xbf: {  	[dreg:$0x0] =	wrdreg $0xFFFFFFFF;
	(pc) =	sbr.abs _section_cstart, $3  }
0xc0: {  	[dreg:$0x1] =	wrdreg $0xFFFFFFFF  }
0xc1: {  	_ =	task.clear_ibuf [dreg:s6], $0x2FFFF;
	_ =	strace $0x9FFFFFFF  }
0xc2: {  	(tm) =	ssettm $0x7FFFFFFF  }
0xc3: {  	_ =	shalt  }
tec
execute0_lowered:
.L_overlay_start_1:
0x0: {  	(tag) =	ssettag $0x1  }
0x1: {  	s0 =	srdreg.scid;
	s1 =	rddreg [dreg:$0x0]  }
0x2: {  	s8 =	stileid.u32;
	s2 =	rddreg [dreg:$0x1]  }
0x3: {  	s5 =	simm.s32 $0x0;
	s19 =	simm.s32 $0x5000;
	s20 =	simm.s32 $0x5  }
0x4: {  	s21 =	simm.s32 $0xA000;
	s22 =	simm.s32 $0x13000;
	s3 =	smul.u32 $0x5000, s8  }
0x5: {  	s23 =	simm.s32 $0x80;
	s24 =	simm.s32 $0xF000;
	s25 =	smul.u32 $0xA000, s8  }
0x6: {  	s29 =	simm.s32 $0x11000;
	s0 =	sand.u32 $0x1, s0;
	s8 =	smul.u32 $0x14000, s8  }
0x7: {  	s31 =	simm.s32 $0x12000;
	s28 =	simm.s32 $0x3;
	s4 =	smul.u32 $0x50000, s0  }
0x8: {  	[smem:$0x7FF] =	sst s5;
	s7 =	smul.u32 $0xA0000, s0;
	s0 =	ssub.s32 $0x2, s0  }
0x9: {  	s30 =	simm.s32 $0x4;
	_ =	strace $0x8000004A;
	s9 =	sshrl.u32 s0, $0x1  }
0xa: {  	s26 =	sshrl.u32 s8, $0x2;
	s5 =	sshrl.u32 s25, $0x1;
	s4 =	sadd.s32 s3, s4  }
0xb: {  	s3 =	sshrl.u32 s3, $0x3;
	s7 =	sadd.s32 s25, s7;
	s0 =	ssub.s32 s0, s9  }
0xc: {  	s16 =	sadd.s32 s26, s2;
	s26 =	simm.s32 $0x10000;
	s25 =	simm.s32 $0x0  }
0xd: {  	s6 =	sshrl.u32 s4, $0x3;
	s4 =	sadd.s32 $0x15600, s1;
	s3 =	sadd.s32 s3, s1  }
0xe: {  	s7 =	sshrl.u32 s7, $0x4;
	s8 =	sadd.s32 $0x800, s16;
	s9 =	sadd.s32 $0x1000, s16  }
0xf: {  	s10 =	sadd.s32 $0x1800, s16;
	s11 =	sadd.s32 $0x2000, s16;
	s12 =	sadd.s32 $0x2800, s16  }
0x10: {  	s13 =	sadd.s32 $0x3000, s16;
	s14 =	sadd.s32 $0x3800, s16;
	s15 =	sadd.s32 $0x4000, s16  }
0x11: {  	s16 =	sadd.s32 $0x4800, s16;
	s18 =	smax.u32 s0, $0x1;
	s0 =	simm.s32 $0x2  }
0x12: {  	s6 =	sadd.s32 s6, s1;
	s1 =	sadd.s32 s7, s1;
	s3 =	sadd.s32 $0xB600, s3  }
0x13: {  	s7 =	sadd.s32 s5, s2;
	s6 =	sadd.s32 $0x29600, s6;
	[dreg:$0x4] =	wrdreg s3  }
0x14: {  	v0 =	vimm.bf16 $0.0e+00;
	s17 =	sadd.s32 $0xDD600, s1;
	s1 =	simm.s32 $0x1;
	[dreg:$0x3] =	wrdreg s6  }
.LBB2_1:
0x15: {  	s3 =	simm.s32 $0x0;
	s5 =	rddreg [dreg:$0x3]  }
0x16: {  	[tilespmem:s19], [sflag:$0x5] =	stream.linear.gather [hbm4b:s5+s3], $0x5000, $0x38;
	[tilespmem:$0x13800] =	vst v63  }
0x17: {  	_ =	swait.ge [sflag:s20], $0x5000  }
0x18: {  	[sflag:s20] =	ssyncset.done $0x0  }
0x19: {  	s6 =	rddreg [dreg:$0x4];
	[sflag:s20] =	ssyncadd.s32 $0xFFFFB000  }
0x1a: {  	[tilespmem:s21], [sflag:$0x5] =	stream.linear.gather [hbm4b:s6+s3], $0x5000, $0x38;
	[tilespmem:$0x13800] =	vst v63  }
0x1b: {  	_ =	swait.ge [sflag:s20], $0x5000  }
0x1c: {  	[sflag:s20] =	ssyncset.done $0x0  }
0x1d: {  	s5 =	simm.s32 $0x0;
	s3 =	simm.s32 $0x80;
	[sflag:s20] =	ssyncadd.s32 $0xFFFFB000  }
.LBB2_2:
0x1e: {  	p0 =	sne.s32 s3, $0x1F80;
	[tilespmem:s5+$0x13000] =	vst v0;
	s6 =	smov.u32 s3;
	s3 =	sadd.s32 $0x80, s3  }
.Ltmp0:
0x1f: {  	[tilespmem:s5+$0x13010] =	vst v0;
	(pc) =	sbr.rel @p0 .LBB2_2-.Ltmp0, $2  }
0x20: {  	_ =	sdelay $0x2  }
0x21: {  	s5 =	sshra.s32 s6, $0x2  }
0x22: {  	[tilespmem:s5+$0x13000] =	vst v0  }
0x23: {  	[tilespmem:s5+$0x13010] =	vst v0  }
0x24: {  	[spmem:s7] =	stream.linear.scatter [tilespmem:s22], [sflag:$0x5], $0x800, $0x38;
	[tilespmem:$0x13800] =	vst v63  }
0x25: {  	_ =	swait.ge [sflag:s20], $0x800  }
0x26: {  	[sflag:s20] =	ssyncset.done $0x0  }
0x27: {  	[sflag:s20] =	ssyncadd.s32 $0xFFFFF800  }
0x28: {  	[spmem:s8] =	stream.linear.scatter [tilespmem:s22], [sflag:$0x5], $0x800, $0x38;
	[tilespmem:$0x13800] =	vst v63  }
0x29: {  	_ =	swait.ge [sflag:s20], $0x800  }
0x2a: {  	[sflag:s20] =	ssyncset.done $0x0  }
0x2b: {  	[sflag:s20] =	ssyncadd.s32 $0xFFFFF800  }
0x2c: {  	[spmem:s9] =	stream.linear.scatter [tilespmem:s22], [sflag:$0x5], $0x800, $0x38;
	[tilespmem:$0x13800] =	vst v63  }
0x2d: {  	_ =	swait.ge [sflag:s20], $0x800  }
0x2e: {  	[sflag:s20] =	ssyncset.done $0x0  }
0x2f: {  	[sflag:s20] =	ssyncadd.s32 $0xFFFFF800  }
0x30: {  	[spmem:s10] =	stream.linear.scatter [tilespmem:s22], [sflag:$0x5], $0x800, $0x38;
	[tilespmem:$0x13800] =	vst v63  }
0x31: {  	_ =	swait.ge [sflag:s20], $0x800  }
0x32: {  	[sflag:s20] =	ssyncset.done $0x0  }
0x33: {  	[sflag:s20] =	ssyncadd.s32 $0xFFFFF800  }
0x34: {  	[spmem:s11] =	stream.linear.scatter [tilespmem:s22], [sflag:$0x5], $0x800, $0x38;
	[tilespmem:$0x13800] =	vst v63  }
0x35: {  	_ =	swait.ge [sflag:s20], $0x800  }
0x36: {  	[sflag:s20] =	ssyncset.done $0x0  }
0x37: {  	[sflag:s20] =	ssyncadd.s32 $0xFFFFF800  }
0x38: {  	[spmem:s12] =	stream.linear.scatter [tilespmem:s22], [sflag:$0x5], $0x800, $0x38;
	[tilespmem:$0x13800] =	vst v63  }
0x39: {  	_ =	swait.ge [sflag:s20], $0x800  }
0x3a: {  	[sflag:s20] =	ssyncset.done $0x0  }
0x3b: {  	[sflag:s20] =	ssyncadd.s32 $0xFFFFF800  }
0x3c: {  	[spmem:s13] =	stream.linear.scatter [tilespmem:s22], [sflag:$0x5], $0x800, $0x38;
	[tilespmem:$0x13800] =	vst v63  }
0x3d: {  	_ =	swait.ge [sflag:s20], $0x800  }
0x3e: {  	[sflag:s20] =	ssyncset.done $0x0  }
0x3f: {  	[sflag:s20] =	ssyncadd.s32 $0xFFFFF800  }
0x40: {  	[spmem:s14] =	stream.linear.scatter [tilespmem:s22], [sflag:$0x5], $0x800, $0x38;
	[tilespmem:$0x13800] =	vst v63  }
0x41: {  	_ =	swait.ge [sflag:s20], $0x800  }
0x42: {  	[sflag:s20] =	ssyncset.done $0x0  }
0x43: {  	[sflag:s20] =	ssyncadd.s32 $0xFFFFF800  }
0x44: {  	[spmem:s15] =	stream.linear.scatter [tilespmem:s22], [sflag:$0x5], $0x800, $0x38;
	[tilespmem:$0x13800] =	vst v63  }
0x45: {  	_ =	swait.ge [sflag:s20], $0x800  }
0x46: {  	[sflag:s20] =	ssyncset.done $0x0  }
0x47: {  	[sflag:s20] =	ssyncadd.s32 $0xFFFFF800  }
0x48: {  	[spmem:s16] =	stream.linear.scatter [tilespmem:s22], [sflag:$0x5], $0x800, $0x38;
	[tilespmem:$0x13800] =	vst v63  }
0x49: {  	_ =	swait.ge [sflag:s20], $0x800  }
0x4a: {  	[sflag:s20] =	ssyncset.done $0x0  }
0x4b: {  	[sflag:s20] =	ssyncadd.s32 $0xFFFFF800  }
0x4c: {  	[bflag:$0x0] =	sbarrier.arrive $0xFFFF  }
0x4d: {  	[tilespmem:s24], [sflag:$0x1] =	stream.indirect.gather [hbm4b:s4+s23], $0x20, s19, s23, $0xb8;
	[tilespmem:$0x13800] =	vst v63  }
0x4e: {  	s3 =	simm.s32 $0x5080  }
0x4f: {  	[tilespmem:s26], [sflag:$0x2] =	stream.indirect.gather [hbm4b:s4+s23], $0x20, s3, s23, $0xb8;
	[tilespmem:$0x13800] =	vst v63  }
0x50: {  	s5 =	simm.s32 $0x5100  }
0x51: {  	[tilespmem:s29], [sflag:$0x3] =	stream.indirect.gather [hbm4b:s4+s23], $0x20, s5, s23, $0xb8;
	[tilespmem:$0x13800] =	vst v63  }
0x52: {  	s6 =	simm.s32 $0x5180  }
0x53: {  	[tilespmem:s31], [sflag:$0x4] =	stream.indirect.gather [hbm4b:s4+s23], $0x20, s6, s23, $0xb8;
	[tilespmem:$0x13800] =	vst v63  }
0x54: {  	_ =	swait.ge [sflag:s1], $0x1000  }
0x55: {  	[sflag:s1] =	ssyncset.done $0x0  }
0x56: {  	[sflag:s1] =	ssyncadd.s32 $0xFFFFF000  }
0x57: {  	_ =	swait.ge [sflag:s0], $0x1000  }
0x58: {  	[sflag:s0] =	ssyncset.done $0x0  }
0x59: {  	[sflag:s0] =	ssyncadd.s32 $0xFFFFF000  }
0x5a: {  	[spmem:s2] =	stream.indirect.scatter.add.bf16 [tilespmem:s24], [sflag:$0x1], $0x20, s21, s23, $0xb8;
	[tilespmem:$0x13800] =	vst v63  }
0x5b: {  	s5 =	simm.s32 $0xA080  }
0x5c: {  	[spmem:s2] =	stream.indirect.scatter.add.bf16 [tilespmem:s26], [sflag:$0x2], $0x20, s5, s23, $0xb8;
	[tilespmem:$0x13800] =	vst v63  }
0x5d: {  	_ =	swait.ge [sflag:s1], $0x1000  }
0x5e: {  	[sflag:s1] =	ssyncset.done $0x0  }
0x5f: {  	[sflag:s1] =	ssyncadd.s32 $0xFFFFF000  }
0x60: {  	_ =	swait.ge [sflag:s0], $0x1000  }
0x61: {  	[sflag:s0] =	ssyncset.done $0x0  }
0x62: {  	s6 =	simm.s32 $0x5200;
	[sflag:s0] =	ssyncadd.s32 $0xFFFFF000  }
0x63: {  	[tilespmem:s24], [sflag:$0x1] =	stream.indirect.gather [hbm4b:s4+s23], $0x20, s6, s23, $0xb8;
	[tilespmem:$0x13800] =	vst v63  }
0x64: {  	s5 =	simm.s32 $0x5280  }
0x65: {  	[tilespmem:s26], [sflag:$0x2] =	stream.indirect.gather [hbm4b:s4+s23], $0x20, s5, s23, $0xb8;
	[tilespmem:$0x13800] =	vst v63  }
0x66: {  	_ =	swait.ge [sflag:s28], $0x1000  }
0x67: {  	[sflag:s28] =	ssyncset.done $0x0  }
0x68: {  	[sflag:s28] =	ssyncadd.s32 $0xFFFFF000  }
0x69: {  	_ =	swait.ge [sflag:s30], $0x1000  }
0x6a: {  	[sflag:s30] =	ssyncset.done $0x0  }
0x6b: {  	s6 =	simm.s32 $0xA100;
	[sflag:s30] =	ssyncadd.s32 $0xFFFFF000  }
0x6c: {  	[spmem:s2] =	stream.indirect.scatter.add.bf16 [tilespmem:s29], [sflag:$0x3], $0x20, s6, s23, $0xb8;
	[tilespmem:$0x13800] =	vst v63  }
0x6d: {  	s5 =	simm.s32 $0xA180  }
0x6e: {  	[spmem:s2] =	stream.indirect.scatter.add.bf16 [tilespmem:s31], [sflag:$0x4], $0x20, s5, s23, $0xb8;
	[tilespmem:$0x13800] =	vst v63  }
0x6f: {  	_ =	swait.ge [sflag:s28], $0x1000  }
0x70: {  	[sflag:s28] =	ssyncset.done $0x0  }
0x71: {  	[sflag:s28] =	ssyncadd.s32 $0xFFFFF000  }
0x72: {  	_ =	swait.ge [sflag:s30], $0x1000  }
0x73: {  	[sflag:s30] =	ssyncset.done $0x0  }
0x74: {  	s6 =	simm.s32 $0x5300;
	[sflag:s30] =	ssyncadd.s32 $0xFFFFF000  }
0x75: {  	[tilespmem:s29], [sflag:$0x3] =	stream.indirect.gather [hbm4b:s4+s23], $0x20, s6, s23, $0xb8;
	[tilespmem:$0x13800] =	vst v63  }
0x76: {  	s5 =	simm.s32 $0x5380  }
0x77: {  	[tilespmem:s31], [sflag:$0x4] =	stream.indirect.gather [hbm4b:s4+s23], $0x20, s5, s23, $0xb8;
	[tilespmem:$0x13800] =	vst v63  }
0x78: {  	_ =	swait.ge [sflag:s1], $0x1000  }
0x79: {  	[sflag:s1] =	ssyncset.done $0x0  }
0x7a: {  	[sflag:s1] =	ssyncadd.s32 $0xFFFFF000  }
0x7b: {  	_ =	swait.ge [sflag:s0], $0x1000  }
0x7c: {  	s3 =	simm.s32 $0x800;
	[sflag:s0] =	ssyncset.done $0x0  }
0x7d: {  	s6 =	simm.s32 $0xA200;
	s5 =	simm.s32 $0xA280;
	[sflag:s0] =	ssyncadd.s32 $0xFFFFF000  }
0x7e: {  	[spmem:s2] =	stream.indirect.scatter.add.bf16 [tilespmem:s24], [sflag:$0x1], $0x20, s6, s23, $0xb8;
	[tilespmem:$0x13800] =	vst v63  }
.LBB2_4:
0x7f: {  	[spmem:s2] =	stream.indirect.scatter.add.bf16 [tilespmem:s26], [sflag:$0x2], $0x20, s5, s23, $0xb8;
	[tilespmem:$0x13800] =	vst v63  }
0x80: {  	s5 =	smov.u32 s3  }
0x81: {  	p0 =	sne.s32 s3, $0x13000;
	s3 =	sadd.s32 $0x800, s3;
	_ =	swait.ge [sflag:s1], $0x1000  }
0x82: {  	[sflag:s1] =	ssyncset.done $0x0  }
0x83: {  	[sflag:s1] =	ssyncadd.s32 $0xFFFFF000  }
0x84: {  	_ =	swait.ge [sflag:s0], $0x1000  }
0x85: {  	s5 =	sshra.s32 s5, $0x2;
	[sflag:s0] =	ssyncset.done $0x0  }
0x86: {  	s6 =	sadd.s32 $0x5200, s5;
	[sflag:s0] =	ssyncadd.s32 $0xFFFFF000  }
0x87: {  	[tilespmem:s24], [sflag:$0x1] =	stream.indirect.gather [hbm4b:s4+s23], $0x20, s6, s23, $0xb8;
	[tilespmem:$0x13800] =	vst v63  }
0x88: {  	s6 =	sadd.s32 $0x5280, s5  }
0x89: {  	[tilespmem:s26], [sflag:$0x2] =	stream.indirect.gather [hbm4b:s4+s23], $0x20, s6, s23, $0xb8;
	[tilespmem:$0x13800] =	vst v63  }
0x8a: {  	_ =	swait.ge [sflag:s28], $0x1000  }
0x8b: {  	[sflag:s28] =	ssyncset.done $0x0  }
0x8c: {  	[sflag:s28] =	ssyncadd.s32 $0xFFFFF000  }
0x8d: {  	_ =	swait.ge [sflag:s30], $0x1000  }
0x8e: {  	[sflag:s30] =	ssyncset.done $0x0  }
0x8f: {  	s6 =	sadd.s32 $0xA100, s5;
	[sflag:s30] =	ssyncadd.s32 $0xFFFFF000  }
0x90: {  	[spmem:s2] =	stream.indirect.scatter.add.bf16 [tilespmem:s29], [sflag:$0x3], $0x20, s6, s23, $0xb8;
	[tilespmem:$0x13800] =	vst v63  }
0x91: {  	s6 =	sadd.s32 $0xA180, s5  }
0x92: {  	[spmem:s2] =	stream.indirect.scatter.add.bf16 [tilespmem:s31], [sflag:$0x4], $0x20, s6, s23, $0xb8;
	[tilespmem:$0x13800] =	vst v63  }
0x93: {  	_ =	swait.ge [sflag:s28], $0x1000  }
0x94: {  	[sflag:s28] =	ssyncset.done $0x0  }
0x95: {  	[sflag:s28] =	ssyncadd.s32 $0xFFFFF000  }
0x96: {  	_ =	swait.ge [sflag:s30], $0x1000  }
0x97: {  	[sflag:s30] =	ssyncset.done $0x0  }
0x98: {  	s6 =	sadd.s32 $0x5300, s5;
	[sflag:s30] =	ssyncadd.s32 $0xFFFFF000  }
0x99: {  	[tilespmem:s29], [sflag:$0x3] =	stream.indirect.gather [hbm4b:s4+s23], $0x20, s6, s23, $0xb8;
	[tilespmem:$0x13800] =	vst v63  }
0x9a: {  	s6 =	sadd.s32 $0x5380, s5  }
0x9b: {  	[tilespmem:s31], [sflag:$0x4] =	stream.indirect.gather [hbm4b:s4+s23], $0x20, s6, s23, $0xb8;
	[tilespmem:$0x13800] =	vst v63  }
0x9c: {  	_ =	swait.ge [sflag:s1], $0x1000  }
0x9d: {  	[sflag:s1] =	ssyncset.done $0x0  }
0x9e: {  	[sflag:s1] =	ssyncadd.s32 $0xFFFFF000  }
.Ltmp1:
0x9f: {  	_ =	swait.ge [sflag:s0], $0x1000;
	(pc) =	sbr.rel @p0 .LBB2_4-.Ltmp1, $4  }
0xa0: {  	[sflag:s0] =	ssyncset.done $0x0  }
0xa1: {  	s6 =	sadd.s32 $0xA200, s5;
	[sflag:s0] =	ssyncadd.s32 $0xFFFFF000  }
0xa2: {  	[spmem:s2] =	stream.indirect.scatter.add.bf16 [tilespmem:s24], [sflag:$0x1], $0x20, s6, s23, $0xb8;
	[tilespmem:$0x13800] =	vst v63  }
0xa3: {  	s5 =	sadd.s32 $0xA280, s5  }
0xa4: {  	[spmem:s2] =	stream.indirect.scatter.add.bf16 [tilespmem:s26], [sflag:$0x2], $0x20, s5, s23, $0xb8;
	[tilespmem:$0x13800] =	vst v63  }
0xa5: {  	_ =	swait.ge [sflag:s28], $0x1000  }
0xa6: {  	[sflag:s28] =	ssyncset.done $0x0  }
0xa7: {  	[sflag:s28] =	ssyncadd.s32 $0xFFFFF000  }
0xa8: {  	_ =	swait.ge [sflag:s30], $0x1000  }
0xa9: {  	[sflag:s30] =	ssyncset.done $0x0  }
0xaa: {  	s3 =	simm.s32 $0xEF00;
	[sflag:s30] =	ssyncadd.s32 $0xFFFFF000  }
0xab: {  	[spmem:s2] =	stream.indirect.scatter.add.bf16 [tilespmem:s29], [sflag:$0x3], $0x20, s3, s23, $0xb8;
	[tilespmem:$0x13800] =	vst v63  }
0xac: {  	s6 =	simm.s32 $0xEF80  }
0xad: {  	[spmem:s2] =	stream.indirect.scatter.add.bf16 [tilespmem:s31], [sflag:$0x4], $0x20, s6, s23, $0xb8;
	[tilespmem:$0x13800] =	vst v63  }
0xae: {  	_ =	swait.ge [sflag:s1], $0x1000  }
0xaf: {  	[sflag:s1] =	ssyncset.done $0x0  }
0xb0: {  	[sflag:s1] =	ssyncadd.s32 $0xFFFFF000  }
0xb1: {  	_ =	swait.ge [sflag:s0], $0x1000  }
0xb2: {  	[sflag:s0] =	ssyncset.done $0x0  }
0xb3: {  	[sflag:s0] =	ssyncadd.s32 $0xFFFFF000  }
0xb4: {  	_ =	swait.ge [sflag:s28], $0x1000  }
0xb5: {  	[sflag:s28] =	ssyncset.done $0x0  }
0xb6: {  	[sflag:s28] =	ssyncadd.s32 $0xFFFFF000  }
0xb7: {  	s5 =	stileid.u32;
	_ =	swait.ge [sflag:s30], $0x1000  }
0xb8: {  	s25 =	sadd.s32 $0x1, s25;
	s3 =	sshll.u32 s5, $0x6;
	[sflag:s30] =	ssyncset.done $0x0  }
0xb9: {  	p0 =	sne.s32 s25, s18;
	s3 =	sor.u32 $0x1C05, s3;
	[sflag:s30] =	ssyncadd.s32 $0xFFFFF000  }
.Ltmp2:
0xba: {  	s6 =	sshrl.u32 s7, $0x3;
	[bflag:$0x0] =	sbarrier.arrive $0xFFFF;
	(pc) =	sbr.rel @p0 .LBB2_1-.Ltmp2, $4  }
0xbb: {  	[hbm:s17], [sflag:s3] =	dma.local [spmem:s6], $0xA00  }
0xbc: {  	_ =	swait.ge [sflag:s20], $0xA00  }
0xbd: {  	[sflag:s20] =	ssyncset.done $0x0  }
0xbe: {  	[sflag:s20] =	ssyncadd.s32 $0xFFFFF600  }
0xbf: {  	_ =	sfence.sel $0x180000  }
0xc0: {  	[bflag:$0x0] =	sbarrier.arrive $0xFFFF  }
0xc1: {  	_ =	strace $0x9000004A  }
0xc2: {  	s0 =	stileid.u32;
	[bflag:$0x2] =	sbarrier.arrive $0xFFFF  }
0xc3: {  	p0 =	sne.s32 s0, $0x0;
	s0 =	rddreg [dreg:$0x2]  }
0xc4: {  	s0 =	sadd.s32 @!p0 $0x100000, s0  }
0xc5: {  	[sflag:s0] =	ssyncadd.tile.s32 @!p0 $0x1;
	_ =	shalt  }
.Lfunc_end2:
_tile_overlayer_lowered:
.L_overlay_start_2:
0xc6: {  	(tag) =	ssettag $0x2  }
0xc7: {  	s0 =	rddreg [dreg:$0x0];
	s2 =	stileid.u32  }
0xc8: {  	s1 =	rddreg [dreg:$0x1];
	p0 =	sne.s32 s2, $0x0  }
0xc9: {  	s3 =	rddreg [dreg:$0x2];
	[bflag:$0x3] =	sbarrier.arrive $0xFFFF;
	s2 =	simm.s32 @!p0 $0x1C05  }
0xca: {  	[timem:s3], [sflag:s2] =	dma.local @!p0 [hbm:s0], s1  }
0xcb: {  	s0 =	simm.s32 @!p0 $0x5  }
0xcc: {  	_ =	swait.ge @!p0 [sflag:s0], s1  }
0xcd: {  	s1 =	ssub.s32 @!p0 $0x0, s1;
	[sflag:s0] =	ssyncset.done @!p0 $0x0  }
0xce: {  	[sflag:s0] =	ssyncadd.s32 @!p0 s1  }
0xcf: {  	[bflag:$0x3] =	sbarrier.arrive $0xFFFF  }
0xd0: {  	_ =	shalt  }

// kernel: kernel.14.cloned.1.call-start
scs
__scs_entry_jumppad:
0x0: {  	(pc) =	sbr.rel $0x88, $3  }
0x1: {  	(tag) =	ssettag $0x0;
	lr =	simm.s32 $0x1  }
0x2: {  	[smem:$0x3F9B] =	sst lr;
	_ =	strace $0xD0000000  }
0x3: {  	_ = 	snop  }
0x4: {  	_ = 	snop  }
0x5: {  	_ = 	snop  }
0x6: {  	_ = 	snop  }
0x7: {  	_ = 	snop  }
__scs_overlays_trampoline_lowered:
0x8: {  	[smem:$0x3FAA] =	sst s0  }
0x9: {  	[smem:$0x3FAB] =	sst s1  }
0xa: {  	[smem:$0x3FAC] =	sst s2  }
0xb: {  	[smem:$0x3FAD] =	sst s3  }
0xc: {  	[smem:$0x3FAE] =	sst s4  }
0xd: {  	[smem:$0x3FAF] =	sst s5  }
0xe: {  	[smem:$0x3FB0] =	sst s6  }
0xf: {  	[smem:$0x3FB1] =	sst s7  }
0x10: {  	[smem:$0x3FB2] =	sst s8  }
0x11: {  	[smem:$0x3FB3] =	sst s9;
	s0 =	simm.s32 @!p0 $0x0  }
0x12: {  	s1 =	sld [smem:$0x3F99];
	s0 =	simm.s32 @p0 $0x1  }
0x13: {  	[smem:$0x3FB4] =	sst s0;
	s0 =	simm.s32 @!p1 $0x0  }
0x14: {  	s2 =	sld [smem:$0x3F98];
	s0 =	simm.s32 @p1 $0x1  }
0x15: {  	[smem:$0x3FB5] =	sst s0;
	s0 =	simm.s32 @!p2 $0x0  }
0x16: {  	s3 =	sld [smem:$0x3FDB];
	s0 =	simm.s32 @p2 $0x1  }
0x17: {  	s4 =	simm.s32 $0x1BF5;
	[smem:$0x3FB7] =	sst s0  }
0x18: {  	s0 =	sld [smem:$0x3F9A];
	_ =	swait.ge [sflag:s4], $0x0  }
0x19: {  	s7 =	sld [smem:$0x3F9B]  }
0x1a: {  	s8 =	sadd.s32 $0xFFFFE003, lr  }
0x1b: {  	s9 =	sadd.s32 $0xFFFFFEF7, lr;
	s5 =	simm.s32 $0xFFFFFFFF;
	p2 =	slt.u32 s8, $0xFFFFF086  }
0x1c: {  	p1 =	slt.u32 s9, $0xF7A;
	s5 =	simm.s32 @!p2 $0x0  }
0x1d: {  	s5 =	simm.s32 @p1 $0x1;
	p0 =	seq.s32 s7, s2  }
0x1e: {  	s7 =	smul.u32 @!p0 $0xF7A, s2;
	p2 =	seq.s32 @!p0 s5, $0x0  }
0x1f: {  	s9 =	smul.u32 $0xF7A, s1;
	s8 =	simm.s32 @!p0 $0x1BF5;
	p2 =	por !p2, p0  }
0x20: {  	[sflag:s8] =	ssyncset.s32 @!p0 $0xFFFFF086;
	s6 =	sadd.s32 @!p0 s3, s7;
	s7 =	simm.s32 @!p0 $0x108  }
0x21: {  	s3 =	sadd.s32 s3, s9;
	s6 =	sadd.s32 @!p0 $0x88, s6;
	s7 =	simm.s32 @p2 $0x1082  }
0x22: {  	[simem:s7], [sflag:s8] =	dma.local @!p0 [hbm:s6], $0xF7A  }
0x23: {  	s9 =	sor.u32 $0xD0000000, s2;
	s6 =	simm.s32 $0x108;
	_ =	swait.ge @!p0 [sflag:s8], $0x0  }
0x24: {  	s3 =	sadd.s32 $0x88, s3;
	s6 =	simm.s32 @!p1 $0x1082;
	[sflag:s4] =	ssyncset.s32 $0xFFFFF086  }
0x25: {  	[simem:s6], [sflag:s4] =	dma.local [hbm:s3], $0xF7A  }
0x26: {  	[smem:$0x3F9B] =	sst s1;
	(tag) =	ssettag s2;
	_ =	strace s9  }
0x27: {  	s1 =	sld [smem:$0x3FAB]  }
0x28: {  	s2 =	sld [smem:$0x3FAC]  }
0x29: {  	s4 =	sld [smem:$0x3FAE]  }
0x2a: {  	p0 =	seq.s32 s5, $0x0;
	s5 =	sld [smem:$0x3FAF]  }
0x2b: {  	s6 =	sld [smem:$0x3FB0]  }
0x2c: {  	s7 =	sld [smem:$0x3FB1]  }
0x2d: {  	s3 =	simm.s32 $0x108;
	s8 =	sld [smem:$0x3FB2]  }
0x2e: {  	s3 =	simm.s32 @!p0 $0x1082;
	s9 =	sld [smem:$0x3FB3]  }
0x2f: {  	lr =	sadd.s32 s0, s3;
	s0 =	sld [smem:$0x3FAA]  }
0x30: {  	s3 =	sld [smem:$0x3FAD]  }
0x31: {  	[smem:$0x3FB6] =	sst s10  }
0x32: {  	s10 =	sld [smem:$0x3FB4];
	_ =	sdelay $0x3  }
0x33: {  	p0 =	seq.s32 s10, $0x1;
	s10 =	sld [smem:$0x3FB6];
	_ =	sdelay $0x3  }
0x34: {  	[smem:$0x3FB6] =	sst s10  }
0x35: {  	s10 =	sld [smem:$0x3FB5];
	_ =	sdelay $0x3  }
0x36: {  	p1 =	seq.s32 s10, $0x1;
	s10 =	sld [smem:$0x3FB6];
	_ =	sdelay $0x3  }
0x37: {  	[smem:$0x3FB6] =	sst s10  }
0x38: {  	s10 =	sld [smem:$0x3FB7]  }
0x39: {  	_ = 	snop;
	(pc) =	sbr.ind lr, $3  }
0x3a: {  	_ = 	snop  }
0x3b: {  	_ = 	snop  }
0x3c: {  	p2 =	seq.s32 s10, $0x1;
	s10 =	sld [smem:$0x3FB6]  }
0x3d: {  	_ =	shalt  }
0x3e: {  	_ =	shalt  }
0x3f: {  	_ =	shalt  }
0x40: {  	_ =	shalt  }
0x41: {  	_ =	shalt  }
0x42: {  	_ =	shalt  }
0x43: {  	_ =	shalt  }
0x44: {  	_ =	shalt  }
0x45: {  	_ =	shalt  }
0x46: {  	_ =	shalt  }
0x47: {  	_ =	shalt  }
0x48: {  	_ =	shalt  }
0x49: {  	_ =	shalt  }
0x4a: {  	_ =	shalt  }
0x4b: {  	_ =	shalt  }
0x4c: {  	_ =	shalt  }
0x4d: {  	_ =	shalt  }
0x4e: {  	_ =	shalt  }
0x4f: {  	_ =	shalt  }
0x50: {  	_ =	shalt  }
0x51: {  	_ =	shalt  }
0x52: {  	_ =	shalt  }
0x53: {  	_ =	shalt  }
0x54: {  	_ =	shalt  }
0x55: {  	_ =	shalt  }
0x56: {  	_ =	shalt  }
0x57: {  	_ =	shalt  }
0x58: {  	_ =	shalt  }
0x59: {  	_ =	shalt  }
0x5a: {  	_ =	shalt  }
0x5b: {  	_ =	shalt  }
0x5c: {  	_ =	shalt  }
0x5d: {  	_ =	shalt  }
0x5e: {  	_ =	shalt  }
0x5f: {  	_ =	shalt  }
0x60: {  	_ =	shalt  }
0x61: {  	_ =	shalt  }
0x62: {  	_ =	shalt  }
0x63: {  	_ =	shalt  }
0x64: {  	_ =	shalt  }
0x65: {  	_ =	shalt  }
0x66: {  	_ =	shalt  }
0x67: {  	_ =	shalt  }
0x68: {  	_ =	shalt  }
0x69: {  	_ =	shalt  }
0x6a: {  	_ =	shalt  }
0x6b: {  	_ =	shalt  }
0x6c: {  	_ =	shalt  }
0x6d: {  	_ =	shalt  }
0x6e: {  	_ =	shalt  }
0x6f: {  	_ =	shalt  }
0x70: {  	_ =	shalt  }
0x71: {  	_ =	shalt  }
0x72: {  	_ =	shalt  }
0x73: {  	_ =	shalt  }
0x74: {  	_ =	shalt  }
0x75: {  	_ =	shalt  }
0x76: {  	_ =	shalt  }
0x77: {  	_ =	shalt  }
0x78: {  	_ =	shalt  }
0x79: {  	_ =	shalt  }
0x7a: {  	_ =	shalt  }
0x7b: {  	_ =	shalt  }
0x7c: {  	_ =	shalt  }
0x7d: {  	_ =	shalt  }
0x7e: {  	_ =	shalt  }
0x7f: {  	_ =	shalt  }
0x80: {  	_ =	shalt  }
0x81: {  	_ =	shalt  }
0x82: {  	_ =	shalt  }
0x83: {  	_ =	shalt  }
0x84: {  	_ =	shalt  }
0x85: {  	_ =	shalt  }
0x86: {  	_ =	shalt  }
0x87: {  	_ =	shalt  }
.Lfunc_end0:
.L_simem_size_0:
called_computation.2_lowered:
.L_overlay_start_0:
0x88: {  	s2 =	sld [smem:$0x3FD9]  }
0x89: {  	s3 =	sld [smem:$0x3FFE];
	_ =	sdelay $0x1  }
0x8a: {  	s1 =	srdreg.scid  }
0x8b: {  	s0 =	sand.u32 $0x1, s1  }
0x8c: {  	s16 =	sshll.u32 s0, $0xA;
	s2 =	sadd.s32 s3, s2  }
0x8d: {  	s2 =	sadd.s32 s2, s16  }
0x8e: {  	[smem:$0x3FC2] =	sst s2  }
0x8f: {  	_ = 	snop  }
0x90: {  	(tm) =	ssettm $0x1  }
0x91: {  	s17 =	sld [smem:$0x3FFB];
	_ =	sdelay $0x3  }
0x92: {  	_ =	strace s17  }
0x93: {  	s2 =	sld [smem:$0x3FFC];
	_ =	sdelay $0x3  }
0x94: {  	_ =	strace s2  }
0x95: {  	s2 =	sld [smem:$0x3FFD];
	_ =	sdelay $0x3  }
0x96: {  	_ =	strace s2  }
0x97: {  	_ =	strace $0x8FFFFFFF  }
0x98: {  	s18 =	sld [smem:$0x3FDB];
	_ =	sdelay $0x1  }
0x99: {  	s19 =	simm.s32 $_scs_section_size  }
0x9a: {  	s4 =	simm.s32 $_size__tile_overlayer_lowered;
	s5 =	simm.s32 $_tile_overlayer_lowered  }
0x9b: {  	s22 =	simm.s32 $0x1BFF;
	s21 =	sshll.u32 s5, $0x1;
	s2 =	sadd.s32 s19, s18  }
0x9c: {  	s6 =	simm.s32 $0x0;
	s20 =	sshll.u32 s4, $0x1;
	s4 =	sadd.s32 s21, s2  }
0x9d: {  	[timem:s6], [sflag:s22] =	dma.local [hbm:s4], s20  }
0x9e: {  	_ =	swait.ge [sflag:s22], s20  }
0x9f: {  	s3 =	ssub.s32 $0x0, s20;
	[sflag:s22] =	ssyncset.done $0x0  }
0xa0: {  	[sflag:s22] =	ssyncadd.s32 s3;
	_ =	sdelay $0x1  }
0xa1: {  	s23 =	simm.s32 $0x1B8B  }
0xa2: {  	_ =	swait.ge [sflag:s23], $0x1  }
0xa3: {  	[sflag:s23] =	ssyncset.done $0x0  }
0xa4: {  	s25 =	simm.s32 $0x1B8E;
	s24 =	sld [smem:$0x3FFE];
	[sflag:s23] =	ssyncadd.s32 $0xFFFFFFFF  }
0xa5: {  	s26 =	simm.s32 $execute0_lowered;
	[smem:$0x3FD2] =	sst s25  }
0xa6: {  	s4 =	sshll.u32 s26, $0x1;
	_ =	strace $0x8000004C;
	[dreg:$0x1] =	wrdreg $0xFFFFFFFF  }
0xa7: {  	s28 =	simm.s32 $_size_execute0_lowered;
	s2 =	sadd.s32 s2, s4;
	[dreg:$0x0] =	wrdreg $0x0  }
0xa8: {  	s4 =	sshll.u32 s28, $0x1;
	[dreg:$0x2] =	wrdreg s2  }
0xa9: {  	[dreg:$0x3] =	wrdreg s4  }
0xaa: {  	[dreg:$0x4] =	wrdreg $0xC0  }
0xab: {  	_ =	task [dreg:s6], $0x5FFFF  }
0xac: {  	[dreg:$0x1] =	wrdreg $0xFFFFFFFF  }
0xad: {  	[dreg:$0x0] =	wrdreg $0x60  }
0xae: {  	[dreg:$0x2] =	wrdreg s24  }
0xaf: {  	[dreg:$0x3] =	wrdreg $0x0  }
0xb0: {  	[dreg:$0x4] =	wrdreg $0x9  }
0xb1: {  	_ =	task.clear_ibuf [dreg:s6], $0x5FFFF;
	_ =	strace $0x9000004C  }
0xb2: {  	s29 =	simm.s32 $0x9;
	_ =	strace $0x8000004E  }
0xb3: {  	_ =	swait.ge [sflag:s29], $0x1  }
0xb4: {  	[sflag:s29] =	ssyncadd.s32 $0xFFFFFFFF  }
0xb5: {  	_ =	strace $0x9000004E  }
0xb6: {  	_ =	sfence  }
0xb7: {  	s30 =	sld [smem:$0x0];
	_ =	sdelay $0x2  }
0xb8: {  	s31 =	sshll.u32 s1, $0xD;
	s1 =	sshrl.u32 s1, $0x2  }
0xb9: {  	s3 =	sand.u32 $0x4000, s31;
	s1 =	sadd.s32 s1, s30  }
0xba: {  	s0 =	sor.u32 s3, s0;
	s1 =	sshll.u32 s1, $0x11  }
0xbb: {  	s0 =	sor.u32 s1, s0  }
0xbc: {  	s0 =	sadd.s32 $0x8F2B, s0  }
0xbd: {  	[sflag:s0] =	ssyncadd.remote.s32 $0x1  }
0xbe: {  	_ =	sfence.sel $0xFFFF  }
0xbf: {  	[dreg:$0x0] =	wrdreg $0xFFFFFFFF;
	(pc) =	sbr.abs _section_cstart, $3  }
0xc0: {  	[dreg:$0x1] =	wrdreg $0xFFFFFFFF  }
0xc1: {  	_ =	task.clear_ibuf [dreg:s6], $0x2FFFF;
	_ =	strace $0x9FFFFFFF  }
0xc2: {  	(tm) =	ssettm $0x7FFFFFFF  }
0xc3: {  	_ =	shalt  }
tec
execute0_lowered:
.L_overlay_start_1:
0x0: {  	(tag) =	ssettag $0x1  }
0x1: {  	s0 =	rddreg [dreg:$0x0]  }
0x2: {  	s2 =	rddreg [dreg:$0x1]  }
0x3: {  	s3 =	srdreg.scid;
	s1 =	stileid.u32  }
0x4: {  	s10 =	simm.s32 $0x2800;
	s11 =	simm.s32 $0x5;
	s12 =	simm.s32 $0x5000  }
0x5: {  	s13 =	simm.s32 $0x9800;
	s14 =	simm.s32 $0x80;
	s15 =	simm.s32 $0x7800  }
0x6: {  	s16 =	simm.s32 $0x2880;
	s17 =	simm.s32 $0x8000;
	s18 =	simm.s32 $0x2900  }
0x7: {  	s19 =	simm.s32 $0x8800;
	s20 =	simm.s32 $0x2980;
	s21 =	simm.s32 $0x9000  }
0x8: {  	s22 =	simm.s32 $0x1;
	s23 =	simm.s32 $0x2;
	s24 =	simm.s32 $0x5080  }
0x9: {  	s25 =	simm.s32 $0x3;
	s26 =	simm.s32 $0x4;
	s28 =	simm.s32 $0x7700  }
0xa: {  	s29 =	simm.s32 $0x7780;
	s30 =	simm.s32 $0x0;
	s5 =	sand.u32 $0x1, s3  }
0xb: {  	s3 =	simm.s32 $0x0;
	s7 =	smul.u32 $0x2800, s1;
	s4 =	sshll.u32 s5, $0x4  }
0xc: {  	[smem:$0x7FF] =	sst s3;
	s6 =	smul.u32 $0x28000, s5;
	s5 =	ssub.s32 $0x2, s5  }
0xd: {  	s4 =	sor.u32 s1, s4;
	_ =	strace $0x8000004D;
	s9 =	sshrl.u32 s5, $0x1  }
0xe: {  	s8 =	smul.u32 $0x500, s4;
	s4 =	sadd.s32 $0x15600, s0;
	s6 =	sadd.s32 s7, s6  }
0xf: {  	s9 =	ssub.s32 s5, s9;
	s7 =	sadd.s32 s7, s2;
	s6 =	sshrl.u32 s6, $0x3  }
0x10: {  	s9 =	smax.u32 s9, $0x1;
	s8 =	sadd.s32 s8, s0;
	s0 =	sadd.s32 s6, s0  }
0x11: {  	v0 =	vimm.f32 $0.0e+00;
	s5 =	sadd.s32 $0x1600, s8;
	s6 =	sadd.s32 $0xB600, s8;
	s8 =	sadd.s32 $0x1A600, s0  }
.LBB2_1:
0x12: {  	[tilespmem:s10], [sflag:$0x5] =	stream.linear.gather [hbm4b:s5+s3], $0x2800, $0x38;
	[tilespmem:$0xC000] =	vst v63  }
0x13: {  	_ =	swait.ge [sflag:s11], $0x2800  }
0x14: {  	[sflag:s11] =	ssyncset.done $0x0  }
0x15: {  	[sflag:s11] =	ssyncadd.s32 $0xFFFFD800  }
0x16: {  	[tilespmem:s12], [sflag:$0x5] =	stream.linear.gather [hbm4b:s6+s3], $0x2800, $0x38;
	[tilespmem:$0xC000] =	vst v63  }
0x17: {  	_ =	swait.ge [sflag:s11], $0x2800  }
0x18: {  	[sflag:s11] =	ssyncset.done $0x0  }
0x19: {  	s0 =	simm.s32 $0x40;
	s31 =	simm.s32 $0x0;
	[sflag:s11] =	ssyncadd.s32 $0xFFFFD800  }
.LBB2_2:
0x1a: {  	p0 =	sne.s32 s0, $0x9FC0;
	[tilespmem:s31+$0x9800] =	vst v0;
	s31 =	smov.u32 s0;
	s0 =	sadd.s32 $0x40, s0  }
.Ltmp0:
0x1b: {  	(pc) =	sbr.rel @p0 .LBB2_2-.Ltmp0, $2  }
0x1c: {  	_ =	sdelay $0x2  }
0x1d: {  	s31 =	sshra.s32 s31, $0x2  }
0x1e: {  	[tilespmem:s31+$0x9800] =	vst v0  }
0x1f: {  	[spmem:s7] =	stream.linear.scatter [tilespmem:s13], [sflag:$0x5], $0x2800, $0x38;
	[tilespmem:$0xC000] =	vst v63  }
0x20: {  	_ =	swait.ge [sflag:s11], $0x2800  }
0x21: {  	[sflag:s11] =	ssyncset.done $0x0  }
0x22: {  	[sflag:s11] =	ssyncadd.s32 $0xFFFFD800  }
0x23: {  	[bflag:$0x0] =	sbarrier.arrive $0xFFFF  }
0x24: {  	[tilespmem:s15], [sflag:$0x1] =	stream.indirect.gather [hbm4b:s4+s14], $0x10, s10, s14, $0xb8;
	[tilespmem:$0xC000] =	vst v63  }
0x25: {  	_ = 	snop  }
0x26: {  	[tilespmem:s17], [sflag:$0x2] =	stream.indirect.gather [hbm4b:s4+s14], $0x10, s16, s14, $0xb8;
	[tilespmem:$0xC000] =	vst v63  }
0x27: {  	_ = 	snop  }
0x28: {  	[tilespmem:s19], [sflag:$0x3] =	stream.indirect.gather [hbm4b:s4+s14], $0x10, s18, s14, $0xb8;
	[tilespmem:$0xC000] =	vst v63  }
0x29: {  	_ = 	snop  }
0x2a: {  	[tilespmem:s21], [sflag:$0x4] =	stream.indirect.gather [hbm4b:s4+s14], $0x10, s20, s14, $0xb8;
	[tilespmem:$0xC000] =	vst v63  }
0x2b: {  	_ =	swait.ge [sflag:s22], $0x800  }
0x2c: {  	[sflag:s22] =	ssyncset.done $0x0  }
0x2d: {  	[sflag:s22] =	ssyncadd.s32 $0xFFFFF800  }
0x2e: {  	_ =	swait.ge [sflag:s23], $0x800  }
0x2f: {  	[sflag:s23] =	ssyncset.done $0x0  }
0x30: {  	[sflag:s23] =	ssyncadd.s32 $0xFFFFF800  }
0x31: {  	[spmem:s2] =	stream.indirect.scatter.add.f32 [tilespmem:s15], [sflag:$0x1], $0x10, s12, s14, $0xb8;
	[tilespmem:$0xC000] =	vst v63  }
0x32: {  	_ = 	snop  }
0x33: {  	[spmem:s2] =	stream.indirect.scatter.add.f32 [tilespmem:s17], [sflag:$0x2], $0x10, s24, s14, $0xb8;
	[tilespmem:$0xC000] =	vst v63  }
0x34: {  	_ =	swait.ge [sflag:s22], $0x800  }
0x35: {  	[sflag:s22] =	ssyncset.done $0x0  }
0x36: {  	[sflag:s22] =	ssyncadd.s32 $0xFFFFF800  }
0x37: {  	_ =	swait.ge [sflag:s23], $0x800  }
0x38: {  	[sflag:s23] =	ssyncset.done $0x0  }
0x39: {  	s0 =	simm.s32 $0x2A00;
	[sflag:s23] =	ssyncadd.s32 $0xFFFFF800  }
0x3a: {  	[tilespmem:s15], [sflag:$0x1] =	stream.indirect.gather [hbm4b:s4+s14], $0x10, s0, s14, $0xb8;
	[tilespmem:$0xC000] =	vst v63  }
0x3b: {  	s1 =	simm.s32 $0x2A80  }
0x3c: {  	[tilespmem:s17], [sflag:$0x2] =	stream.indirect.gather [hbm4b:s4+s14], $0x10, s1, s14, $0xb8;
	[tilespmem:$0xC000] =	vst v63  }
0x3d: {  	_ =	swait.ge [sflag:s25], $0x800  }
0x3e: {  	[sflag:s25] =	ssyncset.done $0x0  }
0x3f: {  	[sflag:s25] =	ssyncadd.s32 $0xFFFFF800  }
0x40: {  	_ =	swait.ge [sflag:s26], $0x800  }
0x41: {  	[sflag:s26] =	ssyncset.done $0x0  }
0x42: {  	s1 =	simm.s32 $0x5100;
	[sflag:s26] =	ssyncadd.s32 $0xFFFFF800  }
0x43: {  	[spmem:s2] =	stream.indirect.scatter.add.f32 [tilespmem:s19], [sflag:$0x3], $0x10, s1, s14, $0xb8;
	[tilespmem:$0xC000] =	vst v63  }
0x44: {  	s1 =	simm.s32 $0x5180  }
0x45: {  	[spmem:s2] =	stream.indirect.scatter.add.f32 [tilespmem:s21], [sflag:$0x4], $0x10, s1, s14, $0xb8;
	[tilespmem:$0xC000] =	vst v63  }
0x46: {  	_ =	swait.ge [sflag:s25], $0x800  }
0x47: {  	[sflag:s25] =	ssyncset.done $0x0  }
0x48: {  	[sflag:s25] =	ssyncadd.s32 $0xFFFFF800  }
0x49: {  	_ =	swait.ge [sflag:s26], $0x800  }
0x4a: {  	[sflag:s26] =	ssyncset.done $0x0  }
0x4b: {  	s1 =	simm.s32 $0x2B00;
	[sflag:s26] =	ssyncadd.s32 $0xFFFFF800  }
0x4c: {  	[tilespmem:s19], [sflag:$0x3] =	stream.indirect.gather [hbm4b:s4+s14], $0x10, s1, s14, $0xb8;
	[tilespmem:$0xC000] =	vst v63  }
0x4d: {  	s1 =	simm.s32 $0x2B80  }
0x4e: {  	[tilespmem:s21], [sflag:$0x4] =	stream.indirect.gather [hbm4b:s4+s14], $0x10, s1, s14, $0xb8;
	[tilespmem:$0xC000] =	vst v63  }
0x4f: {  	_ =	swait.ge [sflag:s22], $0x800  }
0x50: {  	[sflag:s22] =	ssyncset.done $0x0  }
0x51: {  	[sflag:s22] =	ssyncadd.s32 $0xFFFFF800  }
0x52: {  	_ =	swait.ge [sflag:s23], $0x800  }
0x53: {  	s31 =	simm.s32 $0x800;
	[sflag:s23] =	ssyncset.done $0x0  }
0x54: {  	s0 =	simm.s32 $0x5280;
	s1 =	simm.s32 $0x5200;
	[sflag:s23] =	ssyncadd.s32 $0xFFFFF800  }
0x55: {  	[spmem:s2] =	stream.indirect.scatter.add.f32 [tilespmem:s15], [sflag:$0x1], $0x10, s1, s14, $0xb8;
	[tilespmem:$0xC000] =	vst v63  }
.LBB2_4:
0x56: {  	[spmem:s2] =	stream.indirect.scatter.add.f32 [tilespmem:s17], [sflag:$0x2], $0x10, s0, s14, $0xb8;
	[tilespmem:$0xC000] =	vst v63  }
0x57: {  	s0 =	smov.u32 s31  }
0x58: {  	p0 =	sne.s32 s31, $0x9000;
	s31 =	sadd.s32 $0x800, s31;
	_ =	swait.ge [sflag:s22], $0x800  }
0x59: {  	[sflag:s22] =	ssyncset.done $0x0  }
0x5a: {  	[sflag:s22] =	ssyncadd.s32 $0xFFFFF800  }
0x5b: {  	_ =	swait.ge [sflag:s23], $0x800  }
0x5c: {  	s0 =	sshra.s32 s0, $0x2;
	[sflag:s23] =	ssyncset.done $0x0  }
0x5d: {  	s1 =	sadd.s32 $0x2A00, s0;
	[sflag:s23] =	ssyncadd.s32 $0xFFFFF800  }
0x5e: {  	[tilespmem:s15], [sflag:$0x1] =	stream.indirect.gather [hbm4b:s4+s14], $0x10, s1, s14, $0xb8;
	[tilespmem:$0xC000] =	vst v63  }
0x5f: {  	s1 =	sadd.s32 $0x2A80, s0  }
0x60: {  	[tilespmem:s17], [sflag:$0x2] =	stream.indirect.gather [hbm4b:s4+s14], $0x10, s1, s14, $0xb8;
	[tilespmem:$0xC000] =	vst v63  }
0x61: {  	_ =	swait.ge [sflag:s25], $0x800  }
0x62: {  	[sflag:s25] =	ssyncset.done $0x0  }
0x63: {  	[sflag:s25] =	ssyncadd.s32 $0xFFFFF800  }
0x64: {  	_ =	swait.ge [sflag:s26], $0x800  }
0x65: {  	[sflag:s26] =	ssyncset.done $0x0  }
0x66: {  	s1 =	sadd.s32 $0x5100, s0;
	[sflag:s26] =	ssyncadd.s32 $0xFFFFF800  }
0x67: {  	[spmem:s2] =	stream.indirect.scatter.add.f32 [tilespmem:s19], [sflag:$0x3], $0x10, s1, s14, $0xb8;
	[tilespmem:$0xC000] =	vst v63  }
0x68: {  	s1 =	sadd.s32 $0x5180, s0  }
0x69: {  	[spmem:s2] =	stream.indirect.scatter.add.f32 [tilespmem:s21], [sflag:$0x4], $0x10, s1, s14, $0xb8;
	[tilespmem:$0xC000] =	vst v63  }
0x6a: {  	_ =	swait.ge [sflag:s25], $0x800  }
0x6b: {  	[sflag:s25] =	ssyncset.done $0x0  }
0x6c: {  	[sflag:s25] =	ssyncadd.s32 $0xFFFFF800  }
0x6d: {  	_ =	swait.ge [sflag:s26], $0x800  }
0x6e: {  	[sflag:s26] =	ssyncset.done $0x0  }
0x6f: {  	s1 =	sadd.s32 $0x2B00, s0;
	[sflag:s26] =	ssyncadd.s32 $0xFFFFF800  }
0x70: {  	[tilespmem:s19], [sflag:$0x3] =	stream.indirect.gather [hbm4b:s4+s14], $0x10, s1, s14, $0xb8;
	[tilespmem:$0xC000] =	vst v63  }
0x71: {  	s1 =	sadd.s32 $0x2B80, s0  }
0x72: {  	[tilespmem:s21], [sflag:$0x4] =	stream.indirect.gather [hbm4b:s4+s14], $0x10, s1, s14, $0xb8;
	[tilespmem:$0xC000] =	vst v63  }
0x73: {  	_ =	swait.ge [sflag:s22], $0x800  }
0x74: {  	[sflag:s22] =	ssyncset.done $0x0  }
0x75: {  	[sflag:s22] =	ssyncadd.s32 $0xFFFFF800  }
.Ltmp1:
0x76: {  	_ =	swait.ge [sflag:s23], $0x800;
	(pc) =	sbr.rel @p0 .LBB2_4-.Ltmp1, $4  }
0x77: {  	[sflag:s23] =	ssyncset.done $0x0  }
0x78: {  	s1 =	sadd.s32 $0x5200, s0;
	[sflag:s23] =	ssyncadd.s32 $0xFFFFF800  }
0x79: {  	[spmem:s2] =	stream.indirect.scatter.add.f32 [tilespmem:s15], [sflag:$0x1], $0x10, s1, s14, $0xb8;
	[tilespmem:$0xC000] =	vst v63  }
0x7a: {  	s0 =	sadd.s32 $0x5280, s0  }
0x7b: {  	[spmem:s2] =	stream.indirect.scatter.add.f32 [tilespmem:s17], [sflag:$0x2], $0x10, s0, s14, $0xb8;
	[tilespmem:$0xC000] =	vst v63  }
0x7c: {  	_ =	swait.ge [sflag:s25], $0x800  }
0x7d: {  	[sflag:s25] =	ssyncset.done $0x0  }
0x7e: {  	[sflag:s25] =	ssyncadd.s32 $0xFFFFF800  }
0x7f: {  	_ =	swait.ge [sflag:s26], $0x800  }
0x80: {  	[sflag:s26] =	ssyncset.done $0x0  }
0x81: {  	[sflag:s26] =	ssyncadd.s32 $0xFFFFF800  }
0x82: {  	[spmem:s2] =	stream.indirect.scatter.add.f32 [tilespmem:s19], [sflag:$0x3], $0x10, s28, s14, $0xb8;
	[tilespmem:$0xC000] =	vst v63  }
0x83: {  	_ = 	snop  }
0x84: {  	[spmem:s2] =	stream.indirect.scatter.add.f32 [tilespmem:s21], [sflag:$0x4], $0x10, s29, s14, $0xb8;
	[tilespmem:$0xC000] =	vst v63  }
0x85: {  	_ =	swait.ge [sflag:s22], $0x800  }
0x86: {  	[sflag:s22] =	ssyncset.done $0x0  }
0x87: {  	[sflag:s22] =	ssyncadd.s32 $0xFFFFF800  }
0x88: {  	_ =	swait.ge [sflag:s23], $0x800  }
0x89: {  	[sflag:s23] =	ssyncset.done $0x0  }
0x8a: {  	[sflag:s23] =	ssyncadd.s32 $0xFFFFF800  }
0x8b: {  	_ =	swait.ge [sflag:s25], $0x800  }
0x8c: {  	[sflag:s25] =	ssyncset.done $0x0  }
0x8d: {  	[sflag:s25] =	ssyncadd.s32 $0xFFFFF800  }
0x8e: {  	s31 =	stileid.u32;
	_ =	swait.ge [sflag:s26], $0x800  }
0x8f: {  	s1 =	sshrl.u32 s7, $0x3;
	s30 =	sadd.s32 $0x1, s30;
	[sflag:s26] =	ssyncset.done $0x0  }
0x90: {  	s0 =	sshll.u32 s31, $0x6;
	p0 =	sne.s32 s30, s9;
	[sflag:s26] =	ssyncadd.s32 $0xFFFFF800  }
.Ltmp2:
0x91: {  	s0 =	sor.u32 $0x1C05, s0;
	[bflag:$0x0] =	sbarrier.arrive $0xFFFF;
	(pc) =	sbr.rel @p0 .LBB2_1-.Ltmp2, $4  }
0x92: {  	[hbm:s8], [sflag:s0] =	dma.local [spmem:s1], $0x500  }
0x93: {  	_ =	swait.ge [sflag:s11], $0x500  }
0x94: {  	[sflag:s11] =	ssyncset.done $0x0  }
0x95: {  	[sflag:s11] =	ssyncadd.s32 $0xFFFFFB00  }
0x96: {  	_ =	sfence.sel $0x180000  }
0x97: {  	[bflag:$0x0] =	sbarrier.arrive $0xFFFF  }
0x98: {  	_ =	strace $0x9000004D  }
0x99: {  	s0 =	stileid.u32;
	[bflag:$0x2] =	sbarrier.arrive $0xFFFF  }
0x9a: {  	p0 =	sne.s32 s0, $0x0;
	s0 =	rddreg [dreg:$0x2]  }
0x9b: {  	s0 =	sadd.s32 @!p0 $0x100000, s0  }
0x9c: {  	[sflag:s0] =	ssyncadd.tile.s32 @!p0 $0x1;
	_ =	shalt  }
.Lfunc_end2:
_tile_overlayer_lowered:
.L_overlay_start_2:
0x9d: {  	(tag) =	ssettag $0x2  }
0x9e: {  	s0 =	rddreg [dreg:$0x0];
	s2 =	stileid.u32  }
0x9f: {  	s1 =	rddreg [dreg:$0x1];
	p0 =	sne.s32 s2, $0x0  }
0xa0: {  	s3 =	rddreg [dreg:$0x2];
	[bflag:$0x3] =	sbarrier.arrive $0xFFFF;
	s2 =	simm.s32 @!p0 $0x1C05  }
0xa1: {  	[timem:s3], [sflag:s2] =	dma.local @!p0 [hbm:s0], s1  }
0xa2: {  	s0 =	simm.s32 @!p0 $0x5  }
0xa3: {  	_ =	swait.ge @!p0 [sflag:s0], s1  }
0xa4: {  	s1 =	ssub.s32 @!p0 $0x0, s1;
	[sflag:s0] =	ssyncset.done @!p0 $0x0  }
0xa5: {  	[sflag:s0] =	ssyncadd.s32 @!p0 s1  }
0xa6: {  	[bflag:$0x3] =	sbarrier.arrive $0xFFFF  }
0xa7: {  	_ =	shalt  }

// kernel: kernel.8.cloned.1.call-start
scs
__scs_entry_jumppad:
0x0: {  	(pc) =	sbr.rel $0x88, $3  }
0x1: {  	(tag) =	ssettag $0x0;
	lr =	simm.s32 $0x1  }
0x2: {  	[smem:$0x3F9B] =	sst lr;
	_ =	strace $0xD0000000  }
0x3: {  	_ = 	snop  }
0x4: {  	_ = 	snop  }
0x5: {  	_ = 	snop  }
0x6: {  	_ = 	snop  }
0x7: {  	_ = 	snop  }
__scs_overlays_trampoline_lowered:
0x8: {  	[smem:$0x3FAA] =	sst s0  }
0x9: {  	[smem:$0x3FAB] =	sst s1  }
0xa: {  	[smem:$0x3FAC] =	sst s2  }
0xb: {  	[smem:$0x3FAD] =	sst s3  }
0xc: {  	[smem:$0x3FAE] =	sst s4  }
0xd: {  	[smem:$0x3FAF] =	sst s5  }
0xe: {  	[smem:$0x3FB0] =	sst s6  }
0xf: {  	[smem:$0x3FB1] =	sst s7  }
0x10: {  	[smem:$0x3FB2] =	sst s8  }
0x11: {  	[smem:$0x3FB3] =	sst s9;
	s0 =	simm.s32 @!p0 $0x0  }
0x12: {  	s1 =	sld [smem:$0x3F99];
	s0 =	simm.s32 @p0 $0x1  }
0x13: {  	[smem:$0x3FB4] =	sst s0;
	s0 =	simm.s32 @!p1 $0x0  }
0x14: {  	s2 =	sld [smem:$0x3F98];
	s0 =	simm.s32 @p1 $0x1  }
0x15: {  	[smem:$0x3FB5] =	sst s0;
	s0 =	simm.s32 @!p2 $0x0  }
0x16: {  	s3 =	sld [smem:$0x3FDB];
	s0 =	simm.s32 @p2 $0x1  }
0x17: {  	s4 =	simm.s32 $0x1BF5;
	[smem:$0x3FB7] =	sst s0  }
0x18: {  	s0 =	sld [smem:$0x3F9A];
	_ =	swait.ge [sflag:s4], $0x0  }
0x19: {  	s7 =	sld [smem:$0x3F9B]  }
0x1a: {  	s8 =	sadd.s32 $0xFFFFE003, lr  }
0x1b: {  	s9 =	sadd.s32 $0xFFFFFEF7, lr;
	s5 =	simm.s32 $0xFFFFFFFF;
	p2 =	slt.u32 s8, $0xFFFFF086  }
0x1c: {  	p1 =	slt.u32 s9, $0xF7A;
	s5 =	simm.s32 @!p2 $0x0  }
0x1d: {  	s5 =	simm.s32 @p1 $0x1;
	p0 =	seq.s32 s7, s2  }
0x1e: {  	s7 =	smul.u32 @!p0 $0xF7A, s2;
	p2 =	seq.s32 @!p0 s5, $0x0  }
0x1f: {  	s9 =	smul.u32 $0xF7A, s1;
	s8 =	simm.s32 @!p0 $0x1BF5;
	p2 =	por !p2, p0  }
0x20: {  	[sflag:s8] =	ssyncset.s32 @!p0 $0xFFFFF086;
	s6 =	sadd.s32 @!p0 s3, s7;
	s7 =	simm.s32 @!p0 $0x108  }
0x21: {  	s3 =	sadd.s32 s3, s9;
	s6 =	sadd.s32 @!p0 $0x88, s6;
	s7 =	simm.s32 @p2 $0x1082  }
0x22: {  	[simem:s7], [sflag:s8] =	dma.local @!p0 [hbm:s6], $0xF7A  }
0x23: {  	s9 =	sor.u32 $0xD0000000, s2;
	s6 =	simm.s32 $0x108;
	_ =	swait.ge @!p0 [sflag:s8], $0x0  }
0x24: {  	s3 =	sadd.s32 $0x88, s3;
	s6 =	simm.s32 @!p1 $0x1082;
	[sflag:s4] =	ssyncset.s32 $0xFFFFF086  }
0x25: {  	[simem:s6], [sflag:s4] =	dma.local [hbm:s3], $0xF7A  }
0x26: {  	[smem:$0x3F9B] =	sst s1;
	(tag) =	ssettag s2;
	_ =	strace s9  }
0x27: {  	s1 =	sld [smem:$0x3FAB]  }
0x28: {  	s2 =	sld [smem:$0x3FAC]  }
0x29: {  	s4 =	sld [smem:$0x3FAE]  }
0x2a: {  	p0 =	seq.s32 s5, $0x0;
	s5 =	sld [smem:$0x3FAF]  }
0x2b: {  	s6 =	sld [smem:$0x3FB0]  }
0x2c: {  	s7 =	sld [smem:$0x3FB1]  }
0x2d: {  	s3 =	simm.s32 $0x108;
	s8 =	sld [smem:$0x3FB2]  }
0x2e: {  	s3 =	simm.s32 @!p0 $0x1082;
	s9 =	sld [smem:$0x3FB3]  }
0x2f: {  	lr =	sadd.s32 s0, s3;
	s0 =	sld [smem:$0x3FAA]  }
0x30: {  	s3 =	sld [smem:$0x3FAD]  }
0x31: {  	[smem:$0x3FB6] =	sst s10  }
0x32: {  	s10 =	sld [smem:$0x3FB4];
	_ =	sdelay $0x3  }
0x33: {  	p0 =	seq.s32 s10, $0x1;
	s10 =	sld [smem:$0x3FB6];
	_ =	sdelay $0x3  }
0x34: {  	[smem:$0x3FB6] =	sst s10  }
0x35: {  	s10 =	sld [smem:$0x3FB5];
	_ =	sdelay $0x3  }
0x36: {  	p1 =	seq.s32 s10, $0x1;
	s10 =	sld [smem:$0x3FB6];
	_ =	sdelay $0x3  }
0x37: {  	[smem:$0x3FB6] =	sst s10  }
0x38: {  	s10 =	sld [smem:$0x3FB7]  }
0x39: {  	_ = 	snop;
	(pc) =	sbr.ind lr, $3  }
0x3a: {  	_ = 	snop  }
0x3b: {  	_ = 	snop  }
0x3c: {  	p2 =	seq.s32 s10, $0x1;
	s10 =	sld [smem:$0x3FB6]  }
0x3d: {  	_ =	shalt  }
0x3e: {  	_ =	shalt  }
0x3f: {  	_ =	shalt  }
0x40: {  	_ =	shalt  }
0x41: {  	_ =	shalt  }
0x42: {  	_ =	shalt  }
0x43: {  	_ =	shalt  }
0x44: {  	_ =	shalt  }
0x45: {  	_ =	shalt  }
0x46: {  	_ =	shalt  }
0x47: {  	_ =	shalt  }
0x48: {  	_ =	shalt  }
0x49: {  	_ =	shalt  }
0x4a: {  	_ =	shalt  }
0x4b: {  	_ =	shalt  }
0x4c: {  	_ =	shalt  }
0x4d: {  	_ =	shalt  }
0x4e: {  	_ =	shalt  }
0x4f: {  	_ =	shalt  }
0x50: {  	_ =	shalt  }
0x51: {  	_ =	shalt  }
0x52: {  	_ =	shalt  }
0x53: {  	_ =	shalt  }
0x54: {  	_ =	shalt  }
0x55: {  	_ =	shalt  }
0x56: {  	_ =	shalt  }
0x57: {  	_ =	shalt  }
0x58: {  	_ =	shalt  }
0x59: {  	_ =	shalt  }
0x5a: {  	_ =	shalt  }
0x5b: {  	_ =	shalt  }
0x5c: {  	_ =	shalt  }
0x5d: {  	_ =	shalt  }
0x5e: {  	_ =	shalt  }
0x5f: {  	_ =	shalt  }
0x60: {  	_ =	shalt  }
0x61: {  	_ =	shalt  }
0x62: {  	_ =	shalt  }
0x63: {  	_ =	shalt  }
0x64: {  	_ =	shalt  }
0x65: {  	_ =	shalt  }
0x66: {  	_ =	shalt  }
0x67: {  	_ =	shalt  }
0x68: {  	_ =	shalt  }
0x69: {  	_ =	shalt  }
0x6a: {  	_ =	shalt  }
0x6b: {  	_ =	shalt  }
0x6c: {  	_ =	shalt  }
0x6d: {  	_ =	shalt  }
0x6e: {  	_ =	shalt  }
0x6f: {  	_ =	shalt  }
0x70: {  	_ =	shalt  }
0x71: {  	_ =	shalt  }
0x72: {  	_ =	shalt  }
0x73: {  	_ =	shalt  }
0x74: {  	_ =	shalt  }
0x75: {  	_ =	shalt  }
0x76: {  	_ =	shalt  }
0x77: {  	_ =	shalt  }
0x78: {  	_ =	shalt  }
0x79: {  	_ =	shalt  }
0x7a: {  	_ =	shalt  }
0x7b: {  	_ =	shalt  }
0x7c: {  	_ =	shalt  }
0x7d: {  	_ =	shalt  }
0x7e: {  	_ =	shalt  }
0x7f: {  	_ =	shalt  }
0x80: {  	_ =	shalt  }
0x81: {  	_ =	shalt  }
0x82: {  	_ =	shalt  }
0x83: {  	_ =	shalt  }
0x84: {  	_ =	shalt  }
0x85: {  	_ =	shalt  }
0x86: {  	_ =	shalt  }
0x87: {  	_ =	shalt  }
.Lfunc_end0:
.L_simem_size_0:
called_computation_lowered:
.L_overlay_start_0:
0x88: {  	s2 =	sld [smem:$0x3FD9]  }
0x89: {  	s3 =	sld [smem:$0x3FFE];
	_ =	sdelay $0x1  }
0x8a: {  	s1 =	srdreg.scid  }
0x8b: {  	s0 =	sand.u32 $0x1, s1  }
0x8c: {  	s16 =	sshll.u32 s0, $0xA;
	s2 =	sadd.s32 s3, s2  }
0x8d: {  	s2 =	sadd.s32 s2, s16  }
0x8e: {  	[smem:$0x3FC2] =	sst s2  }
0x8f: {  	_ = 	snop  }
0x90: {  	(tm) =	ssettm $0x1  }
0x91: {  	s17 =	sld [smem:$0x3FFB];
	_ =	sdelay $0x3  }
0x92: {  	_ =	strace s17  }
0x93: {  	s2 =	sld [smem:$0x3FFC];
	_ =	sdelay $0x3  }
0x94: {  	_ =	strace s2  }
0x95: {  	s2 =	sld [smem:$0x3FFD];
	_ =	sdelay $0x3  }
0x96: {  	_ =	strace s2  }
0x97: {  	_ =	strace $0x8FFFFFFF  }
0x98: {  	s18 =	sld [smem:$0x3FDB];
	_ =	sdelay $0x1  }
0x99: {  	s19 =	simm.s32 $_scs_section_size  }
0x9a: {  	s4 =	simm.s32 $_size__tile_overlayer_lowered;
	s5 =	simm.s32 $_tile_overlayer_lowered  }
0x9b: {  	s22 =	simm.s32 $0x1BFF;
	s21 =	sshll.u32 s5, $0x1;
	s2 =	sadd.s32 s19, s18  }
0x9c: {  	s6 =	simm.s32 $0x0;
	s20 =	sshll.u32 s4, $0x1;
	s4 =	sadd.s32 s21, s2  }
0x9d: {  	[timem:s6], [sflag:s22] =	dma.local [hbm:s4], s20  }
0x9e: {  	_ =	swait.ge [sflag:s22], s20  }
0x9f: {  	s3 =	ssub.s32 $0x0, s20;
	[sflag:s22] =	ssyncset.done $0x0  }
0xa0: {  	[sflag:s22] =	ssyncadd.s32 s3;
	_ =	sdelay $0x1  }
0xa1: {  	s23 =	simm.s32 $0x1B8B  }
0xa2: {  	_ =	swait.ge [sflag:s23], $0x1  }
0xa3: {  	[sflag:s23] =	ssyncset.done $0x0  }
0xa4: {  	s25 =	simm.s32 $0x1B8E;
	s24 =	sld [smem:$0x3FFE];
	[sflag:s23] =	ssyncadd.s32 $0xFFFFFFFF  }
0xa5: {  	s26 =	simm.s32 $execute0_lowered;
	[smem:$0x3FD2] =	sst s25  }
0xa6: {  	s4 =	sshll.u32 s26, $0x1;
	_ =	strace $0x80000046;
	[dreg:$0x1] =	wrdreg $0xFFFFFFFF  }
0xa7: {  	s28 =	simm.s32 $_size_execute0_lowered;
	s2 =	sadd.s32 s2, s4;
	[dreg:$0x0] =	wrdreg $0x0  }
0xa8: {  	s4 =	sshll.u32 s28, $0x1;
	[dreg:$0x2] =	wrdreg s2  }
0xa9: {  	[dreg:$0x3] =	wrdreg s4  }
0xaa: {  	[dreg:$0x4] =	wrdreg $0xC0  }
0xab: {  	_ =	task [dreg:s6], $0x5FFFF  }
0xac: {  	[dreg:$0x1] =	wrdreg $0xFFFFFFFF  }
0xad: {  	[dreg:$0x0] =	wrdreg $0x60  }
0xae: {  	[dreg:$0x2] =	wrdreg s24  }
0xaf: {  	[dreg:$0x3] =	wrdreg $0x0  }
0xb0: {  	[dreg:$0x4] =	wrdreg $0x28000  }
0xb1: {  	[dreg:$0x5] =	wrdreg $0x9  }
0xb2: {  	_ =	task.clear_ibuf [dreg:s6], $0x6FFFF;
	_ =	strace $0x90000046  }
0xb3: {  	s29 =	simm.s32 $0x9;
	_ =	strace $0x80000048  }
0xb4: {  	_ =	swait.ge [sflag:s29], $0x1  }
0xb5: {  	[sflag:s29] =	ssyncadd.s32 $0xFFFFFFFF  }
0xb6: {  	_ =	strace $0x90000048  }
0xb7: {  	_ =	sfence  }
0xb8: {  	s30 =	sld [smem:$0x0];
	_ =	sdelay $0x2  }
0xb9: {  	s31 =	sshll.u32 s1, $0xD;
	s1 =	sshrl.u32 s1, $0x2  }
0xba: {  	s3 =	sand.u32 $0x4000, s31;
	s1 =	sadd.s32 s1, s30  }
0xbb: {  	s0 =	sor.u32 s3, s0;
	s1 =	sshll.u32 s1, $0x11  }
0xbc: {  	s0 =	sor.u32 s1, s0  }
0xbd: {  	s0 =	sadd.s32 $0x8F2B, s0  }
0xbe: {  	[sflag:s0] =	ssyncadd.remote.s32 $0x1  }
0xbf: {  	_ =	sfence.sel $0xFFFF  }
0xc0: {  	[dreg:$0x0] =	wrdreg $0xFFFFFFFF;
	(pc) =	sbr.abs _section_cstart, $3  }
0xc1: {  	[dreg:$0x1] =	wrdreg $0xFFFFFFFF  }
0xc2: {  	_ =	task.clear_ibuf [dreg:s6], $0x2FFFF;
	_ =	strace $0x9FFFFFFF  }
0xc3: {  	(tm) =	ssettm $0x7FFFFFFF  }
tec
execute0_lowered:
.L_overlay_start_1:
0x0: {  	(tag) =	ssettag $0x1  }
0x1: {  	s5 =	rddreg [dreg:$0x0]  }
0x2: {  	s1 =	srdreg.scid;
	s2 =	rddreg [dreg:$0x1]  }
0x3: {  	s0 =	stileid.u32;
	s3 =	rddreg [dreg:$0x2];
	s4 =	simm.s32 $0x0  }
0x4: {  	s12 =	simm.s32 $0x5000;
	s13 =	simm.s32 $0x5;
	s14 =	simm.s32 $0x7800  }
0x5: {  	s15 =	simm.s32 $0xA800;
	s16 =	simm.s32 $0x80;
	s17 =	simm.s32 $0xA000  }
0x6: {  	s18 =	simm.s32 $0x5080;
	s19 =	simm.s32 $0x7880;
	s20 =	simm.s32 $0x5100  }
0x7: {  	s21 =	simm.s32 $0x7900;
	s22 =	simm.s32 $0x5180;
	s23 =	simm.s32 $0x7980  }
0x8: {  	s24 =	simm.s32 $0x1;
	s25 =	simm.s32 $0x2;
	s26 =	simm.s32 $0x3  }
0x9: {  	s28 =	simm.s32 $0x4;
	s6 =	sand.u32 $0x1, s1;
	s8 =	smul.u32 $0x2800, s0  }
0xa: {  	s1 =	rddreg [dreg:$0x3];
	s7 =	sshll.u32 s6, $0x4;
	s9 =	smul.u32 $0x50000, s6  }
0xb: {  	[smem:$0x7FF] =	sst s4;
	s6 =	ssub.s32 $0x2, s6;
	s7 =	sor.u32 s0, s7  }
0xc: {  	s31 =	sshrl.u32 s6, $0x1;
	s7 =	smul.u32 $0x500, s7;
	s9 =	sadd.s32 s8, s9  }
0xd: {  	_ =	strace $0x80000047;
	s11 =	ssub.s32 s6, s31;
	s9 =	sshrl.u32 s9, $0x3  }
0xe: {  	s11 =	smax.u32 s11, $0x1;
	s7 =	sadd.s32 s7, s5;
	s10 =	sadd.s32 s9, s5  }
0xf: {  	s5 =	sadd.s32 $0x1600, s7;
	s6 =	sadd.s32 $0xB600, s7;
	s7 =	sadd.s32 s8, s2  }
0x10: {  	v0 =	vimm.f32 $1.000000000e+00;
	v1 =	vimm.f32 $0.0e+00;
	s8 =	sadd.s32 s8, s3;
	s9 =	sadd.s32 $0x15600, s10;
	s10 =	sadd.s32 $0x1A600, s10  }
.LBB2_1:
0x11: {  	s29 =	simm.s32 $0x0  }
.LBB2_2:
0x12: {  	p0 =	sne.s32 s29, $0x1FC0  }
.Ltmp0:
0x13: {  	_ = 	snop;
	(pc) =	sbr.rel @p0 .LBB2_2-.Ltmp0, $3  }
0x14: {  	_ =	sdelay $0x1  }
0x15: {  	s30 =	sshra.s32 s29, $0x2  }
0x16: {  	s29 =	sadd.s32 $0x40, s29;
	[tilespmem:s30+$0xA000] =	vst v0  }
0x17: {  	s29 =	simm.s32 $0x40;
	s30 =	simm.s32 $0x0  }
.LBB2_4:
0x18: {  	p0 =	sne.s32 s29, $0x9FC0;
	[tilespmem:s30+$0xA800] =	vst v1;
	s30 =	smov.u32 s29;
	s29 =	sadd.s32 $0x40, s29  }
.Ltmp1:
0x19: {  	(pc) =	sbr.rel @p0 .LBB2_4-.Ltmp1, $2  }
0x1a: {  	_ =	sdelay $0x2  }
0x1b: {  	s30 =	sshra.s32 s30, $0x2  }
0x1c: {  	[tilespmem:s30+$0xA800] =	vst v1;
	s29 =	simm.s32 $0x0  }
0x1d: {  	[tilespmem:s12], [sflag:$0x5] =	stream.linear.gather [hbm4b:s5+s29], $0x2800, $0x38;
	[tilespmem:$0xD000] =	vst v63  }
0x1e: {  	_ =	swait.ge [sflag:s13], $0x2800  }
0x1f: {  	[sflag:s13] =	ssyncset.done $0x0  }
0x20: {  	[sflag:s13] =	ssyncadd.s32 $0xFFFFD800  }
0x21: {  	[tilespmem:s14], [sflag:$0x5] =	stream.linear.gather [hbm4b:s6+s29], $0x2800, $0x38;
	[tilespmem:$0xD000] =	vst v63  }
0x22: {  	_ =	swait.ge [sflag:s13], $0x2800  }
0x23: {  	[sflag:s13] =	ssyncset.done $0x0  }
0x24: {  	[sflag:s13] =	ssyncadd.s32 $0xFFFFD800  }
0x25: {  	[spmem:s7] =	stream.linear.scatter [tilespmem:s15], [sflag:$0x5], $0x2800, $0x38;
	[tilespmem:$0xD000] =	vst v63  }
0x26: {  	_ =	swait.ge [sflag:s13], $0x2800  }
0x27: {  	[sflag:s13] =	ssyncset.done $0x0  }
0x28: {  	[sflag:s13] =	ssyncadd.s32 $0xFFFFD800  }
0x29: {  	[spmem:s8] =	stream.linear.scatter [tilespmem:s15], [sflag:$0x5], $0x2800, $0x38;
	[tilespmem:$0xD000] =	vst v63  }
0x2a: {  	_ =	swait.ge [sflag:s13], $0x2800  }
0x2b: {  	[sflag:s13] =	ssyncset.done $0x0  }
0x2c: {  	[sflag:s13] =	ssyncadd.s32 $0xFFFFD800  }
0x2d: {  	[bflag:$0x0] =	sbarrier.arrive $0xFFFF  }
0x2e: {  	[spmem:s2] =	stream.indirect.scatter.add.f32 [tilespmem:s17], [sflag:$0x1], $0x10, s12, s16, $0xb8;
	[tilespmem:$0xD000] =	vst v63  }
0x2f: {  	_ = 	snop  }
0x30: {  	[spmem:s3] =	stream.indirect.scatter.add.f32 [tilespmem:s17], [sflag:$0x1], $0x10, s14, s16, $0xb8;
	[tilespmem:$0xD000] =	vst v63  }
0x31: {  	_ = 	snop  }
0x32: {  	[spmem:s2] =	stream.indirect.scatter.add.f32 [tilespmem:s17], [sflag:$0x2], $0x10, s18, s16, $0xb8;
	[tilespmem:$0xD000] =	vst v63  }
0x33: {  	_ = 	snop  }
0x34: {  	[spmem:s3] =	stream.indirect.scatter.add.f32 [tilespmem:s17], [sflag:$0x2], $0x10, s19, s16, $0xb8;
	[tilespmem:$0xD000] =	vst v63  }
0x35: {  	_ = 	snop  }
0x36: {  	[spmem:s2] =	stream.indirect.scatter.add.f32 [tilespmem:s17], [sflag:$0x3], $0x10, s20, s16, $0xb8;
	[tilespmem:$0xD000] =	vst v63  }
0x37: {  	_ = 	snop  }
0x38: {  	[spmem:s3] =	stream.indirect.scatter.add.f32 [tilespmem:s17], [sflag:$0x3], $0x10, s21, s16, $0xb8;
	[tilespmem:$0xD000] =	vst v63  }
0x39: {  	_ = 	snop  }
0x3a: {  	[spmem:s2] =	stream.indirect.scatter.add.f32 [tilespmem:s17], [sflag:$0x4], $0x10, s22, s16, $0xb8;
	[tilespmem:$0xD000] =	vst v63  }
0x3b: {  	_ = 	snop  }
0x3c: {  	[spmem:s3] =	stream.indirect.scatter.add.f32 [tilespmem:s17], [sflag:$0x4], $0x10, s23, s16, $0xb8;
	[tilespmem:$0xD000] =	vst v63  }
0x3d: {  	_ =	swait.ge [sflag:s24], $0x800  }
0x3e: {  	[sflag:s24] =	ssyncset.done $0x0  }
0x3f: {  	[sflag:s24] =	ssyncadd.s32 $0xFFFFF800  }
0x40: {  	_ =	swait.ge [sflag:s24], $0x800  }
0x41: {  	[sflag:s24] =	ssyncset.done $0x0  }
0x42: {  	s29 =	simm.s32 $0x5200;
	[sflag:s24] =	ssyncadd.s32 $0xFFFFF800  }
0x43: {  	[spmem:s2] =	stream.indirect.scatter.add.f32 [tilespmem:s17], [sflag:$0x1], $0x10, s29, s16, $0xb8;
	[tilespmem:$0xD000] =	vst v63  }
0x44: {  	s29 =	simm.s32 $0x7A00  }
0x45: {  	[spmem:s3] =	stream.indirect.scatter.add.f32 [tilespmem:s17], [sflag:$0x1], $0x10, s29, s16, $0xb8;
	[tilespmem:$0xD000] =	vst v63  }
0x46: {  	_ =	swait.ge [sflag:s25], $0x800  }
0x47: {  	[sflag:s25] =	ssyncset.done $0x0  }
0x48: {  	[sflag:s25] =	ssyncadd.s32 $0xFFFFF800  }
0x49: {  	_ =	swait.ge [sflag:s25], $0x800  }
0x4a: {  	[sflag:s25] =	ssyncset.done $0x0  }
0x4b: {  	s29 =	simm.s32 $0x5280;
	[sflag:s25] =	ssyncadd.s32 $0xFFFFF800  }
0x4c: {  	[spmem:s2] =	stream.indirect.scatter.add.f32 [tilespmem:s17], [sflag:$0x2], $0x10, s29, s16, $0xb8;
	[tilespmem:$0xD000] =	vst v63  }
0x4d: {  	s29 =	simm.s32 $0x7A80  }
0x4e: {  	[spmem:s3] =	stream.indirect.scatter.add.f32 [tilespmem:s17], [sflag:$0x2], $0x10, s29, s16, $0xb8;
	[tilespmem:$0xD000] =	vst v63  }
0x4f: {  	_ =	swait.ge [sflag:s26], $0x800  }
0x50: {  	[sflag:s26] =	ssyncset.done $0x0  }
0x51: {  	[sflag:s26] =	ssyncadd.s32 $0xFFFFF800  }
0x52: {  	_ =	swait.ge [sflag:s26], $0x800  }
0x53: {  	[sflag:s26] =	ssyncset.done $0x0  }
0x54: {  	s29 =	simm.s32 $0x5300;
	[sflag:s26] =	ssyncadd.s32 $0xFFFFF800  }
0x55: {  	[spmem:s2] =	stream.indirect.scatter.add.f32 [tilespmem:s17], [sflag:$0x3], $0x10, s29, s16, $0xb8;
	[tilespmem:$0xD000] =	vst v63  }
0x56: {  	s29 =	simm.s32 $0x7B00  }
0x57: {  	[spmem:s3] =	stream.indirect.scatter.add.f32 [tilespmem:s17], [sflag:$0x3], $0x10, s29, s16, $0xb8;
	[tilespmem:$0xD000] =	vst v63  }
0x58: {  	_ =	swait.ge [sflag:s28], $0x800  }
0x59: {  	[sflag:s28] =	ssyncset.done $0x0  }
0x5a: {  	[sflag:s28] =	ssyncadd.s32 $0xFFFFF800  }
0x5b: {  	_ =	swait.ge [sflag:s28], $0x800  }
0x5c: {  	[sflag:s28] =	ssyncset.done $0x0  }
0x5d: {  	s29 =	simm.s32 $0x5380;
	[sflag:s28] =	ssyncadd.s32 $0xFFFFF800  }
0x5e: {  	[spmem:s2] =	stream.indirect.scatter.add.f32 [tilespmem:s17], [sflag:$0x4], $0x10, s29, s16, $0xb8;
	[tilespmem:$0xD000] =	vst v63  }
0x5f: {  	s30 =	simm.s32 $0x7B80;
	s29 =	simm.s32 $0x800  }
.LBB2_6:
0x60: {  	[spmem:s3] =	stream.indirect.scatter.add.f32 [tilespmem:s17], [sflag:$0x4], $0x10, s30, s16, $0xb8;
	[tilespmem:$0xD000] =	vst v63  }
0x61: {  	s30 =	smov.u32 s29  }
0x62: {  	p0 =	sne.s32 s29, $0x9000;
	s29 =	sadd.s32 $0x800, s29;
	_ =	swait.ge [sflag:s24], $0x800  }
0x63: {  	[sflag:s24] =	ssyncset.done $0x0  }
0x64: {  	[sflag:s24] =	ssyncadd.s32 $0xFFFFF800  }
0x65: {  	_ =	swait.ge [sflag:s24], $0x800  }
0x66: {  	s30 =	sshra.s32 s30, $0x2;
	[sflag:s24] =	ssyncset.done $0x0  }
0x67: {  	s31 =	sadd.s32 $0x5200, s30;
	[sflag:s24] =	ssyncadd.s32 $0xFFFFF800  }
0x68: {  	[spmem:s2] =	stream.indirect.scatter.add.f32 [tilespmem:s17], [sflag:$0x1], $0x10, s31, s16, $0xb8;
	[tilespmem:$0xD000] =	vst v63  }
0x69: {  	s31 =	sadd.s32 $0x7A00, s30  }
0x6a: {  	[spmem:s3] =	stream.indirect.scatter.add.f32 [tilespmem:s17], [sflag:$0x1], $0x10, s31, s16, $0xb8;
	[tilespmem:$0xD000] =	vst v63  }
0x6b: {  	_ =	swait.ge [sflag:s25], $0x800  }
0x6c: {  	[sflag:s25] =	ssyncset.done $0x0  }
0x6d: {  	[sflag:s25] =	ssyncadd.s32 $0xFFFFF800  }
0x6e: {  	_ =	swait.ge [sflag:s25], $0x800  }
0x6f: {  	[sflag:s25] =	ssyncset.done $0x0  }
0x70: {  	s31 =	sadd.s32 $0x5280, s30;
	[sflag:s25] =	ssyncadd.s32 $0xFFFFF800  }
0x71: {  	[spmem:s2] =	stream.indirect.scatter.add.f32 [tilespmem:s17], [sflag:$0x2], $0x10, s31, s16, $0xb8;
	[tilespmem:$0xD000] =	vst v63  }
0x72: {  	s31 =	sadd.s32 $0x7A80, s30  }
0x73: {  	[spmem:s3] =	stream.indirect.scatter.add.f32 [tilespmem:s17], [sflag:$0x2], $0x10, s31, s16, $0xb8;
	[tilespmem:$0xD000] =	vst v63  }
0x74: {  	_ =	swait.ge [sflag:s26], $0x800  }
0x75: {  	[sflag:s26] =	ssyncset.done $0x0  }
0x76: {  	[sflag:s26] =	ssyncadd.s32 $0xFFFFF800  }
0x77: {  	_ =	swait.ge [sflag:s26], $0x800  }
0x78: {  	[sflag:s26] =	ssyncset.done $0x0  }
0x79: {  	s31 =	sadd.s32 $0x5300, s30;
	[sflag:s26] =	ssyncadd.s32 $0xFFFFF800  }
0x7a: {  	[spmem:s2] =	stream.indirect.scatter.add.f32 [tilespmem:s17], [sflag:$0x3], $0x10, s31, s16, $0xb8;
	[tilespmem:$0xD000] =	vst v63  }
0x7b: {  	s31 =	sadd.s32 $0x7B00, s30  }
0x7c: {  	[spmem:s3] =	stream.indirect.scatter.add.f32 [tilespmem:s17], [sflag:$0x3], $0x10, s31, s16, $0xb8;
	[tilespmem:$0xD000] =	vst v63  }
0x7d: {  	_ =	swait.ge [sflag:s28], $0x800  }
0x7e: {  	[sflag:s28] =	ssyncset.done $0x0  }
0x7f: {  	[sflag:s28] =	ssyncadd.s32 $0xFFFFF800  }
.Ltmp2:
0x80: {  	_ =	swait.ge [sflag:s28], $0x800;
	(pc) =	sbr.rel @p0 .LBB2_6-.Ltmp2, $4  }
0x81: {  	[sflag:s28] =	ssyncset.done $0x0  }
0x82: {  	s31 =	sadd.s32 $0x5380, s30;
	[sflag:s28] =	ssyncadd.s32 $0xFFFFF800  }
0x83: {  	[spmem:s2] =	stream.indirect.scatter.add.f32 [tilespmem:s17], [sflag:$0x4], $0x10, s31, s16, $0xb8;
	[tilespmem:$0xD000] =	vst v63  }
0x84: {  	s30 =	sadd.s32 $0x7B80, s30  }
0x85: {  	[spmem:s3] =	stream.indirect.scatter.add.f32 [tilespmem:s17], [sflag:$0x4], $0x10, s30, s16, $0xb8;
	[tilespmem:$0xD000] =	vst v63  }
0x86: {  	_ =	swait.ge [sflag:s24], $0x800  }
0x87: {  	[sflag:s24] =	ssyncset.done $0x0  }
0x88: {  	[sflag:s24] =	ssyncadd.s32 $0xFFFFF800  }
0x89: {  	_ =	swait.ge [sflag:s24], $0x800  }
0x8a: {  	[sflag:s24] =	ssyncset.done $0x0  }
0x8b: {  	[sflag:s24] =	ssyncadd.s32 $0xFFFFF800  }
0x8c: {  	_ =	swait.ge [sflag:s25], $0x800  }
0x8d: {  	[sflag:s25] =	ssyncset.done $0x0  }
0x8e: {  	[sflag:s25] =	ssyncadd.s32 $0xFFFFF800  }
0x8f: {  	_ =	swait.ge [sflag:s25], $0x800  }
0x90: {  	[sflag:s25] =	ssyncset.done $0x0  }
0x91: {  	[sflag:s25] =	ssyncadd.s32 $0xFFFFF800  }
0x92: {  	_ =	swait.ge [sflag:s26], $0x800  }
0x93: {  	[sflag:s26] =	ssyncset.done $0x0  }
0x94: {  	[sflag:s26] =	ssyncadd.s32 $0xFFFFF800  }
0x95: {  	_ =	swait.ge [sflag:s26], $0x800  }
0x96: {  	[sflag:s26] =	ssyncset.done $0x0  }
0x97: {  	[sflag:s26] =	ssyncadd.s32 $0xFFFFF800  }
0x98: {  	_ =	swait.ge [sflag:s28], $0x800  }
0x99: {  	[sflag:s28] =	ssyncset.done $0x0  }
0x9a: {  	[sflag:s28] =	ssyncadd.s32 $0xFFFFF800  }
0x9b: {  	_ =	swait.ge [sflag:s28], $0x800  }
0x9c: {  	[sflag:s28] =	ssyncset.done $0x0  }
0x9d: {  	s29 =	sshll.u32 s0, $0x6;
	[sflag:s28] =	ssyncadd.s32 $0xFFFFF800  }
0x9e: {  	s31 =	sshrl.u32 s7, $0x3;
	s29 =	sor.u32 $0x1C05, s29;
	[bflag:$0x0] =	sbarrier.arrive $0xFFFF  }
0x9f: {  	[hbm:s9], [sflag:s29] =	dma.local [spmem:s31], $0x500  }
0xa0: {  	s4 =	sadd.s32 $0x1, s4;
	_ =	swait.ge [sflag:s13], $0x500  }
0xa1: {  	p0 =	sne.s32 s4, s11;
	[sflag:s13] =	ssyncset.done $0x0  }
.Ltmp3:
0xa2: {  	s31 =	sshrl.u32 s8, $0x3;
	[sflag:s13] =	ssyncadd.s32 $0xFFFFFB00;
	(pc) =	sbr.rel @p0 .LBB2_1-.Ltmp3, $4  }
0xa3: {  	[hbm:s10], [sflag:s29] =	dma.local [spmem:s31], $0x500  }
0xa4: {  	_ =	swait.ge [sflag:s13], $0x500  }
0xa5: {  	[sflag:s13] =	ssyncset.done $0x0  }
0xa6: {  	[sflag:s13] =	ssyncadd.s32 $0xFFFFFB00  }
0xa7: {  	_ =	sfence.sel $0x180000  }
0xa8: {  	[bflag:$0x0] =	sbarrier.arrive $0xFFFF  }
0xa9: {  	p0 =	sne.s32 s0, $0x0;
	_ =	strace $0x90000047  }
0xaa: {  	s0 =	sadd.s32 @!p0 $0x100000, s1;
	[bflag:$0x2] =	sbarrier.arrive $0xFFFF  }
0xab: {  	[sflag:s0] =	ssyncadd.tile.s32 @!p0 $0x1;
	_ =	shalt  }
.Lfunc_end2:
_tile_overlayer_lowered:
.L_overlay_start_2:
0xac: {  	(tag) =	ssettag $0x2  }
0xad: {  	s0 =	rddreg [dreg:$0x0];
	s2 =	stileid.u32  }
0xae: {  	s1 =	rddreg [dreg:$0x1];
	p0 =	sne.s32 s2, $0x0  }
0xaf: {  	s3 =	rddreg [dreg:$0x2];
	[bflag:$0x3] =	sbarrier.arrive $0xFFFF;
	s2 =	simm.s32 @!p0 $0x1C05  }
0xb0: {  	[timem:s3], [sflag:s2] =	dma.local @!p0 [hbm:s0], s1  }
0xb1: {  	s0 =	simm.s32 @!p0 $0x5  }
0xb2: {  	_ =	swait.ge @!p0 [sflag:s0], s1  }
0xb3: {  	s1 =	ssub.s32 @!p0 $0x0, s1;
	[sflag:s0] =	ssyncset.done @!p0 $0x0  }
0xb4: {  	[sflag:s0] =	ssyncadd.s32 @!p0 s1  }
0xb5: {  	[bflag:$0x3] =	sbarrier.arrive $0xFFFF  }
0xb6: {  	_ =	shalt  }

</sc_bundles>
